<compile_context>
chip_gen: v7x
topology: tpu7x:2x2x1
jax: 0.10.2.dev20260603
libtpu: 0.0.44.dev20260713+nightly
codegen_flags: <defaults>
</compile_context>

<pallas_src>
import functools

import jax
import jax.numpy as jnp
from jax import lax
from jax.experimental import pallas as pl
from jax.experimental.pallas import tpu as pltpu
from jax.experimental.pallas import tpu_sc as plsc

N_NODES = 10000
N_EDGES = 320000
D = 128

NC = 2
NS = 16
NW = NC * NS
EPT = N_EDGES // NW

CH_D = 125
NCH_D = EPT // CH_D

CH_A = 125
NCH_A = EPT // CH_A

ROWS_PT = N_NODES // NS


@functools.cache
def _sc_kernels():
    mesh = plsc.VectorSubcoreMesh(
        core_axis_name="c", subcore_axis_name="s", num_cores=NC,
        num_subcores=NS
    )

    @functools.partial(
        pl.kernel,
        out_type=jax.ShapeDtypeStruct((NC, 2, N_NODES), jnp.float32),
        mesh=mesh,
        scratch_types=[
            pltpu.VMEM((NCH_D, CH_D), jnp.int32),
            pltpu.VMEM((NCH_D, CH_D), jnp.int32),
            pltpu.VMEM((CH_D,), jnp.float32),
            pltpu.VMEM_SHARED((N_NODES,), jnp.float32),
            pltpu.VMEM_SHARED((N_NODES,), jnp.float32),
            pltpu.SemaphoreType.DMA,
            pltpu.SemaphoreType.DMA,
        ],
    )
    def deg_kernel(src_h, dst_h, z1d_h, ones_h, out_h, sidx_v, didx_v,
                   ones_v, dego_sh, degi_sh, sema, semb):
        c = lax.axis_index("c")
        s = lax.axis_index("s")
        wid = c * NS + s

        @pl.when(s == 0)
        def _zero():
            pltpu.sync_copy(z1d_h, dego_sh)
            pltpu.sync_copy(z1d_h, degi_sh)

        pltpu.sync_copy(src_h.at[wid], sidx_v)
        pltpu.sync_copy(dst_h.at[wid], didx_v)
        pltpu.sync_copy(ones_h, ones_v)
        plsc.subcore_barrier()

        def issue(i):
            pltpu.async_copy(ones_v, dego_sh.at[sidx_v.at[i]], sema,
                             add=True)
            pltpu.async_copy(ones_v, degi_sh.at[didx_v.at[i]], semb,
                             add=True)

        def drain(i):
            pltpu.make_async_copy(ones_v, dego_sh.at[sidx_v.at[i]],
                                  sema).wait()
            pltpu.make_async_copy(ones_v, degi_sh.at[didx_v.at[i]],
                                  semb).wait()

        issue(0)
        issue(1)

        def body(i, carry):
            issue(i)
            drain(i - 2)
            return carry

        lax.fori_loop(2, NCH_D, body, 0)
        drain(NCH_D - 2)
        drain(NCH_D - 1)
        plsc.subcore_barrier()

        @pl.when(s == 0)
        def _writeout():
            pltpu.sync_copy(dego_sh, out_h.at[c, 0])
            pltpu.sync_copy(degi_sh, out_h.at[c, 1])

    @functools.partial(
        pl.kernel,
        out_type=jax.ShapeDtypeStruct((NC, NS, ROWS_PT, D), jnp.float32),
        mesh=mesh,
        scratch_types=[
            pltpu.VMEM((NCH_A, CH_A), jnp.int32),
            pltpu.VMEM((CH_A,), jnp.int32),
            pltpu.VMEM((CH_A,), jnp.int32),
            pltpu.VMEM((CH_A, D), jnp.float32),
            pltpu.VMEM((CH_A, D), jnp.float32),
            pltpu.VMEM_SHARED((N_NODES, D), jnp.float32),
            pltpu.SemaphoreType.DMA,
            pltpu.SemaphoreType.DMA,
            pltpu.SemaphoreType.DMA,
            pltpu.SemaphoreType.DMA,
            pltpu.SemaphoreType.DMA,
            pltpu.SemaphoreType.DMA,
        ],
    )
    def agg_kernel(m_h, src_h, dst_h, z2d_h, out_h, sidx_v, didx0, didx1,
                   rows0, rows1, acc_sh, sg0, sg1, ss0, ss1, sd0, sd1):
        c = lax.axis_index("c")
        s = lax.axis_index("s")
        wid = c * NS + s
        rows = (rows0, rows1)
        didx = (didx0, didx1)
        semg = (sg0, sg1)
        sems = (ss0, ss1)
        semd = (sd0, sd1)

        def g_issue(i, b):
            pltpu.async_copy(m_h.at[sidx_v.at[i]], rows[b], semg[b])

        def g_wait(i, b):
            pltpu.make_async_copy(m_h.at[sidx_v.at[i]], rows[b],
                                  semg[b]).wait()

        def s_issue(i, b):
            pltpu.async_copy(rows[b], acc_sh.at[didx[b]], sems[b],
                             add=True)

        def s_wait(i, b):
            pltpu.make_async_copy(rows[b], acc_sh.at[didx[b]],
                                  sems[b]).wait()

        def d_issue(i, b):
            pltpu.async_copy(dst_h.at[wid, i], didx[b], semd[b])

        def d_wait(i, b):
            pltpu.make_async_copy(dst_h.at[wid, i], didx[b], semd[b]).wait()

        pltpu.sync_copy(src_h.at[wid], sidx_v)
        d_issue(0, 0)
        g_issue(0, 0)
        d_issue(1, 1)
        pltpu.sync_copy(z2d_h, acc_sh.at[pl.ds(s * ROWS_PT, ROWS_PT)])
        plsc.subcore_barrier()

        g_wait(0, 0)
        d_wait(0, 0)
        s_issue(0, 0)
        g_issue(1, 1)

        def visit(i, b):
            g_wait(i, b)
            d_wait(i, b)
            s_issue(i, b)
            s_wait(i - 1, 1 - b)
            d_issue(i + 1, 1 - b)
            g_issue(i + 1, 1 - b)

        def body(g, carry):
            visit(2 * g + 1, 1)
            visit(2 * g + 2, 0)
            return carry

        lax.fori_loop(0, (NCH_A - 3) // 2, body, 0)
        visit(NCH_A - 3, (NCH_A - 3) % 2)
        visit(NCH_A - 2, (NCH_A - 2) % 2)
        bl = (NCH_A - 1) % 2
        g_wait(NCH_A - 1, bl)
        d_wait(NCH_A - 1, bl)
        s_issue(NCH_A - 1, bl)
        s_wait(NCH_A - 2, 1 - bl)
        s_wait(NCH_A - 1, bl)
        plsc.subcore_barrier()

        pltpu.sync_copy(acc_sh.at[pl.ds(s * ROWS_PT, ROWS_PT)],
                        out_h.at[c, s])

    return deg_kernel, agg_kernel


_RB = 1000
_NRB = N_NODES // _RB


def _prep_body(h_ref, degt_ref, m_ref, ns_ref, nd_ref):
    d = degt_ref[...]
    deg_out = d[:, 0:1] + d[:, 2:3]
    deg_in = d[:, 1:2] + d[:, 3:4]
    ns = lax.rsqrt(jnp.maximum(deg_out, 1.0))
    nd = lax.rsqrt(jnp.maximum(deg_in, 1.0))
    ns_ref[...] = ns
    nd_ref[...] = nd
    m_ref[...] = h_ref[...] * ns


_prep_call = pl.pallas_call(
    _prep_body,
    grid=(_NRB,),
    in_specs=[
        pl.BlockSpec((_RB, D), lambda i: (i, 0)),
        pl.BlockSpec((_RB, 4), lambda i: (i, 0)),
    ],
    out_specs=[
        pl.BlockSpec((_RB, D), lambda i: (i, 0)),
        pl.BlockSpec((_RB, 1), lambda i: (i, 0)),
        pl.BlockSpec((_RB, 1), lambda i: (i, 0)),
    ],
    out_shape=[
        jax.ShapeDtypeStruct((N_NODES, D), jnp.float32),
        jax.ShapeDtypeStruct((N_NODES, 1), jnp.float32),
        jax.ShapeDtypeStruct((N_NODES, 1), jnp.float32),
    ],
)


def _silu(y):
    return y * (1.0 / (1.0 + jnp.exp(-y)))


def _layer_body(p_ref, nd_ref, ns_ref, w_ref, b_ref, m_ref):
    p = p_ref[...]
    agg = (p[0] + p[1]) * nd_ref[...]
    y = jnp.dot(agg, w_ref[...], preferred_element_type=jnp.float32)
    y = y + b_ref[...]
    m_ref[...] = _silu(y) * ns_ref[...]


_layer_call = pl.pallas_call(
    _layer_body,
    grid=(_NRB,),
    in_specs=[
        pl.BlockSpec((NC, _RB, D), lambda i: (0, i, 0)),
        pl.BlockSpec((_RB, 1), lambda i: (i, 0)),
        pl.BlockSpec((_RB, 1), lambda i: (i, 0)),
        pl.BlockSpec((D, D), lambda i: (0, 0)),
        pl.BlockSpec((1, D), lambda i: (0, 0)),
    ],
    out_specs=pl.BlockSpec((_RB, D), lambda i: (i, 0)),
    out_shape=jax.ShapeDtypeStruct((N_NODES, D), jnp.float32),
)


def _final_body(p_ref, nd_ref, w_ref, b_ref, out_ref):
    i = pl.program_id(0)
    p = p_ref[...]
    agg = (p[0] + p[1]) * nd_ref[...]
    y = jnp.dot(agg, w_ref[...], preferred_element_type=jnp.float32)
    y = _silu(y + b_ref[...])
    part = jnp.sum(y, axis=0, keepdims=True) * (1.0 / N_NODES)

    @pl.when(i == 0)
    def _init():
        out_ref[...] = part

    @pl.when(i > 0)
    def _acc():
        out_ref[...] += part


_final_call = pl.pallas_call(
    _final_body,
    grid=(_NRB,),
    in_specs=[
        pl.BlockSpec((NC, _RB, D), lambda i: (0, i, 0)),
        pl.BlockSpec((_RB, 1), lambda i: (i, 0)),
        pl.BlockSpec((D, D), lambda i: (0, 0)),
        pl.BlockSpec((1, D), lambda i: (0, 0)),
    ],
    out_specs=pl.BlockSpec((1, D), lambda i: (0, 0)),
    out_shape=jax.ShapeDtypeStruct((1, D), jnp.float32),
)


def kernel(h, edge_index, W1, b1, W2, b2, W3, b3):
    src = edge_index[0].astype(jnp.int32)
    dst = edge_index[1].astype(jnp.int32)
    src_d = src.reshape(NW, NCH_D, CH_D)
    dst_d = dst.reshape(NW, NCH_D, CH_D)

    src_a = src.reshape(NW, NCH_A, CH_A)
    dst_a = dst.reshape(NW, NCH_A, CH_A)
    z1d = jnp.zeros((N_NODES,), jnp.float32)
    z2d = jnp.zeros((ROWS_PT, D), jnp.float32)
    ones = jnp.ones((CH_D,), jnp.float32)

    _deg_kernel, _agg_kernel = _sc_kernels()
    deg = _deg_kernel(src_d, dst_d, z1d, ones)
    degt = jnp.transpose(deg.reshape(NC * 2, N_NODES))

    m, ns, nd = _prep_call(h, degt)

    for (W, b) in ((W1, b1), (W2, b2)):
        p = _agg_kernel(m, src_a, dst_a, z2d)
        p = p.reshape(NC, N_NODES, D)
        m = _layer_call(p, nd, ns, W, b.reshape(1, D))

    p = _agg_kernel(m, src_a, dst_a, z2d)
    p = p.reshape(NC, N_NODES, D)
    return _final_call(p, nd, W3, b3.reshape(1, D))

# --- scband reference (transcript-rebuilt; emitter-appended) ---
"""Pipeline reference for scband-sequential-10883447128389 (READ-ONLY COPY).

The authoritative reference and input builder live on the scoring server;
editing this copy changes nothing except your own understanding.
"""

import jax, jax.numpy as jnp
import numpy as np

N_NODES = 10000
N_EDGES = 320000
D = 128

def setup_inputs(seed: int = 0) -> dict:
    key = jax.random.key(seed)
    ks = jax.random.split(key, 10)
    h = jax.random.normal(ks[0], (N_NODES, D), dtype=jnp.float32)
    edge_index = jax.random.randint(ks[1], (2, N_EDGES), 0, N_NODES, dtype=jnp.int64)
    scale = 1.0 / np.sqrt(D)
    W1 = jax.random.uniform(ks[2], (D, D), jnp.float32, -scale, scale)
    b1 = jnp.zeros((D,), jnp.float32)
    W2 = jax.random.uniform(ks[3], (D, D), jnp.float32, -scale, scale)
    b2 = jnp.zeros((D,), jnp.float32)
    W3 = jax.random.uniform(ks[4], (D, D), jnp.float32, -scale, scale)
    b3 = jnp.zeros((D,), jnp.float32)
    return {"h": h, "edge_index": edge_index, "W1": W1, "b1": b1, "W2": W2, "b2": b2, "W3": W3, "b3": b3}


def _graph_conv(h, src, dst, norm_src, norm_dst, W, b):
    # DGL GraphConv with norm='both': D_out^{-1/2} A D_in^{-1/2} X W + b
    m = h * norm_src[:, None]
    agg = jax.ops.segment_sum(m[src], dst, num_segments=N_NODES)
    agg = agg * norm_dst[:, None]
    return agg @ W + b


def reference(h, edge_index, W1, b1, W2, b2, W3, b3):
    src = edge_index[0]
    dst = edge_index[1]
    ones = jnp.ones((src.shape[0],), jnp.float32)
    deg_out = jax.ops.segment_sum(ones, src, num_segments=N_NODES)
    deg_in = jax.ops.segment_sum(ones, dst, num_segments=N_NODES)
    norm_src = jnp.clip(deg_out, 1.0, None) ** -0.5
    norm_dst = jnp.clip(deg_in, 1.0, None) ** -0.5
    x = h
    for (W, b) in ((W1, b1), (W2, b2), (W3, b3)):
        x = _graph_conv(x, src, dst, norm_src, norm_dst, W, b)
        x = jax.nn.silu(x)
    # dgl.nn.AvgPooling over a single graph -> mean over all nodes, shape [1, D]
    pooled = jnp.mean(x, axis=0, keepdims=True)
    return pooled

if __name__ == "__main__":
    import jax
    _d = setup_inputs()
    print(jax.jit(kernel)(*tuple(_d.values())))

</pallas_src>

<mosaic_0001>
#map = affine_map<(d0, d1) -> (0, 0, 0)>
#map1 = affine_map<(d0, d1) -> (0)>
module attributes {stable_mosaic.version = 14 : i64} {
  func.func @deg_kernel(%arg0: i32, %arg1: i32, %arg2: memref<32x80x125xi32, #tpu.memory_space<hbm>>, %arg3: memref<32x80x125xi32, #tpu.memory_space<hbm>>, %arg4: memref<10000xf32, #tpu.memory_space<hbm>>, %arg5: memref<125xf32, #tpu.memory_space<hbm>>, %arg6: memref<2x2x10000xf32, #tpu.memory_space<hbm>>, %arg7: memref<80x125xi32, #tpu.memory_space<vmem>>, %arg8: memref<80x125xi32, #tpu.memory_space<vmem>>, %arg9: memref<125xf32, #tpu.memory_space<vmem>>, %arg10: memref<10000xf32, #tpu.memory_space<vmem_shared>>, %arg11: memref<10000xf32, #tpu.memory_space<vmem_shared>>, %arg12: memref<!tpu.dma_semaphore, #tpu.memory_space<semaphore_mem>>, %arg13: memref<!tpu.dma_semaphore, #tpu.memory_space<semaphore_mem>>) attributes {dimension_semantics = [#tpu.dimension_semantics<core_parallel>, #tpu.dimension_semantics<subcore_parallel>], iteration_bounds = array<i64: 2, 16>, scalar_prefetch = 0 : i64, scratch_operands = 7 : i64, tpu.core_type = #tpu.core_type<sc_vector_subcore>, window_params = [{transform_indices = #map}, {transform_indices = #map}, {transform_indices = #map1}, {transform_indices = #map1}, {transform_indices = #map}]} {
    %mul3A = arith.constant 16 : i32
    %mul3A_0 = arith.muli %arg0, %mul3A : i32
    %add3A = arith.addi %mul3A_0, %arg1 : i32
    %eq3A = arith.constant 0 : i32
    %eq3A_1 = arith.cmpi eq, %arg1, %eq3A : i32
    %convert_element_type3A = arith.extui %eq3A_1 : i1 to i32
    %cond3A = arith.constant 0 : i32
    %cond3A_2 = arith.cmpi ne, %convert_element_type3A, %cond3A : i32
    scf.if %cond3A_2 {
      "tpu.region"() ({
        %run_scoped3A = tpu.sem_alloc : memref<!tpu.dma_semaphore, #tpu.memory_space<semaphore_mem>>
        tpu.enqueue_dma source(%arg4 : memref<10000xf32, #tpu.memory_space<hbm>>) target(%arg10 : memref<10000xf32, #tpu.memory_space<vmem_shared>>) target_semaphore(%run_scoped3A : memref<!tpu.dma_semaphore, #tpu.memory_space<semaphore_mem>>)
        tpu.wait_dma2 semaphore(%run_scoped3A : memref<!tpu.dma_semaphore, #tpu.memory_space<semaphore_mem>>) src(%arg4 : memref<10000xf32, #tpu.memory_space<hbm>>) dst(%arg10 : memref<10000xf32, #tpu.memory_space<vmem_shared>>)
        tpu.yield
      }) : () -> ()
      "tpu.region"() ({
        %run_scoped3A = tpu.sem_alloc : memref<!tpu.dma_semaphore, #tpu.memory_space<semaphore_mem>>
        tpu.enqueue_dma source(%arg4 : memref<10000xf32, #tpu.memory_space<hbm>>) target(%arg11 : memref<10000xf32, #tpu.memory_space<vmem_shared>>) target_semaphore(%run_scoped3A : memref<!tpu.dma_semaphore, #tpu.memory_space<semaphore_mem>>)
        tpu.wait_dma2 semaphore(%run_scoped3A : memref<!tpu.dma_semaphore, #tpu.memory_space<semaphore_mem>>) src(%arg4 : memref<10000xf32, #tpu.memory_space<hbm>>) dst(%arg11 : memref<10000xf32, #tpu.memory_space<vmem_shared>>)
        tpu.yield
      }) : () -> ()
    } else {
    }
    "tpu.region"() ({
      %run_scoped3A = tpu.sem_alloc : memref<!tpu.dma_semaphore, #tpu.memory_space<semaphore_mem>>
      %dma_start3A_60 = arith.constant 0 : i32
      %dma_start3A_61 = arith.constant 0 : i32
      %dma_start3A_62 = tpu.memref_slice %arg2[%add3A, %dma_start3A_60, %dma_start3A_61] : memref<32x80x125xi32, #tpu.memory_space<hbm>> -> memref<1x80x125xi32, #tpu.memory_space<hbm>>
      %dma_start3A_63 = tpu.memref_squeeze %dma_start3A_62 : memref<1x80x125xi32, #tpu.memory_space<hbm>> -> memref<80x125xi32, #tpu.memory_space<hbm>>
      %dma_start3A_64 = arith.constant 0 : i32
      %dma_start3A_65 = arith.constant 0 : i32
      %dma_start3A_66 = tpu.memref_slice %arg2[%add3A, %dma_start3A_64, %dma_start3A_65] : memref<32x80x125xi32, #tpu.memory_space<hbm>> -> memref<1x80x125xi32, #tpu.memory_space<hbm>>
      %dma_start3A_67 = tpu.memref_squeeze %dma_start3A_66 : memref<1x80x125xi32, #tpu.memory_space<hbm>> -> memref<80x125xi32, #tpu.memory_space<hbm>>
      tpu.enqueue_dma source(%dma_start3A_67 : memref<80x125xi32, #tpu.memory_space<hbm>>) target(%arg7 : memref<80x125xi32, #tpu.memory_space<vmem>>) target_semaphore(%run_scoped3A : memref<!tpu.dma_semaphore, #tpu.memory_space<semaphore_mem>>)
      %dma_wait3A_68 = arith.constant 0 : i32
      %dma_wait3A_69 = arith.constant 0 : i32
      %dma_wait3A_70 = tpu.memref_slice %arg2[%add3A, %dma_wait3A_68, %dma_wait3A_69] : memref<32x80x125xi32, #tpu.memory_space<hbm>> -> memref<1x80x125xi32, #tpu.memory_space<hbm>>
      %dma_wait3A_71 = tpu.memref_squeeze %dma_wait3A_70 : memref<1x80x125xi32, #tpu.memory_space<hbm>> -> memref<80x125xi32, #tpu.memory_space<hbm>>
      %dma_wait3A_72 = arith.constant 0 : i32
      %dma_wait3A_73 = arith.constant 0 : i32
      %dma_wait3A_74 = tpu.memref_slice %arg2[%add3A, %dma_wait3A_72, %dma_wait3A_73] : memref<32x80x125xi32, #tpu.memory_space<hbm>> -> memref<1x80x125xi32, #tpu.memory_space<hbm>>
      %dma_wait3A_75 = tpu.memref_squeeze %dma_wait3A_74 : memref<1x80x125xi32, #tpu.memory_space<hbm>> -> memref<80x125xi32, #tpu.memory_space<hbm>>
      tpu.wait_dma2 semaphore(%run_scoped3A : memref<!tpu.dma_semaphore, #tpu.memory_space<semaphore_mem>>) src(%dma_wait3A_75 : memref<80x125xi32, #tpu.memory_space<hbm>>) dst(%arg7 : memref<80x125xi32, #tpu.memory_space<vmem>>)
      tpu.yield
    }) : () -> ()
    "tpu.region"() ({
      %run_scoped3A = tpu.sem_alloc : memref<!tpu.dma_semaphore, #tpu.memory_space<semaphore_mem>>
      %dma_start3A_60 = arith.constant 0 : i32
      %dma_start3A_61 = arith.constant 0 : i32
      %dma_start3A_62 = tpu.memref_slice %arg3[%add3A, %dma_start3A_60, %dma_start3A_61] : memref<32x80x125xi32, #tpu.memory_space<hbm>> -> memref<1x80x125xi32, #tpu.memory_space<hbm>>
      %dma_start3A_63 = tpu.memref_squeeze %dma_start3A_62 : memref<1x80x125xi32, #tpu.memory_space<hbm>> -> memref<80x125xi32, #tpu.memory_space<hbm>>
      %dma_start3A_64 = arith.constant 0 : i32
      %dma_start3A_65 = arith.constant 0 : i32
      %dma_start3A_66 = tpu.memref_slice %arg3[%add3A, %dma_start3A_64, %dma_start3A_65] : memref<32x80x125xi32, #tpu.memory_space<hbm>> -> memref<1x80x125xi32, #tpu.memory_space<hbm>>
      %dma_start3A_67 = tpu.memref_squeeze %dma_start3A_66 : memref<1x80x125xi32, #tpu.memory_space<hbm>> -> memref<80x125xi32, #tpu.memory_space<hbm>>
      tpu.enqueue_dma source(%dma_start3A_67 : memref<80x125xi32, #tpu.memory_space<hbm>>) target(%arg8 : memref<80x125xi32, #tpu.memory_space<vmem>>) target_semaphore(%run_scoped3A : memref<!tpu.dma_semaphore, #tpu.memory_space<semaphore_mem>>)
      %dma_wait3A_68 = arith.constant 0 : i32
      %dma_wait3A_69 = arith.constant 0 : i32
      %dma_wait3A_70 = tpu.memref_slice %arg3[%add3A, %dma_wait3A_68, %dma_wait3A_69] : memref<32x80x125xi32, #tpu.memory_space<hbm>> -> memref<1x80x125xi32, #tpu.memory_space<hbm>>
      %dma_wait3A_71 = tpu.memref_squeeze %dma_wait3A_70 : memref<1x80x125xi32, #tpu.memory_space<hbm>> -> memref<80x125xi32, #tpu.memory_space<hbm>>
      %dma_wait3A_72 = arith.constant 0 : i32
      %dma_wait3A_73 = arith.constant 0 : i32
      %dma_wait3A_74 = tpu.memref_slice %arg3[%add3A, %dma_wait3A_72, %dma_wait3A_73] : memref<32x80x125xi32, #tpu.memory_space<hbm>> -> memref<1x80x125xi32, #tpu.memory_space<hbm>>
      %dma_wait3A_75 = tpu.memref_squeeze %dma_wait3A_74 : memref<1x80x125xi32, #tpu.memory_space<hbm>> -> memref<80x125xi32, #tpu.memory_space<hbm>>
      tpu.wait_dma2 semaphore(%run_scoped3A : memref<!tpu.dma_semaphore, #tpu.memory_space<semaphore_mem>>) src(%dma_wait3A_75 : memref<80x125xi32, #tpu.memory_space<hbm>>) dst(%arg8 : memref<80x125xi32, #tpu.memory_space<vmem>>)
      tpu.yield
    }) : () -> ()
    "tpu.region"() ({
      %run_scoped3A = tpu.sem_alloc : memref<!tpu.dma_semaphore, #tpu.memory_space<semaphore_mem>>
      tpu.enqueue_dma source(%arg5 : memref<125xf32, #tpu.memory_space<hbm>>) target(%arg9 : memref<125xf32, #tpu.memory_space<vmem>>) target_semaphore(%run_scoped3A : memref<!tpu.dma_semaphore, #tpu.memory_space<semaphore_mem>>)
      tpu.wait_dma2 semaphore(%run_scoped3A : memref<!tpu.dma_semaphore, #tpu.memory_space<semaphore_mem>>) src(%arg5 : memref<125xf32, #tpu.memory_space<hbm>>) dst(%arg9 : memref<125xf32, #tpu.memory_space<vmem>>)
      tpu.yield
    }) : () -> ()
    %barrier3A = arith.constant 0 : index
    tpu.barrier barrier_id(%barrier3A)
    %dma_start3A = arith.constant 0 : i32
    %dma_start3A_3 = arith.constant 0 : i32
    %dma_start3A_4 = tpu.memref_slice %arg7[%dma_start3A, %dma_start3A_3] : memref<80x125xi32, #tpu.memory_space<vmem>> -> memref<1x125xi32, #tpu.memory_space<vmem>>
    %dma_start3A_5 = tpu.memref_squeeze %dma_start3A_4 : memref<1x125xi32, #tpu.memory_space<vmem>> -> memref<125xi32, #tpu.memory_space<vmem>>
    %dma_start3A_6 = arith.constant 0 : i32
    %dma_start3A_7 = tpu.memref_slice %arg10[%dma_start3A_6] : memref<10000xf32, #tpu.memory_space<vmem_shared>> -> memref<10000xf32, #tpu.memory_space<vmem_shared>>
    tpu.enqueue_indirect_dma source(%arg9 : memref<125xf32, #tpu.memory_space<vmem>>) target(%dma_start3A_7 : memref<10000xf32, #tpu.memory_space<vmem_shared>>) offsets(%dma_start3A_5 : memref<125xi32, #tpu.memory_space<vmem>>) semaphore(%arg12 : memref<!tpu.dma_semaphore, #tpu.memory_space<semaphore_mem>>) {add = true}
    %dma_start3A_8 = arith.constant 0 : i32
    %dma_start3A_9 = arith.constant 0 : i32
    %dma_start3A_10 = tpu.memref_slice %arg8[%dma_start3A_8, %dma_start3A_9] : memref<80x125xi32, #tpu.memory_space<vmem>> -> memref<1x125xi32, #tpu.memory_space<vmem>>
    %dma_start3A_11 = tpu.memref_squeeze %dma_start3A_10 : memref<1x125xi32, #tpu.memory_space<vmem>> -> memref<125xi32, #tpu.memory_space<vmem>>
    %dma_start3A_12 = arith.constant 0 : i32
    %dma_start3A_13 = tpu.memref_slice %arg11[%dma_start3A_12] : memref<10000xf32, #tpu.memory_space<vmem_shared>> -> memref<10000xf32, #tpu.memory_space<vmem_shared>>
    tpu.enqueue_indirect_dma source(%arg9 : memref<125xf32, #tpu.memory_space<vmem>>) target(%dma_start3A_13 : memref<10000xf32, #tpu.memory_space<vmem_shared>>) offsets(%dma_start3A_11 : memref<125xi32, #tpu.memory_space<vmem>>) semaphore(%arg13 : memref<!tpu.dma_semaphore, #tpu.memory_space<semaphore_mem>>) {add = true}
    %dma_start3A_14 = arith.constant 1 : i32
    %dma_start3A_15 = arith.constant 0 : i32
    %dma_start3A_16 = tpu.memref_slice %arg7[%dma_start3A_14, %dma_start3A_15] : memref<80x125xi32, #tpu.memory_space<vmem>> -> memref<1x125xi32, #tpu.memory_space<vmem>>
    %dma_start3A_17 = tpu.memref_squeeze %dma_start3A_16 : memref<1x125xi32, #tpu.memory_space<vmem>> -> memref<125xi32, #tpu.memory_space<vmem>>
    %dma_start3A_18 = arith.constant 0 : i32
    %dma_start3A_19 = tpu.memref_slice %arg10[%dma_start3A_18] : memref<10000xf32, #tpu.memory_space<vmem_shared>> -> memref<10000xf32, #tpu.memory_space<vmem_shared>>
    tpu.enqueue_indirect_dma source(%arg9 : memref<125xf32, #tpu.memory_space<vmem>>) target(%dma_start3A_19 : memref<10000xf32, #tpu.memory_space<vmem_shared>>) offsets(%dma_start3A_17 : memref<125xi32, #tpu.memory_space<vmem>>) semaphore(%arg12 : memref<!tpu.dma_semaphore, #tpu.memory_space<semaphore_mem>>) {add = true}
    %dma_start3A_20 = arith.constant 1 : i32
    %dma_start3A_21 = arith.constant 0 : i32
    %dma_start3A_22 = tpu.memref_slice %arg8[%dma_start3A_20, %dma_start3A_21] : memref<80x125xi32, #tpu.memory_space<vmem>> -> memref<1x125xi32, #tpu.memory_space<vmem>>
    %dma_start3A_23 = tpu.memref_squeeze %dma_start3A_22 : memref<1x125xi32, #tpu.memory_space<vmem>> -> memref<125xi32, #tpu.memory_space<vmem>>
    %dma_start3A_24 = arith.constant 0 : i32
    %dma_start3A_25 = tpu.memref_slice %arg11[%dma_start3A_24] : memref<10000xf32, #tpu.memory_space<vmem_shared>> -> memref<10000xf32, #tpu.memory_space<vmem_shared>>
    tpu.enqueue_indirect_dma source(%arg9 : memref<125xf32, #tpu.memory_space<vmem>>) target(%dma_start3A_25 : memref<10000xf32, #tpu.memory_space<vmem_shared>>) offsets(%dma_start3A_23 : memref<125xi32, #tpu.memory_space<vmem>>) semaphore(%arg13 : memref<!tpu.dma_semaphore, #tpu.memory_space<semaphore_mem>>) {add = true}
    %scan3A = arith.constant 0 : i32
    %scan3A_26 = arith.constant 2 : i32
    %scan3A_27 = arith.constant 78 : i32
    %scan3A_28 = arith.addi %scan3A_26, %scan3A_27 : i32
    %scan3A_29 = arith.constant 1 : i32
    scf.for %scan3A_60 = %scan3A_26 to %scan3A_28 step %scan3A_29  : i32 {
      %dma_start3A_61 = arith.constant 0 : i32
      %dma_start3A_62 = tpu.memref_slice %arg7[%scan3A_60, %dma_start3A_61] : memref<80x125xi32, #tpu.memory_space<vmem>> -> memref<1x125xi32, #tpu.memory_space<vmem>>
      %dma_start3A_63 = tpu.memref_squeeze %dma_start3A_62 : memref<1x125xi32, #tpu.memory_space<vmem>> -> memref<125xi32, #tpu.memory_space<vmem>>
      %dma_start3A_64 = arith.constant 0 : i32
      %dma_start3A_65 = tpu.memref_slice %arg10[%dma_start3A_64] : memref<10000xf32, #tpu.memory_space<vmem_shared>> -> memref<10000xf32, #tpu.memory_space<vmem_shared>>
      tpu.enqueue_indirect_dma source(%arg9 : memref<125xf32, #tpu.memory_space<vmem>>) target(%dma_start3A_65 : memref<10000xf32, #tpu.memory_space<vmem_shared>>) offsets(%dma_start3A_63 : memref<125xi32, #tpu.memory_space<vmem>>) semaphore(%arg12 : memref<!tpu.dma_semaphore, #tpu.memory_space<semaphore_mem>>) {add = true}
      %dma_start3A_66 = arith.constant 0 : i32
      %dma_start3A_67 = tpu.memref_slice %arg8[%scan3A_60, %dma_start3A_66] : memref<80x125xi32, #tpu.memory_space<vmem>> -> memref<1x125xi32, #tpu.memory_space<vmem>>
      %dma_start3A_68 = tpu.memref_squeeze %dma_start3A_67 : memref<1x125xi32, #tpu.memory_space<vmem>> -> memref<125xi32, #tpu.memory_space<vmem>>
      %dma_start3A_69 = arith.constant 0 : i32
      %dma_start3A_70 = tpu.memref_slice %arg11[%dma_start3A_69] : memref<10000xf32, #tpu.memory_space<vmem_shared>> -> memref<10000xf32, #tpu.memory_space<vmem_shared>>
      tpu.enqueue_indirect_dma source(%arg9 : memref<125xf32, #tpu.memory_space<vmem>>) target(%dma_start3A_70 : memref<10000xf32, #tpu.memory_space<vmem_shared>>) offsets(%dma_start3A_68 : memref<125xi32, #tpu.memory_space<vmem>>) semaphore(%arg13 : memref<!tpu.dma_semaphore, #tpu.memory_space<semaphore_mem>>) {add = true}
      %sub3A = arith.constant 2 : i32
      %sub3A_71 = arith.subi %scan3A_60, %sub3A : i32
      %dma_wait3A_72 = arith.constant 0 : i32
      %dma_wait3A_73 = tpu.memref_slice %arg7[%sub3A_71, %dma_wait3A_72] : memref<80x125xi32, #tpu.memory_space<vmem>> -> memref<1x125xi32, #tpu.memory_space<vmem>>
      %dma_wait3A_74 = tpu.memref_squeeze %dma_wait3A_73 : memref<1x125xi32, #tpu.memory_space<vmem>> -> memref<125xi32, #tpu.memory_space<vmem>>
      %dma_wait3A_75 = arith.constant 0 : i32
      %dma_wait3A_76 = tpu.memref_slice %arg10[%dma_wait3A_75] : memref<10000xf32, #tpu.memory_space<vmem_shared>> -> memref<10000xf32, #tpu.memory_space<vmem_shared>>
      tpu.wait_indirect_dma semaphore(%arg12 : memref<!tpu.dma_semaphore, #tpu.memory_space<semaphore_mem>>) src(%arg9 : memref<125xf32, #tpu.memory_space<vmem>>) dst(%dma_wait3A_76 : memref<10000xf32, #tpu.memory_space<vmem_shared>>)
      %dma_wait3A_77 = arith.constant 0 : i32
      %dma_wait3A_78 = tpu.memref_slice %arg8[%sub3A_71, %dma_wait3A_77] : memref<80x125xi32, #tpu.memory_space<vmem>> -> memref<1x125xi32, #tpu.memory_space<vmem>>
      %dma_wait3A_79 = tpu.memref_squeeze %dma_wait3A_78 : memref<1x125xi32, #tpu.memory_space<vmem>> -> memref<125xi32, #tpu.memory_space<vmem>>
      %dma_wait3A_80 = arith.constant 0 : i32
      %dma_wait3A_81 = tpu.memref_slice %arg11[%dma_wait3A_80] : memref<10000xf32, #tpu.memory_space<vmem_shared>> -> memref<10000xf32, #tpu.memory_space<vmem_shared>>
      tpu.wait_indirect_dma semaphore(%arg13 : memref<!tpu.dma_semaphore, #tpu.memory_space<semaphore_mem>>) src(%arg9 : memref<125xf32, #tpu.memory_space<vmem>>) dst(%dma_wait3A_81 : memref<10000xf32, #tpu.memory_space<vmem_shared>>)
    }
    %scan3A_30 = arith.constant 78 : i32
    %dma_wait3A = arith.constant 78 : i32
    %dma_wait3A_31 = arith.constant 0 : i32
    %dma_wait3A_32 = tpu.memref_slice %arg7[%dma_wait3A, %dma_wait3A_31] : memref<80x125xi32, #tpu.memory_space<vmem>> -> memref<1x125xi32, #tpu.memory_space<vmem>>
    %dma_wait3A_33 = tpu.memref_squeeze %dma_wait3A_32 : memref<1x125xi32, #tpu.memory_space<vmem>> -> memref<125xi32, #tpu.memory_space<vmem>>
    %dma_wait3A_34 = arith.constant 0 : i32
    %dma_wait3A_35 = tpu.memref_slice %arg10[%dma_wait3A_34] : memref<10000xf32, #tpu.memory_space<vmem_shared>> -> memref<10000xf32, #tpu.memory_space<vmem_shared>>
    tpu.wait_indirect_dma semaphore(%arg12 : memref<!tpu.dma_semaphore, #tpu.memory_space<semaphore_mem>>) src(%arg9 : memref<125xf32, #tpu.memory_space<vmem>>) dst(%dma_wait3A_35 : memref<10000xf32, #tpu.memory_space<vmem_shared>>)
    %dma_wait3A_36 = arith.constant 78 : i32
    %dma_wait3A_37 = arith.constant 0 : i32
    %dma_wait3A_38 = tpu.memref_slice %arg8[%dma_wait3A_36, %dma_wait3A_37] : memref<80x125xi32, #tpu.memory_space<vmem>> -> memref<1x125xi32, #tpu.memory_space<vmem>>
    %dma_wait3A_39 = tpu.memref_squeeze %dma_wait3A_38 : memref<1x125xi32, #tpu.memory_space<vmem>> -> memref<125xi32, #tpu.memory_space<vmem>>
    %dma_wait3A_40 = arith.constant 0 : i32
    %dma_wait3A_41 = tpu.memref_slice %arg11[%dma_wait3A_40] : memref<10000xf32, #tpu.memory_space<vmem_shared>> -> memref<10000xf32, #tpu.memory_space<vmem_shared>>
    tpu.wait_indirect_dma semaphore(%arg13 : memref<!tpu.dma_semaphore, #tpu.memory_space<semaphore_mem>>) src(%arg9 : memref<125xf32, #tpu.memory_space<vmem>>) dst(%dma_wait3A_41 : memref<10000xf32, #tpu.memory_space<vmem_shared>>)
    %dma_wait3A_42 = arith.constant 79 : i32
    %dma_wait3A_43 = arith.constant 0 : i32
    %dma_wait3A_44 = tpu.memref_slice %arg7[%dma_wait3A_42, %dma_wait3A_43] : memref<80x125xi32, #tpu.memory_space<vmem>> -> memref<1x125xi32, #tpu.memory_space<vmem>>
    %dma_wait3A_45 = tpu.memref_squeeze %dma_wait3A_44 : memref<1x125xi32, #tpu.memory_space<vmem>> -> memref<125xi32, #tpu.memory_space<vmem>>
    %dma_wait3A_46 = arith.constant 0 : i32
    %dma_wait3A_47 = tpu.memref_slice %arg10[%dma_wait3A_46] : memref<10000xf32, #tpu.memory_space<vmem_shared>> -> memref<10000xf32, #tpu.memory_space<vmem_shared>>
    tpu.wait_indirect_dma semaphore(%arg12 : memref<!tpu.dma_semaphore, #tpu.memory_space<semaphore_mem>>) src(%arg9 : memref<125xf32, #tpu.memory_space<vmem>>) dst(%dma_wait3A_47 : memref<10000xf32, #tpu.memory_space<vmem_shared>>)
    %dma_wait3A_48 = arith.constant 79 : i32
    %dma_wait3A_49 = arith.constant 0 : i32
    %dma_wait3A_50 = tpu.memref_slice %arg8[%dma_wait3A_48, %dma_wait3A_49] : memref<80x125xi32, #tpu.memory_space<vmem>> -> memref<1x125xi32, #tpu.memory_space<vmem>>
    %dma_wait3A_51 = tpu.memref_squeeze %dma_wait3A_50 : memref<1x125xi32, #tpu.memory_space<vmem>> -> memref<125xi32, #tpu.memory_space<vmem>>
    %dma_wait3A_52 = arith.constant 0 : i32
    %dma_wait3A_53 = tpu.memref_slice %arg11[%dma_wait3A_52] : memref<10000xf32, #tpu.memory_space<vmem_shared>> -> memref<10000xf32, #tpu.memory_space<vmem_shared>>
    tpu.wait_indirect_dma semaphore(%arg13 : memref<!tpu.dma_semaphore, #tpu.memory_space<semaphore_mem>>) src(%arg9 : memref<125xf32, #tpu.memory_space<vmem>>) dst(%dma_wait3A_53 : memref<10000xf32, #tpu.memory_space<vmem_shared>>)
    %barrier3A_54 = arith.constant 0 : index
    tpu.barrier barrier_id(%barrier3A_54)
    %eq3A_55 = arith.constant 0 : i32
    %eq3A_56 = arith.cmpi eq, %arg1, %eq3A_55 : i32
    %convert_element_type3A_57 = arith.extui %eq3A_56 : i1 to i32
    %cond3A_58 = arith.constant 0 : i32
    %cond3A_59 = arith.cmpi ne, %convert_element_type3A_57, %cond3A_58 : i32
    scf.if %cond3A_59 {
      %run_scoped3A = arith.constant 0 : i32
      "tpu.region"() ({
        %run_scoped3A_61 = tpu.sem_alloc : memref<!tpu.dma_semaphore, #tpu.memory_space<semaphore_mem>>
        %dma_start3A_62 = arith.constant 0 : i32
        %dma_start3A_63 = tpu.memref_slice %arg6[%arg0, %run_scoped3A, %dma_start3A_62] : memref<2x2x10000xf32, #tpu.memory_space<hbm>> -> memref<1x1x10000xf32, #tpu.memory_space<hbm>>
        %dma_start3A_64 = tpu.memref_squeeze %dma_start3A_63 : memref<1x1x10000xf32, #tpu.memory_space<hbm>> -> memref<10000xf32, #tpu.memory_space<hbm>>
        tpu.enqueue_dma source(%arg10 : memref<10000xf32, #tpu.memory_space<vmem_shared>>) target(%dma_start3A_64 : memref<10000xf32, #tpu.memory_space<hbm>>) target_semaphore(%run_scoped3A_61 : memref<!tpu.dma_semaphore, #tpu.memory_space<semaphore_mem>>)
        %dma_wait3A_65 = arith.constant 0 : i32
        %dma_wait3A_66 = tpu.memref_slice %arg6[%arg0, %run_scoped3A, %dma_wait3A_65] : memref<2x2x10000xf32, #tpu.memory_space<hbm>> -> memref<1x1x10000xf32, #tpu.memory_space<hbm>>
        %dma_wait3A_67 = tpu.memref_squeeze %dma_wait3A_66 : memref<1x1x10000xf32, #tpu.memory_space<hbm>> -> memref<10000xf32, #tpu.memory_space<hbm>>
        tpu.wait_dma2 semaphore(%run_scoped3A_61 : memref<!tpu.dma_semaphore, #tpu.memory_space<semaphore_mem>>) src(%arg10 : memref<10000xf32, #tpu.memory_space<vmem_shared>>) dst(%dma_wait3A_67 : memref<10000xf32, #tpu.memory_space<hbm>>)
        tpu.yield
      }) : () -> ()
      %run_scoped3A_60 = arith.constant 1 : i32
      "tpu.region"() ({
        %run_scoped3A_61 = tpu.sem_alloc : memref<!tpu.dma_semaphore, #tpu.memory_space<semaphore_mem>>
        %dma_start3A_62 = arith.constant 0 : i32
        %dma_start3A_63 = tpu.memref_slice %arg6[%arg0, %run_scoped3A_60, %dma_start3A_62] : memref<2x2x10000xf32, #tpu.memory_space<hbm>> -> memref<1x1x10000xf32, #tpu.memory_space<hbm>>
        %dma_start3A_64 = tpu.memref_squeeze %dma_start3A_63 : memref<1x1x10000xf32, #tpu.memory_space<hbm>> -> memref<10000xf32, #tpu.memory_space<hbm>>
        tpu.enqueue_dma source(%arg11 : memref<10000xf32, #tpu.memory_space<vmem_shared>>) target(%dma_start3A_64 : memref<10000xf32, #tpu.memory_space<hbm>>) target_semaphore(%run_scoped3A_61 : memref<!tpu.dma_semaphore, #tpu.memory_space<semaphore_mem>>)
        %dma_wait3A_65 = arith.constant 0 : i32
        %dma_wait3A_66 = tpu.memref_slice %arg6[%arg0, %run_scoped3A_60, %dma_wait3A_65] : memref<2x2x10000xf32, #tpu.memory_space<hbm>> -> memref<1x1x10000xf32, #tpu.memory_space<hbm>>
        %dma_wait3A_67 = tpu.memref_squeeze %dma_wait3A_66 : memref<1x1x10000xf32, #tpu.memory_space<hbm>> -> memref<10000xf32, #tpu.memory_space<hbm>>
        tpu.wait_dma2 semaphore(%run_scoped3A_61 : memref<!tpu.dma_semaphore, #tpu.memory_space<semaphore_mem>>) src(%arg11 : memref<10000xf32, #tpu.memory_space<vmem_shared>>) dst(%dma_wait3A_67 : memref<10000xf32, #tpu.memory_space<hbm>>)
        tpu.yield
      }) : () -> ()
    } else {
    }
    return
  }
}

#map = affine_map<(d0, d1) -> (0, 0)>
#map1 = affine_map<(d0, d1) -> (0, 0, 0)>
#map2 = affine_map<(d0, d1) -> (0, 0, 0, 0)>
module attributes {stable_mosaic.version = 14 : i64} {
  func.func @agg_kernel(%arg0: i32, %arg1: i32, %arg2: memref<10000x128xf32, #tpu.memory_space<hbm>>, %arg3: memref<32x80x125xi32, #tpu.memory_space<hbm>>, %arg4: memref<32x80x125xi32, #tpu.memory_space<hbm>>, %arg5: memref<625x128xf32, #tpu.memory_space<hbm>>, %arg6: memref<2x16x625x128xf32, #tpu.memory_space<hbm>>, %arg7: memref<80x125xi32, #tpu.memory_space<vmem>>, %arg8: memref<125xi32, #tpu.memory_space<vmem>>, %arg9: memref<125xi32, #tpu.memory_space<vmem>>, %arg10: memref<125x128xf32, #tpu.memory_space<vmem>>, %arg11: memref<125x128xf32, #tpu.memory_space<vmem>>, %arg12: memref<10000x128xf32, #tpu.memory_space<vmem_shared>>, %arg13: memref<!tpu.dma_semaphore, #tpu.memory_space<semaphore_mem>>, %arg14: memref<!tpu.dma_semaphore, #tpu.memory_space<semaphore_mem>>, %arg15: memref<!tpu.dma_semaphore, #tpu.memory_space<semaphore_mem>>, %arg16: memref<!tpu.dma_semaphore, #tpu.memory_space<semaphore_mem>>, %arg17: memref<!tpu.dma_semaphore, #tpu.memory_space<semaphore_mem>>, %arg18: memref<!tpu.dma_semaphore, #tpu.memory_space<semaphore_mem>>) attributes {dimension_semantics = [#tpu.dimension_semantics<core_parallel>, #tpu.dimension_semantics<subcore_parallel>], iteration_bounds = array<i64: 2, 16>, scalar_prefetch = 0 : i64, scratch_operands = 12 : i64, tpu.core_type = #tpu.core_type<sc_vector_subcore>, window_params = [{transform_indices = #map}, {transform_indices = #map1}, {transform_indices = #map1}, {transform_indices = #map}, {transform_indices = #map2}]} {
    %mul3A = arith.constant 16 : i32
    %mul3A_0 = arith.muli %arg0, %mul3A : i32
    %add3A = arith.addi %mul3A_0, %arg1 : i32
    "tpu.region"() ({
      %run_scoped3A = tpu.sem_alloc : memref<!tpu.dma_semaphore, #tpu.memory_space<semaphore_mem>>
      %dma_start3A_145 = arith.constant 0 : i32
      %dma_start3A_146 = arith.constant 0 : i32
      %dma_start3A_147 = tpu.memref_slice %arg3[%add3A, %dma_start3A_145, %dma_start3A_146] : memref<32x80x125xi32, #tpu.memory_space<hbm>> -> memref<1x80x125xi32, #tpu.memory_space<hbm>>
      %dma_start3A_148 = tpu.memref_squeeze %dma_start3A_147 : memref<1x80x125xi32, #tpu.memory_space<hbm>> -> memref<80x125xi32, #tpu.memory_space<hbm>>
      %dma_start3A_149 = arith.constant 0 : i32
      %dma_start3A_150 = arith.constant 0 : i32
      %dma_start3A_151 = tpu.memref_slice %arg3[%add3A, %dma_start3A_149, %dma_start3A_150] : memref<32x80x125xi32, #tpu.memory_space<hbm>> -> memref<1x80x125xi32, #tpu.memory_space<hbm>>
      %dma_start3A_152 = tpu.memref_squeeze %dma_start3A_151 : memref<1x80x125xi32, #tpu.memory_space<hbm>> -> memref<80x125xi32, #tpu.memory_space<hbm>>
      tpu.enqueue_dma source(%dma_start3A_152 : memref<80x125xi32, #tpu.memory_space<hbm>>) target(%arg7 : memref<80x125xi32, #tpu.memory_space<vmem>>) target_semaphore(%run_scoped3A : memref<!tpu.dma_semaphore, #tpu.memory_space<semaphore_mem>>)
      %dma_wait3A_153 = arith.constant 0 : i32
      %dma_wait3A_154 = arith.constant 0 : i32
      %dma_wait3A_155 = tpu.memref_slice %arg3[%add3A, %dma_wait3A_153, %dma_wait3A_154] : memref<32x80x125xi32, #tpu.memory_space<hbm>> -> memref<1x80x125xi32, #tpu.memory_space<hbm>>
      %dma_wait3A_156 = tpu.memref_squeeze %dma_wait3A_155 : memref<1x80x125xi32, #tpu.memory_space<hbm>> -> memref<80x125xi32, #tpu.memory_space<hbm>>
      %dma_wait3A_157 = arith.constant 0 : i32
      %dma_wait3A_158 = arith.constant 0 : i32
      %dma_wait3A_159 = tpu.memref_slice %arg3[%add3A, %dma_wait3A_157, %dma_wait3A_158] : memref<32x80x125xi32, #tpu.memory_space<hbm>> -> memref<1x80x125xi32, #tpu.memory_space<hbm>>
      %dma_wait3A_160 = tpu.memref_squeeze %dma_wait3A_159 : memref<1x80x125xi32, #tpu.memory_space<hbm>> -> memref<80x125xi32, #tpu.memory_space<hbm>>
      tpu.wait_dma2 semaphore(%run_scoped3A : memref<!tpu.dma_semaphore, #tpu.memory_space<semaphore_mem>>) src(%dma_wait3A_160 : memref<80x125xi32, #tpu.memory_space<hbm>>) dst(%arg7 : memref<80x125xi32, #tpu.memory_space<vmem>>)
      tpu.yield
    }) : () -> ()
    %dma_start3A = arith.constant 0 : i32
    %dma_start3A_1 = arith.constant 0 : i32
    %dma_start3A_2 = tpu.memref_slice %arg4[%add3A, %dma_start3A, %dma_start3A_1] : memref<32x80x125xi32, #tpu.memory_space<hbm>> -> memref<1x1x125xi32, #tpu.memory_space<hbm>>
    %dma_start3A_3 = tpu.memref_squeeze %dma_start3A_2 : memref<1x1x125xi32, #tpu.memory_space<hbm>> -> memref<125xi32, #tpu.memory_space<hbm>>
    %dma_start3A_4 = arith.constant 0 : i32
    %dma_start3A_5 = tpu.memref_slice %arg4[%add3A, %dma_start3A, %dma_start3A_4] : memref<32x80x125xi32, #tpu.memory_space<hbm>> -> memref<1x1x125xi32, #tpu.memory_space<hbm>>
    %dma_start3A_6 = tpu.memref_squeeze %dma_start3A_5 : memref<1x1x125xi32, #tpu.memory_space<hbm>> -> memref<125xi32, #tpu.memory_space<hbm>>
    tpu.enqueue_dma source(%dma_start3A_6 : memref<125xi32, #tpu.memory_space<hbm>>) target(%arg8 : memref<125xi32, #tpu.memory_space<vmem>>) target_semaphore(%arg17 : memref<!tpu.dma_semaphore, #tpu.memory_space<semaphore_mem>>)
    %dma_start3A_7 = arith.constant 0 : i32
    %dma_start3A_8 = arith.constant 0 : i32
    %dma_start3A_9 = tpu.memref_slice %arg7[%dma_start3A_7, %dma_start3A_8] : memref<80x125xi32, #tpu.memory_space<vmem>> -> memref<1x125xi32, #tpu.memory_space<vmem>>
    %dma_start3A_10 = tpu.memref_squeeze %dma_start3A_9 : memref<1x125xi32, #tpu.memory_space<vmem>> -> memref<125xi32, #tpu.memory_space<vmem>>
    %dma_start3A_11 = arith.constant 0 : i32
    %dma_start3A_12 = arith.constant 0 : i32
    %dma_start3A_13 = tpu.memref_slice %arg2[%dma_start3A_11, %dma_start3A_12] : memref<10000x128xf32, #tpu.memory_space<hbm>> -> memref<10000x128xf32, #tpu.memory_space<hbm>>
    tpu.enqueue_indirect_dma source(%dma_start3A_13 : memref<10000x128xf32, #tpu.memory_space<hbm>>) target(%arg10 : memref<125x128xf32, #tpu.memory_space<vmem>>) offsets(%dma_start3A_10 : memref<125xi32, #tpu.memory_space<vmem>>) semaphore(%arg13 : memref<!tpu.dma_semaphore, #tpu.memory_space<semaphore_mem>>)
    %dma_start3A_14 = arith.constant 1 : i32
    %dma_start3A_15 = arith.constant 0 : i32
    %dma_start3A_16 = tpu.memref_slice %arg4[%add3A, %dma_start3A_14, %dma_start3A_15] : memref<32x80x125xi32, #tpu.memory_space<hbm>> -> memref<1x1x125xi32, #tpu.memory_space<hbm>>
    %dma_start3A_17 = tpu.memref_squeeze %dma_start3A_16 : memref<1x1x125xi32, #tpu.memory_space<hbm>> -> memref<125xi32, #tpu.memory_space<hbm>>
    %dma_start3A_18 = arith.constant 0 : i32
    %dma_start3A_19 = tpu.memref_slice %arg4[%add3A, %dma_start3A_14, %dma_start3A_18] : memref<32x80x125xi32, #tpu.memory_space<hbm>> -> memref<1x1x125xi32, #tpu.memory_space<hbm>>
    %dma_start3A_20 = tpu.memref_squeeze %dma_start3A_19 : memref<1x1x125xi32, #tpu.memory_space<hbm>> -> memref<125xi32, #tpu.memory_space<hbm>>
    tpu.enqueue_dma source(%dma_start3A_20 : memref<125xi32, #tpu.memory_space<hbm>>) target(%arg9 : memref<125xi32, #tpu.memory_space<vmem>>) target_semaphore(%arg18 : memref<!tpu.dma_semaphore, #tpu.memory_space<semaphore_mem>>)
    %mul3A_21 = arith.constant 625 : i32
    %mul3A_22 = arith.muli %arg1, %mul3A_21 : i32
    "tpu.region"() ({
      %run_scoped3A = tpu.sem_alloc : memref<!tpu.dma_semaphore, #tpu.memory_space<semaphore_mem>>
      %dma_start3A_145 = arith.constant 0 : i32
      %dma_start3A_146 = tpu.memref_slice %arg12[%mul3A_22, %dma_start3A_145] : memref<10000x128xf32, #tpu.memory_space<vmem_shared>> -> memref<625x128xf32, #tpu.memory_space<vmem_shared>>
      tpu.enqueue_dma source(%arg5 : memref<625x128xf32, #tpu.memory_space<hbm>>) target(%dma_start3A_146 : memref<625x128xf32, #tpu.memory_space<vmem_shared>>) target_semaphore(%run_scoped3A : memref<!tpu.dma_semaphore, #tpu.memory_space<semaphore_mem>>)
      %dma_wait3A_147 = arith.constant 0 : i32
      %dma_wait3A_148 = tpu.memref_slice %arg12[%mul3A_22, %dma_wait3A_147] : memref<10000x128xf32, #tpu.memory_space<vmem_shared>> -> memref<625x128xf32, #tpu.memory_space<vmem_shared>>
      tpu.wait_dma2 semaphore(%run_scoped3A : memref<!tpu.dma_semaphore, #tpu.memory_space<semaphore_mem>>) src(%arg5 : memref<625x128xf32, #tpu.memory_space<hbm>>) dst(%dma_wait3A_148 : memref<625x128xf32, #tpu.memory_space<vmem_shared>>)
      tpu.yield
    }) : () -> ()
    %barrier3A = arith.constant 0 : index
    tpu.barrier barrier_id(%barrier3A)
    %dma_wait3A = arith.constant 0 : i32
    %dma_wait3A_23 = arith.constant 0 : i32
    %dma_wait3A_24 = tpu.memref_slice %arg7[%dma_wait3A, %dma_wait3A_23] : memref<80x125xi32, #tpu.memory_space<vmem>> -> memref<1x125xi32, #tpu.memory_space<vmem>>
    %dma_wait3A_25 = tpu.memref_squeeze %dma_wait3A_24 : memref<1x125xi32, #tpu.memory_space<vmem>> -> memref<125xi32, #tpu.memory_space<vmem>>
    %dma_wait3A_26 = arith.constant 0 : i32
    %dma_wait3A_27 = arith.constant 0 : i32
    %dma_wait3A_28 = tpu.memref_slice %arg2[%dma_wait3A_26, %dma_wait3A_27] : memref<10000x128xf32, #tpu.memory_space<hbm>> -> memref<10000x128xf32, #tpu.memory_space<hbm>>
    tpu.wait_indirect_dma semaphore(%arg13 : memref<!tpu.dma_semaphore, #tpu.memory_space<semaphore_mem>>) src(%dma_wait3A_28 : memref<10000x128xf32, #tpu.memory_space<hbm>>) dst(%arg10 : memref<125x128xf32, #tpu.memory_space<vmem>>)
    %dma_wait3A_29 = arith.constant 0 : i32
    %dma_wait3A_30 = arith.constant 0 : i32
    %dma_wait3A_31 = tpu.memref_slice %arg4[%add3A, %dma_wait3A_29, %dma_wait3A_30] : memref<32x80x125xi32, #tpu.memory_space<hbm>> -> memref<1x1x125xi32, #tpu.memory_space<hbm>>
    %dma_wait3A_32 = tpu.memref_squeeze %dma_wait3A_31 : memref<1x1x125xi32, #tpu.memory_space<hbm>> -> memref<125xi32, #tpu.memory_space<hbm>>
    %dma_wait3A_33 = arith.constant 0 : i32
    %dma_wait3A_34 = tpu.memref_slice %arg4[%add3A, %dma_wait3A_29, %dma_wait3A_33] : memref<32x80x125xi32, #tpu.memory_space<hbm>> -> memref<1x1x125xi32, #tpu.memory_space<hbm>>
    %dma_wait3A_35 = tpu.memref_squeeze %dma_wait3A_34 : memref<1x1x125xi32, #tpu.memory_space<hbm>> -> memref<125xi32, #tpu.memory_space<hbm>>
    tpu.wait_dma2 semaphore(%arg17 : memref<!tpu.dma_semaphore, #tpu.memory_space<semaphore_mem>>) src(%dma_wait3A_35 : memref<125xi32, #tpu.memory_space<hbm>>) dst(%arg8 : memref<125xi32, #tpu.memory_space<vmem>>)
    %dma_start3A_36 = arith.constant 0 : i32
    %dma_start3A_37 = arith.constant 0 : i32
    %dma_start3A_38 = tpu.memref_slice %arg12[%dma_start3A_36, %dma_start3A_37] : memref<10000x128xf32, #tpu.memory_space<vmem_shared>> -> memref<10000x128xf32, #tpu.memory_space<vmem_shared>>
    tpu.enqueue_indirect_dma source(%arg10 : memref<125x128xf32, #tpu.memory_space<vmem>>) target(%dma_start3A_38 : memref<10000x128xf32, #tpu.memory_space<vmem_shared>>) offsets(%arg8 : memref<125xi32, #tpu.memory_space<vmem>>) semaphore(%arg15 : memref<!tpu.dma_semaphore, #tpu.memory_space<semaphore_mem>>) {add = true}
    %dma_start3A_39 = arith.constant 1 : i32
    %dma_start3A_40 = arith.constant 0 : i32
    %dma_start3A_41 = tpu.memref_slice %arg7[%dma_start3A_39, %dma_start3A_40] : memref<80x125xi32, #tpu.memory_space<vmem>> -> memref<1x125xi32, #tpu.memory_space<vmem>>
    %dma_start3A_42 = tpu.memref_squeeze %dma_start3A_41 : memref<1x125xi32, #tpu.memory_space<vmem>> -> memref<125xi32, #tpu.memory_space<vmem>>
    %dma_start3A_43 = arith.constant 0 : i32
    %dma_start3A_44 = arith.constant 0 : i32
    %dma_start3A_45 = tpu.memref_slice %arg2[%dma_start3A_43, %dma_start3A_44] : memref<10000x128xf32, #tpu.memory_space<hbm>> -> memref<10000x128xf32, #tpu.memory_space<hbm>>
    tpu.enqueue_indirect_dma source(%dma_start3A_45 : memref<10000x128xf32, #tpu.memory_space<hbm>>) target(%arg11 : memref<125x128xf32, #tpu.memory_space<vmem>>) offsets(%dma_start3A_42 : memref<125xi32, #tpu.memory_space<vmem>>) semaphore(%arg14 : memref<!tpu.dma_semaphore, #tpu.memory_space<semaphore_mem>>)
    %scan3A = arith.constant 0 : i32
    %scan3A_46 = arith.constant 0 : i32
    %scan3A_47 = arith.constant 38 : i32
    %scan3A_48 = arith.addi %scan3A_46, %scan3A_47 : i32
    %scan3A_49 = arith.constant 1 : i32
    scf.for %scan3A_145 = %scan3A_46 to %scan3A_48 step %scan3A_49  : i32 {
      %mul3A_146 = arith.constant 2 : i32
      %mul3A_147 = arith.muli %mul3A_146, %scan3A_145 : i32
      %add3A_148 = arith.constant 1 : i32
      %add3A_149 = arith.addi %mul3A_147, %add3A_148 : i32
      %dma_wait3A_150 = arith.constant 0 : i32
      %dma_wait3A_151 = tpu.memref_slice %arg7[%add3A_149, %dma_wait3A_150] : memref<80x125xi32, #tpu.memory_space<vmem>> -> memref<1x125xi32, #tpu.memory_space<vmem>>
      %dma_wait3A_152 = tpu.memref_squeeze %dma_wait3A_151 : memref<1x125xi32, #tpu.memory_space<vmem>> -> memref<125xi32, #tpu.memory_space<vmem>>
      %dma_wait3A_153 = arith.constant 0 : i32
      %dma_wait3A_154 = arith.constant 0 : i32
      %dma_wait3A_155 = tpu.memref_slice %arg2[%dma_wait3A_153, %dma_wait3A_154] : memref<10000x128xf32, #tpu.memory_space<hbm>> -> memref<10000x128xf32, #tpu.memory_space<hbm>>
      tpu.wait_indirect_dma semaphore(%arg14 : memref<!tpu.dma_semaphore, #tpu.memory_space<semaphore_mem>>) src(%dma_wait3A_155 : memref<10000x128xf32, #tpu.memory_space<hbm>>) dst(%arg11 : memref<125x128xf32, #tpu.memory_space<vmem>>)
      %dma_wait3A_156 = arith.constant 0 : i32
      %dma_wait3A_157 = tpu.memref_slice %arg4[%add3A, %add3A_149, %dma_wait3A_156] : memref<32x80x125xi32, #tpu.memory_space<hbm>> -> memref<1x1x125xi32, #tpu.memory_space<hbm>>
      %dma_wait3A_158 = tpu.memref_squeeze %dma_wait3A_157 : memref<1x1x125xi32, #tpu.memory_space<hbm>> -> memref<125xi32, #tpu.memory_space<hbm>>
      %dma_wait3A_159 = arith.constant 0 : i32
      %dma_wait3A_160 = tpu.memref_slice %arg4[%add3A, %add3A_149, %dma_wait3A_159] : memref<32x80x125xi32, #tpu.memory_space<hbm>> -> memref<1x1x125xi32, #tpu.memory_space<hbm>>
      %dma_wait3A_161 = tpu.memref_squeeze %dma_wait3A_160 : memref<1x1x125xi32, #tpu.memory_space<hbm>> -> memref<125xi32, #tpu.memory_space<hbm>>
      tpu.wait_dma2 semaphore(%arg18 : memref<!tpu.dma_semaphore, #tpu.memory_space<semaphore_mem>>) src(%dma_wait3A_161 : memref<125xi32, #tpu.memory_space<hbm>>) dst(%arg9 : memref<125xi32, #tpu.memory_space<vmem>>)
      %dma_start3A_162 = arith.constant 0 : i32
      %dma_start3A_163 = arith.constant 0 : i32
      %dma_start3A_164 = tpu.memref_slice %arg12[%dma_start3A_162, %dma_start3A_163] : memref<10000x128xf32, #tpu.memory_space<vmem_shared>> -> memref<10000x128xf32, #tpu.memory_space<vmem_shared>>
      tpu.enqueue_indirect_dma source(%arg11 : memref<125x128xf32, #tpu.memory_space<vmem>>) target(%dma_start3A_164 : memref<10000x128xf32, #tpu.memory_space<vmem_shared>>) offsets(%arg9 : memref<125xi32, #tpu.memory_space<vmem>>) semaphore(%arg16 : memref<!tpu.dma_semaphore, #tpu.memory_space<semaphore_mem>>) {add = true}
      %sub3A = arith.constant 1 : i32
      %sub3A_165 = arith.subi %add3A_149, %sub3A : i32
      %dma_wait3A_166 = arith.constant 0 : i32
      %dma_wait3A_167 = arith.constant 0 : i32
      %dma_wait3A_168 = tpu.memref_slice %arg12[%dma_wait3A_166, %dma_wait3A_167] : memref<10000x128xf32, #tpu.memory_space<vmem_shared>> -> memref<10000x128xf32, #tpu.memory_space<vmem_shared>>
      tpu.wait_indirect_dma semaphore(%arg15 : memref<!tpu.dma_semaphore, #tpu.memory_space<semaphore_mem>>) src(%arg10 : memref<125x128xf32, #tpu.memory_space<vmem>>) dst(%dma_wait3A_168 : memref<10000x128xf32, #tpu.memory_space<vmem_shared>>)
      %add3A_169 = arith.constant 1 : i32
      %add3A_170 = arith.addi %add3A_149, %add3A_169 : i32
      %dma_start3A_171 = arith.constant 0 : i32
      %dma_start3A_172 = tpu.memref_slice %arg4[%add3A, %add3A_170, %dma_start3A_171] : memref<32x80x125xi32, #tpu.memory_space<hbm>> -> memref<1x1x125xi32, #tpu.memory_space<hbm>>
      %dma_start3A_173 = tpu.memref_squeeze %dma_start3A_172 : memref<1x1x125xi32, #tpu.memory_space<hbm>> -> memref<125xi32, #tpu.memory_space<hbm>>
      %dma_start3A_174 = arith.constant 0 : i32
      %dma_start3A_175 = tpu.memref_slice %arg4[%add3A, %add3A_170, %dma_start3A_174] : memref<32x80x125xi32, #tpu.memory_space<hbm>> -> memref<1x1x125xi32, #tpu.memory_space<hbm>>
      %dma_start3A_176 = tpu.memref_squeeze %dma_start3A_175 : memref<1x1x125xi32, #tpu.memory_space<hbm>> -> memref<125xi32, #tpu.memory_space<hbm>>
      tpu.enqueue_dma source(%dma_start3A_176 : memref<125xi32, #tpu.memory_space<hbm>>) target(%arg8 : memref<125xi32, #tpu.memory_space<vmem>>) target_semaphore(%arg17 : memref<!tpu.dma_semaphore, #tpu.memory_space<semaphore_mem>>)
      %add3A_177 = arith.constant 1 : i32
      %add3A_178 = arith.addi %add3A_149, %add3A_177 : i32
      %dma_start3A_179 = arith.constant 0 : i32
      %dma_start3A_180 = tpu.memref_slice %arg7[%add3A_178, %dma_start3A_179] : memref<80x125xi32, #tpu.memory_space<vmem>> -> memref<1x125xi32, #tpu.memory_space<vmem>>
      %dma_start3A_181 = tpu.memref_squeeze %dma_start3A_180 : memref<1x125xi32, #tpu.memory_space<vmem>> -> memref<125xi32, #tpu.memory_space<vmem>>
      %dma_start3A_182 = arith.constant 0 : i32
      %dma_start3A_183 = arith.constant 0 : i32
      %dma_start3A_184 = tpu.memref_slice %arg2[%dma_start3A_182, %dma_start3A_183] : memref<10000x128xf32, #tpu.memory_space<hbm>> -> memref<10000x128xf32, #tpu.memory_space<hbm>>
      tpu.enqueue_indirect_dma source(%dma_start3A_184 : memref<10000x128xf32, #tpu.memory_space<hbm>>) target(%arg10 : memref<125x128xf32, #tpu.memory_space<vmem>>) offsets(%dma_start3A_181 : memref<125xi32, #tpu.memory_space<vmem>>) semaphore(%arg13 : memref<!tpu.dma_semaphore, #tpu.memory_space<semaphore_mem>>)
      %mul3A_185 = arith.constant 2 : i32
      %mul3A_186 = arith.muli %mul3A_185, %scan3A_145 : i32
      %add3A_187 = arith.constant 2 : i32
      %add3A_188 = arith.addi %mul3A_186, %add3A_187 : i32
      %dma_wait3A_189 = arith.constant 0 : i32
      %dma_wait3A_190 = tpu.memref_slice %arg7[%add3A_188, %dma_wait3A_189] : memref<80x125xi32, #tpu.memory_space<vmem>> -> memref<1x125xi32, #tpu.memory_space<vmem>>
      %dma_wait3A_191 = tpu.memref_squeeze %dma_wait3A_190 : memref<1x125xi32, #tpu.memory_space<vmem>> -> memref<125xi32, #tpu.memory_space<vmem>>
      %dma_wait3A_192 = arith.constant 0 : i32
      %dma_wait3A_193 = arith.constant 0 : i32
      %dma_wait3A_194 = tpu.memref_slice %arg2[%dma_wait3A_192, %dma_wait3A_193] : memref<10000x128xf32, #tpu.memory_space<hbm>> -> memref<10000x128xf32, #tpu.memory_space<hbm>>
      tpu.wait_indirect_dma semaphore(%arg13 : memref<!tpu.dma_semaphore, #tpu.memory_space<semaphore_mem>>) src(%dma_wait3A_194 : memref<10000x128xf32, #tpu.memory_space<hbm>>) dst(%arg10 : memref<125x128xf32, #tpu.memory_space<vmem>>)
      %dma_wait3A_195 = arith.constant 0 : i32
      %dma_wait3A_196 = tpu.memref_slice %arg4[%add3A, %add3A_188, %dma_wait3A_195] : memref<32x80x125xi32, #tpu.memory_space<hbm>> -> memref<1x1x125xi32, #tpu.memory_space<hbm>>
      %dma_wait3A_197 = tpu.memref_squeeze %dma_wait3A_196 : memref<1x1x125xi32, #tpu.memory_space<hbm>> -> memref<125xi32, #tpu.memory_space<hbm>>
      %dma_wait3A_198 = arith.constant 0 : i32
      %dma_wait3A_199 = tpu.memref_slice %arg4[%add3A, %add3A_188, %dma_wait3A_198] : memref<32x80x125xi32, #tpu.memory_space<hbm>> -> memref<1x1x125xi32, #tpu.memory_space<hbm>>
      %dma_wait3A_200 = tpu.memref_squeeze %dma_wait3A_199 : memref<1x1x125xi32, #tpu.memory_space<hbm>> -> memref<125xi32, #tpu.memory_space<hbm>>
      tpu.wait_dma2 semaphore(%arg17 : memref<!tpu.dma_semaphore, #tpu.memory_space<semaphore_mem>>) src(%dma_wait3A_200 : memref<125xi32, #tpu.memory_space<hbm>>) dst(%arg8 : memref<125xi32, #tpu.memory_space<vmem>>)
      %dma_start3A_201 = arith.constant 0 : i32
      %dma_start3A_202 = arith.constant 0 : i32
      %dma_start3A_203 = tpu.memref_slice %arg12[%dma_start3A_201, %dma_start3A_202] : memref<10000x128xf32, #tpu.memory_space<vmem_shared>> -> memref<10000x128xf32, #tpu.memory_space<vmem_shared>>
      tpu.enqueue_indirect_dma source(%arg10 : memref<125x128xf32, #tpu.memory_space<vmem>>) target(%dma_start3A_203 : memref<10000x128xf32, #tpu.memory_space<vmem_shared>>) offsets(%arg8 : memref<125xi32, #tpu.memory_space<vmem>>) semaphore(%arg15 : memref<!tpu.dma_semaphore, #tpu.memory_space<semaphore_mem>>) {add = true}
      %sub3A_204 = arith.constant 1 : i32
      %sub3A_205 = arith.subi %add3A_188, %sub3A_204 : i32
      %dma_wait3A_206 = arith.constant 0 : i32
      %dma_wait3A_207 = arith.constant 0 : i32
      %dma_wait3A_208 = tpu.memref_slice %arg12[%dma_wait3A_206, %dma_wait3A_207] : memref<10000x128xf32, #tpu.memory_space<vmem_shared>> -> memref<10000x128xf32, #tpu.memory_space<vmem_shared>>
      tpu.wait_indirect_dma semaphore(%arg16 : memref<!tpu.dma_semaphore, #tpu.memory_space<semaphore_mem>>) src(%arg11 : memref<125x128xf32, #tpu.memory_space<vmem>>) dst(%dma_wait3A_208 : memref<10000x128xf32, #tpu.memory_space<vmem_shared>>)
      %add3A_209 = arith.constant 1 : i32
      %add3A_210 = arith.addi %add3A_188, %add3A_209 : i32
      %dma_start3A_211 = arith.constant 0 : i32
      %dma_start3A_212 = tpu.memref_slice %arg4[%add3A, %add3A_210, %dma_start3A_211] : memref<32x80x125xi32, #tpu.memory_space<hbm>> -> memref<1x1x125xi32, #tpu.memory_space<hbm>>
      %dma_start3A_213 = tpu.memref_squeeze %dma_start3A_212 : memref<1x1x125xi32, #tpu.memory_space<hbm>> -> memref<125xi32, #tpu.memory_space<hbm>>
      %dma_start3A_214 = arith.constant 0 : i32
      %dma_start3A_215 = tpu.memref_slice %arg4[%add3A, %add3A_210, %dma_start3A_214] : memref<32x80x125xi32, #tpu.memory_space<hbm>> -> memref<1x1x125xi32, #tpu.memory_space<hbm>>
      %dma_start3A_216 = tpu.memref_squeeze %dma_start3A_215 : memref<1x1x125xi32, #tpu.memory_space<hbm>> -> memref<125xi32, #tpu.memory_space<hbm>>
      tpu.enqueue_dma source(%dma_start3A_216 : memref<125xi32, #tpu.memory_space<hbm>>) target(%arg9 : memref<125xi32, #tpu.memory_space<vmem>>) target_semaphore(%arg18 : memref<!tpu.dma_semaphore, #tpu.memory_space<semaphore_mem>>)
      %add3A_217 = arith.constant 1 : i32
      %add3A_218 = arith.addi %add3A_188, %add3A_217 : i32
      %dma_start3A_219 = arith.constant 0 : i32
      %dma_start3A_220 = tpu.memref_slice %arg7[%add3A_218, %dma_start3A_219] : memref<80x125xi32, #tpu.memory_space<vmem>> -> memref<1x125xi32, #tpu.memory_space<vmem>>
      %dma_start3A_221 = tpu.memref_squeeze %dma_start3A_220 : memref<1x125xi32, #tpu.memory_space<vmem>> -> memref<125xi32, #tpu.memory_space<vmem>>
      %dma_start3A_222 = arith.constant 0 : i32
      %dma_start3A_223 = arith.constant 0 : i32
      %dma_start3A_224 = tpu.memref_slice %arg2[%dma_start3A_222, %dma_start3A_223] : memref<10000x128xf32, #tpu.memory_space<hbm>> -> memref<10000x128xf32, #tpu.memory_space<hbm>>
      tpu.enqueue_indirect_dma source(%dma_start3A_224 : memref<10000x128xf32, #tpu.memory_space<hbm>>) target(%arg11 : memref<125x128xf32, #tpu.memory_space<vmem>>) offsets(%dma_start3A_221 : memref<125xi32, #tpu.memory_space<vmem>>) semaphore(%arg14 : memref<!tpu.dma_semaphore, #tpu.memory_space<semaphore_mem>>)
    }
    %scan3A_50 = arith.constant 38 : i32
    %dma_wait3A_51 = arith.constant 77 : i32
    %dma_wait3A_52 = arith.constant 0 : i32
    %dma_wait3A_53 = tpu.memref_slice %arg7[%dma_wait3A_51, %dma_wait3A_52] : memref<80x125xi32, #tpu.memory_space<vmem>> -> memref<1x125xi32, #tpu.memory_space<vmem>>
    %dma_wait3A_54 = tpu.memref_squeeze %dma_wait3A_53 : memref<1x125xi32, #tpu.memory_space<vmem>> -> memref<125xi32, #tpu.memory_space<vmem>>
    %dma_wait3A_55 = arith.constant 0 : i32
    %dma_wait3A_56 = arith.constant 0 : i32
    %dma_wait3A_57 = tpu.memref_slice %arg2[%dma_wait3A_55, %dma_wait3A_56] : memref<10000x128xf32, #tpu.memory_space<hbm>> -> memref<10000x128xf32, #tpu.memory_space<hbm>>
    tpu.wait_indirect_dma semaphore(%arg14 : memref<!tpu.dma_semaphore, #tpu.memory_space<semaphore_mem>>) src(%dma_wait3A_57 : memref<10000x128xf32, #tpu.memory_space<hbm>>) dst(%arg11 : memref<125x128xf32, #tpu.memory_space<vmem>>)
    %dma_wait3A_58 = arith.constant 77 : i32
    %dma_wait3A_59 = arith.constant 0 : i32
    %dma_wait3A_60 = tpu.memref_slice %arg4[%add3A, %dma_wait3A_58, %dma_wait3A_59] : memref<32x80x125xi32, #tpu.memory_space<hbm>> -> memref<1x1x125xi32, #tpu.memory_space<hbm>>
    %dma_wait3A_61 = tpu.memref_squeeze %dma_wait3A_60 : memref<1x1x125xi32, #tpu.memory_space<hbm>> -> memref<125xi32, #tpu.memory_space<hbm>>
    %dma_wait3A_62 = arith.constant 0 : i32
    %dma_wait3A_63 = tpu.memref_slice %arg4[%add3A, %dma_wait3A_58, %dma_wait3A_62] : memref<32x80x125xi32, #tpu.memory_space<hbm>> -> memref<1x1x125xi32, #tpu.memory_space<hbm>>
    %dma_wait3A_64 = tpu.memref_squeeze %dma_wait3A_63 : memref<1x1x125xi32, #tpu.memory_space<hbm>> -> memref<125xi32, #tpu.memory_space<hbm>>
    tpu.wait_dma2 semaphore(%arg18 : memref<!tpu.dma_semaphore, #tpu.memory_space<semaphore_mem>>) src(%dma_wait3A_64 : memref<125xi32, #tpu.memory_space<hbm>>) dst(%arg9 : memref<125xi32, #tpu.memory_space<vmem>>)
    %dma_start3A_65 = arith.constant 0 : i32
    %dma_start3A_66 = arith.constant 0 : i32
    %dma_start3A_67 = tpu.memref_slice %arg12[%dma_start3A_65, %dma_start3A_66] : memref<10000x128xf32, #tpu.memory_space<vmem_shared>> -> memref<10000x128xf32, #tpu.memory_space<vmem_shared>>
    tpu.enqueue_indirect_dma source(%arg11 : memref<125x128xf32, #tpu.memory_space<vmem>>) target(%dma_start3A_67 : memref<10000x128xf32, #tpu.memory_space<vmem_shared>>) offsets(%arg9 : memref<125xi32, #tpu.memory_space<vmem>>) semaphore(%arg16 : memref<!tpu.dma_semaphore, #tpu.memory_space<semaphore_mem>>) {add = true}
    %dma_wait3A_68 = arith.constant 0 : i32
    %dma_wait3A_69 = arith.constant 0 : i32
    %dma_wait3A_70 = tpu.memref_slice %arg12[%dma_wait3A_68, %dma_wait3A_69] : memref<10000x128xf32, #tpu.memory_space<vmem_shared>> -> memref<10000x128xf32, #tpu.memory_space<vmem_shared>>
    tpu.wait_indirect_dma semaphore(%arg15 : memref<!tpu.dma_semaphore, #tpu.memory_space<semaphore_mem>>) src(%arg10 : memref<125x128xf32, #tpu.memory_space<vmem>>) dst(%dma_wait3A_70 : memref<10000x128xf32, #tpu.memory_space<vmem_shared>>)
    %dma_start3A_71 = arith.constant 78 : i32
    %dma_start3A_72 = arith.constant 0 : i32
    %dma_start3A_73 = tpu.memref_slice %arg4[%add3A, %dma_start3A_71, %dma_start3A_72] : memref<32x80x125xi32, #tpu.memory_space<hbm>> -> memref<1x1x125xi32, #tpu.memory_space<hbm>>
    %dma_start3A_74 = tpu.memref_squeeze %dma_start3A_73 : memref<1x1x125xi32, #tpu.memory_space<hbm>> -> memref<125xi32, #tpu.memory_space<hbm>>
    %dma_start3A_75 = arith.constant 0 : i32
    %dma_start3A_76 = tpu.memref_slice %arg4[%add3A, %dma_start3A_71, %dma_start3A_75] : memref<32x80x125xi32, #tpu.memory_space<hbm>> -> memref<1x1x125xi32, #tpu.memory_space<hbm>>
    %dma_start3A_77 = tpu.memref_squeeze %dma_start3A_76 : memref<1x1x125xi32, #tpu.memory_space<hbm>> -> memref<125xi32, #tpu.memory_space<hbm>>
    tpu.enqueue_dma source(%dma_start3A_77 : memref<125xi32, #tpu.memory_space<hbm>>) target(%arg8 : memref<125xi32, #tpu.memory_space<vmem>>) target_semaphore(%arg17 : memref<!tpu.dma_semaphore, #tpu.memory_space<semaphore_mem>>)
    %dma_start3A_78 = arith.constant 78 : i32
    %dma_start3A_79 = arith.constant 0 : i32
    %dma_start3A_80 = tpu.memref_slice %arg7[%dma_start3A_78, %dma_start3A_79] : memref<80x125xi32, #tpu.memory_space<vmem>> -> memref<1x125xi32, #tpu.memory_space<vmem>>
    %dma_start3A_81 = tpu.memref_squeeze %dma_start3A_80 : memref<1x125xi32, #tpu.memory_space<vmem>> -> memref<125xi32, #tpu.memory_space<vmem>>
    %dma_start3A_82 = arith.constant 0 : i32
    %dma_start3A_83 = arith.constant 0 : i32
    %dma_start3A_84 = tpu.memref_slice %arg2[%dma_start3A_82, %dma_start3A_83] : memref<10000x128xf32, #tpu.memory_space<hbm>> -> memref<10000x128xf32, #tpu.memory_space<hbm>>
    tpu.enqueue_indirect_dma source(%dma_start3A_84 : memref<10000x128xf32, #tpu.memory_space<hbm>>) target(%arg10 : memref<125x128xf32, #tpu.memory_space<vmem>>) offsets(%dma_start3A_81 : memref<125xi32, #tpu.memory_space<vmem>>) semaphore(%arg13 : memref<!tpu.dma_semaphore, #tpu.memory_space<semaphore_mem>>)
    %dma_wait3A_85 = arith.constant 78 : i32
    %dma_wait3A_86 = arith.constant 0 : i32
    %dma_wait3A_87 = tpu.memref_slice %arg7[%dma_wait3A_85, %dma_wait3A_86] : memref<80x125xi32, #tpu.memory_space<vmem>> -> memref<1x125xi32, #tpu.memory_space<vmem>>
    %dma_wait3A_88 = tpu.memref_squeeze %dma_wait3A_87 : memref<1x125xi32, #tpu.memory_space<vmem>> -> memref<125xi32, #tpu.memory_space<vmem>>
    %dma_wait3A_89 = arith.constant 0 : i32
    %dma_wait3A_90 = arith.constant 0 : i32
    %dma_wait3A_91 = tpu.memref_slice %arg2[%dma_wait3A_89, %dma_wait3A_90] : memref<10000x128xf32, #tpu.memory_space<hbm>> -> memref<10000x128xf32, #tpu.memory_space<hbm>>
    tpu.wait_indirect_dma semaphore(%arg13 : memref<!tpu.dma_semaphore, #tpu.memory_space<semaphore_mem>>) src(%dma_wait3A_91 : memref<10000x128xf32, #tpu.memory_space<hbm>>) dst(%arg10 : memref<125x128xf32, #tpu.memory_space<vmem>>)
    %dma_wait3A_92 = arith.constant 78 : i32
    %dma_wait3A_93 = arith.constant 0 : i32
    %dma_wait3A_94 = tpu.memref_slice %arg4[%add3A, %dma_wait3A_92, %dma_wait3A_93] : memref<32x80x125xi32, #tpu.memory_space<hbm>> -> memref<1x1x125xi32, #tpu.memory_space<hbm>>
    %dma_wait3A_95 = tpu.memref_squeeze %dma_wait3A_94 : memref<1x1x125xi32, #tpu.memory_space<hbm>> -> memref<125xi32, #tpu.memory_space<hbm>>
    %dma_wait3A_96 = arith.constant 0 : i32
    %dma_wait3A_97 = tpu.memref_slice %arg4[%add3A, %dma_wait3A_92, %dma_wait3A_96] : memref<32x80x125xi32, #tpu.memory_space<hbm>> -> memref<1x1x125xi32, #tpu.memory_space<hbm>>
    %dma_wait3A_98 = tpu.memref_squeeze %dma_wait3A_97 : memref<1x1x125xi32, #tpu.memory_space<hbm>> -> memref<125xi32, #tpu.memory_space<hbm>>
    tpu.wait_dma2 semaphore(%arg17 : memref<!tpu.dma_semaphore, #tpu.memory_space<semaphore_mem>>) src(%dma_wait3A_98 : memref<125xi32, #tpu.memory_space<hbm>>) dst(%arg8 : memref<125xi32, #tpu.memory_space<vmem>>)
    %dma_start3A_99 = arith.constant 0 : i32
    %dma_start3A_100 = arith.constant 0 : i32
    %dma_start3A_101 = tpu.memref_slice %arg12[%dma_start3A_99, %dma_start3A_100] : memref<10000x128xf32, #tpu.memory_space<vmem_shared>> -> memref<10000x128xf32, #tpu.memory_space<vmem_shared>>
    tpu.enqueue_indirect_dma source(%arg10 : memref<125x128xf32, #tpu.memory_space<vmem>>) target(%dma_start3A_101 : memref<10000x128xf32, #tpu.memory_space<vmem_shared>>) offsets(%arg8 : memref<125xi32, #tpu.memory_space<vmem>>) semaphore(%arg15 : memref<!tpu.dma_semaphore, #tpu.memory_space<semaphore_mem>>) {add = true}
    %dma_wait3A_102 = arith.constant 0 : i32
    %dma_wait3A_103 = arith.constant 0 : i32
    %dma_wait3A_104 = tpu.memref_slice %arg12[%dma_wait3A_102, %dma_wait3A_103] : memref<10000x128xf32, #tpu.memory_space<vmem_shared>> -> memref<10000x128xf32, #tpu.memory_space<vmem_shared>>
    tpu.wait_indirect_dma semaphore(%arg16 : memref<!tpu.dma_semaphore, #tpu.memory_space<semaphore_mem>>) src(%arg11 : memref<125x128xf32, #tpu.memory_space<vmem>>) dst(%dma_wait3A_104 : memref<10000x128xf32, #tpu.memory_space<vmem_shared>>)
    %dma_start3A_105 = arith.constant 79 : i32
    %dma_start3A_106 = arith.constant 0 : i32
    %dma_start3A_107 = tpu.memref_slice %arg4[%add3A, %dma_start3A_105, %dma_start3A_106] : memref<32x80x125xi32, #tpu.memory_space<hbm>> -> memref<1x1x125xi32, #tpu.memory_space<hbm>>
    %dma_start3A_108 = tpu.memref_squeeze %dma_start3A_107 : memref<1x1x125xi32, #tpu.memory_space<hbm>> -> memref<125xi32, #tpu.memory_space<hbm>>
    %dma_start3A_109 = arith.constant 0 : i32
    %dma_start3A_110 = tpu.memref_slice %arg4[%add3A, %dma_start3A_105, %dma_start3A_109] : memref<32x80x125xi32, #tpu.memory_space<hbm>> -> memref<1x1x125xi32, #tpu.memory_space<hbm>>
    %dma_start3A_111 = tpu.memref_squeeze %dma_start3A_110 : memref<1x1x125xi32, #tpu.memory_space<hbm>> -> memref<125xi32, #tpu.memory_space<hbm>>
    tpu.enqueue_dma source(%dma_start3A_111 : memref<125xi32, #tpu.memory_space<hbm>>) target(%arg9 : memref<125xi32, #tpu.memory_space<vmem>>) target_semaphore(%arg18 : memref<!tpu.dma_semaphore, #tpu.memory_space<semaphore_mem>>)
    %dma_start3A_112 = arith.constant 79 : i32
    %dma_start3A_113 = arith.constant 0 : i32
    %dma_start3A_114 = tpu.memref_slice %arg7[%dma_start3A_112, %dma_start3A_113] : memref<80x125xi32, #tpu.memory_space<vmem>> -> memref<1x125xi32, #tpu.memory_space<vmem>>
    %dma_start3A_115 = tpu.memref_squeeze %dma_start3A_114 : memref<1x125xi32, #tpu.memory_space<vmem>> -> memref<125xi32, #tpu.memory_space<vmem>>
    %dma_start3A_116 = arith.constant 0 : i32
    %dma_start3A_117 = arith.constant 0 : i32
    %dma_start3A_118 = tpu.memref_slice %arg2[%dma_start3A_116, %dma_start3A_117] : memref<10000x128xf32, #tpu.memory_space<hbm>> -> memref<10000x128xf32, #tpu.memory_space<hbm>>
    tpu.enqueue_indirect_dma source(%dma_start3A_118 : memref<10000x128xf32, #tpu.memory_space<hbm>>) target(%arg11 : memref<125x128xf32, #tpu.memory_space<vmem>>) offsets(%dma_start3A_115 : memref<125xi32, #tpu.memory_space<vmem>>) semaphore(%arg14 : memref<!tpu.dma_semaphore, #tpu.memory_space<semaphore_mem>>)
    %dma_wait3A_119 = arith.constant 79 : i32
    %dma_wait3A_120 = arith.constant 0 : i32
    %dma_wait3A_121 = tpu.memref_slice %arg7[%dma_wait3A_119, %dma_wait3A_120] : memref<80x125xi32, #tpu.memory_space<vmem>> -> memref<1x125xi32, #tpu.memory_space<vmem>>
    %dma_wait3A_122 = tpu.memref_squeeze %dma_wait3A_121 : memref<1x125xi32, #tpu.memory_space<vmem>> -> memref<125xi32, #tpu.memory_space<vmem>>
    %dma_wait3A_123 = arith.constant 0 : i32
    %dma_wait3A_124 = arith.constant 0 : i32
    %dma_wait3A_125 = tpu.memref_slice %arg2[%dma_wait3A_123, %dma_wait3A_124] : memref<10000x128xf32, #tpu.memory_space<hbm>> -> memref<10000x128xf32, #tpu.memory_space<hbm>>
    tpu.wait_indirect_dma semaphore(%arg14 : memref<!tpu.dma_semaphore, #tpu.memory_space<semaphore_mem>>) src(%dma_wait3A_125 : memref<10000x128xf32, #tpu.memory_space<hbm>>) dst(%arg11 : memref<125x128xf32, #tpu.memory_space<vmem>>)
    %dma_wait3A_126 = arith.constant 79 : i32
    %dma_wait3A_127 = arith.constant 0 : i32
    %dma_wait3A_128 = tpu.memref_slice %arg4[%add3A, %dma_wait3A_126, %dma_wait3A_127] : memref<32x80x125xi32, #tpu.memory_space<hbm>> -> memref<1x1x125xi32, #tpu.memory_space<hbm>>
    %dma_wait3A_129 = tpu.memref_squeeze %dma_wait3A_128 : memref<1x1x125xi32, #tpu.memory_space<hbm>> -> memref<125xi32, #tpu.memory_space<hbm>>
    %dma_wait3A_130 = arith.constant 0 : i32
    %dma_wait3A_131 = tpu.memref_slice %arg4[%add3A, %dma_wait3A_126, %dma_wait3A_130] : memref<32x80x125xi32, #tpu.memory_space<hbm>> -> memref<1x1x125xi32, #tpu.memory_space<hbm>>
    %dma_wait3A_132 = tpu.memref_squeeze %dma_wait3A_131 : memref<1x1x125xi32, #tpu.memory_space<hbm>> -> memref<125xi32, #tpu.memory_space<hbm>>
    tpu.wait_dma2 semaphore(%arg18 : memref<!tpu.dma_semaphore, #tpu.memory_space<semaphore_mem>>) src(%dma_wait3A_132 : memref<125xi32, #tpu.memory_space<hbm>>) dst(%arg9 : memref<125xi32, #tpu.memory_space<vmem>>)
    %dma_start3A_133 = arith.constant 0 : i32
    %dma_start3A_134 = arith.constant 0 : i32
    %dma_start3A_135 = tpu.memref_slice %arg12[%dma_start3A_133, %dma_start3A_134] : memref<10000x128xf32, #tpu.memory_space<vmem_shared>> -> memref<10000x128xf32, #tpu.memory_space<vmem_shared>>
    tpu.enqueue_indirect_dma source(%arg11 : memref<125x128xf32, #tpu.memory_space<vmem>>) target(%dma_start3A_135 : memref<10000x128xf32, #tpu.memory_space<vmem_shared>>) offsets(%arg9 : memref<125xi32, #tpu.memory_space<vmem>>) semaphore(%arg16 : memref<!tpu.dma_semaphore, #tpu.memory_space<semaphore_mem>>) {add = true}
    %dma_wait3A_136 = arith.constant 0 : i32
    %dma_wait3A_137 = arith.constant 0 : i32
    %dma_wait3A_138 = tpu.memref_slice %arg12[%dma_wait3A_136, %dma_wait3A_137] : memref<10000x128xf32, #tpu.memory_space<vmem_shared>> -> memref<10000x128xf32, #tpu.memory_space<vmem_shared>>
    tpu.wait_indirect_dma semaphore(%arg15 : memref<!tpu.dma_semaphore, #tpu.memory_space<semaphore_mem>>) src(%arg10 : memref<125x128xf32, #tpu.memory_space<vmem>>) dst(%dma_wait3A_138 : memref<10000x128xf32, #tpu.memory_space<vmem_shared>>)
    %dma_wait3A_139 = arith.constant 0 : i32
    %dma_wait3A_140 = arith.constant 0 : i32
    %dma_wait3A_141 = tpu.memref_slice %arg12[%dma_wait3A_139, %dma_wait3A_140] : memref<10000x128xf32, #tpu.memory_space<vmem_shared>> -> memref<10000x128xf32, #tpu.memory_space<vmem_shared>>
    tpu.wait_indirect_dma semaphore(%arg16 : memref<!tpu.dma_semaphore, #tpu.memory_space<semaphore_mem>>) src(%arg11 : memref<125x128xf32, #tpu.memory_space<vmem>>) dst(%dma_wait3A_141 : memref<10000x128xf32, #tpu.memory_space<vmem_shared>>)
    %barrier3A_142 = arith.constant 0 : index
    tpu.barrier barrier_id(%barrier3A_142)
    %mul3A_143 = arith.constant 625 : i32
    %mul3A_144 = arith.muli %arg1, %mul3A_143 : i32
    "tpu.region"() ({
      %run_scoped3A = tpu.sem_alloc : memref<!tpu.dma_semaphore, #tpu.memory_space<semaphore_mem>>
      %dma_start3A_145 = arith.constant 0 : i32
      %dma_start3A_146 = arith.constant 0 : i32
      %dma_start3A_147 = tpu.memref_slice %arg6[%arg0, %arg1, %dma_start3A_145, %dma_start3A_146] : memref<2x16x625x128xf32, #tpu.memory_space<hbm>> -> memref<1x1x625x128xf32, #tpu.memory_space<hbm>>
      %dma_start3A_148 = tpu.memref_squeeze %dma_start3A_147 : memref<1x1x625x128xf32, #tpu.memory_space<hbm>> -> memref<625x128xf32, #tpu.memory_space<hbm>>
      %dma_start3A_149 = arith.constant 0 : i32
      %dma_start3A_150 = tpu.memref_slice %arg12[%mul3A_144, %dma_start3A_149] : memref<10000x128xf32, #tpu.memory_space<vmem_shared>> -> memref<625x128xf32, #tpu.memory_space<vmem_shared>>
      tpu.enqueue_dma source(%dma_start3A_150 : memref<625x128xf32, #tpu.memory_space<vmem_shared>>) target(%dma_start3A_148 : memref<625x128xf32, #tpu.memory_space<hbm>>) target_semaphore(%run_scoped3A : memref<!tpu.dma_semaphore, #tpu.memory_space<semaphore_mem>>)
      %dma_wait3A_151 = arith.constant 0 : i32
      %dma_wait3A_152 = arith.constant 0 : i32
      %dma_wait3A_153 = tpu.memref_slice %arg6[%arg0, %arg1, %dma_wait3A_151, %dma_wait3A_152] : memref<2x16x625x128xf32, #tpu.memory_space<hbm>> -> memref<1x1x625x128xf32, #tpu.memory_space<hbm>>
      %dma_wait3A_154 = tpu.memref_squeeze %dma_wait3A_153 : memref<1x1x625x128xf32, #tpu.memory_space<hbm>> -> memref<625x128xf32, #tpu.memory_space<hbm>>
      %dma_wait3A_155 = arith.constant 0 : i32
      %dma_wait3A_156 = tpu.memref_slice %arg12[%mul3A_144, %dma_wait3A_155] : memref<10000x128xf32, #tpu.memory_space<vmem_shared>> -> memref<625x128xf32, #tpu.memory_space<vmem_shared>>
      tpu.wait_dma2 semaphore(%run_scoped3A : memref<!tpu.dma_semaphore, #tpu.memory_space<semaphore_mem>>) src(%dma_wait3A_156 : memref<625x128xf32, #tpu.memory_space<vmem_shared>>) dst(%dma_wait3A_154 : memref<625x128xf32, #tpu.memory_space<hbm>>)
      tpu.yield
    }) : () -> ()
    return
  }
}

#map = affine_map<(d0, d1) -> (0, 0)>
#map1 = affine_map<(d0, d1) -> (0, 0, 0)>
#map2 = affine_map<(d0, d1) -> (0, 0, 0, 0)>
module attributes {stable_mosaic.version = 14 : i64} {
  func.func @agg_kernel(%arg0: i32, %arg1: i32, %arg2: memref<10000x128xf32, #tpu.memory_space<hbm>>, %arg3: memref<32x80x125xi32, #tpu.memory_space<hbm>>, %arg4: memref<32x80x125xi32, #tpu.memory_space<hbm>>, %arg5: memref<625x128xf32, #tpu.memory_space<hbm>>, %arg6: memref<2x16x625x128xf32, #tpu.memory_space<hbm>>, %arg7: memref<80x125xi32, #tpu.memory_space<vmem>>, %arg8: memref<125xi32, #tpu.memory_space<vmem>>, %arg9: memref<125xi32, #tpu.memory_space<vmem>>, %arg10: memref<125x128xf32, #tpu.memory_space<vmem>>, %arg11: memref<125x128xf32, #tpu.memory_space<vmem>>, %arg12: memref<10000x128xf32, #tpu.memory_space<vmem_shared>>, %arg13: memref<!tpu.dma_semaphore, #tpu.memory_space<semaphore_mem>>, %arg14: memref<!tpu.dma_semaphore, #tpu.memory_space<semaphore_mem>>, %arg15: memref<!tpu.dma_semaphore, #tpu.memory_space<semaphore_mem>>, %arg16: memref<!tpu.dma_semaphore, #tpu.memory_space<semaphore_mem>>, %arg17: memref<!tpu.dma_semaphore, #tpu.memory_space<semaphore_mem>>, %arg18: memref<!tpu.dma_semaphore, #tpu.memory_space<semaphore_mem>>) attributes {dimension_semantics = [#tpu.dimension_semantics<core_parallel>, #tpu.dimension_semantics<subcore_parallel>], iteration_bounds = array<i64: 2, 16>, scalar_prefetch = 0 : i64, scratch_operands = 12 : i64, tpu.core_type = #tpu.core_type<sc_vector_subcore>, window_params = [{transform_indices = #map}, {transform_indices = #map1}, {transform_indices = #map1}, {transform_indices = #map}, {transform_indices = #map2}]} {
    %mul3A = arith.constant 16 : i32
    %mul3A_0 = arith.muli %arg0, %mul3A : i32
    %add3A = arith.addi %mul3A_0, %arg1 : i32
    "tpu.region"() ({
      %run_scoped3A = tpu.sem_alloc : memref<!tpu.dma_semaphore, #tpu.memory_space<semaphore_mem>>
      %dma_start3A_145 = arith.constant 0 : i32
      %dma_start3A_146 = arith.constant 0 : i32
      %dma_start3A_147 = tpu.memref_slice %arg3[%add3A, %dma_start3A_145, %dma_start3A_146] : memref<32x80x125xi32, #tpu.memory_space<hbm>> -> memref<1x80x125xi32, #tpu.memory_space<hbm>>
      %dma_start3A_148 = tpu.memref_squeeze %dma_start3A_147 : memref<1x80x125xi32, #tpu.memory_space<hbm>> -> memref<80x125xi32, #tpu.memory_space<hbm>>
      %dma_start3A_149 = arith.constant 0 : i32
      %dma_start3A_150 = arith.constant 0 : i32
      %dma_start3A_151 = tpu.memref_slice %arg3[%add3A, %dma_start3A_149, %dma_start3A_150] : memref<32x80x125xi32, #tpu.memory_space<hbm>> -> memref<1x80x125xi32, #tpu.memory_space<hbm>>
      %dma_start3A_152 = tpu.memref_squeeze %dma_start3A_151 : memref<1x80x125xi32, #tpu.memory_space<hbm>> -> memref<80x125xi32, #tpu.memory_space<hbm>>
      tpu.enqueue_dma source(%dma_start3A_152 : memref<80x125xi32, #tpu.memory_space<hbm>>) target(%arg7 : memref<80x125xi32, #tpu.memory_space<vmem>>) target_semaphore(%run_scoped3A : memref<!tpu.dma_semaphore, #tpu.memory_space<semaphore_mem>>)
      %dma_wait3A_153 = arith.constant 0 : i32
      %dma_wait3A_154 = arith.constant 0 : i32
      %dma_wait3A_155 = tpu.memref_slice %arg3[%add3A, %dma_wait3A_153, %dma_wait3A_154] : memref<32x80x125xi32, #tpu.memory_space<hbm>> -> memref<1x80x125xi32, #tpu.memory_space<hbm>>
      %dma_wait3A_156 = tpu.memref_squeeze %dma_wait3A_155 : memref<1x80x125xi32, #tpu.memory_space<hbm>> -> memref<80x125xi32, #tpu.memory_space<hbm>>
      %dma_wait3A_157 = arith.constant 0 : i32
      %dma_wait3A_158 = arith.constant 0 : i32
      %dma_wait3A_159 = tpu.memref_slice %arg3[%add3A, %dma_wait3A_157, %dma_wait3A_158] : memref<32x80x125xi32, #tpu.memory_space<hbm>> -> memref<1x80x125xi32, #tpu.memory_space<hbm>>
      %dma_wait3A_160 = tpu.memref_squeeze %dma_wait3A_159 : memref<1x80x125xi32, #tpu.memory_space<hbm>> -> memref<80x125xi32, #tpu.memory_space<hbm>>
      tpu.wait_dma2 semaphore(%run_scoped3A : memref<!tpu.dma_semaphore, #tpu.memory_space<semaphore_mem>>) src(%dma_wait3A_160 : memref<80x125xi32, #tpu.memory_space<hbm>>) dst(%arg7 : memref<80x125xi32, #tpu.memory_space<vmem>>)
      tpu.yield
    }) : () -> ()
    %dma_start3A = arith.constant 0 : i32
    %dma_start3A_1 = arith.constant 0 : i32
    %dma_start3A_2 = tpu.memref_slice %arg4[%add3A, %dma_start3A, %dma_start3A_1] : memref<32x80x125xi32, #tpu.memory_space<hbm>> -> memref<1x1x125xi32, #tpu.memory_space<hbm>>
    %dma_start3A_3 = tpu.memref_squeeze %dma_start3A_2 : memref<1x1x125xi32, #tpu.memory_space<hbm>> -> memref<125xi32, #tpu.memory_space<hbm>>
    %dma_start3A_4 = arith.constant 0 : i32
    %dma_start3A_5 = tpu.memref_slice %arg4[%add3A, %dma_start3A, %dma_start3A_4] : memref<32x80x125xi32, #tpu.memory_space<hbm>> -> memref<1x1x125xi32, #tpu.memory_space<hbm>>
    %dma_start3A_6 = tpu.memref_squeeze %dma_start3A_5 : memref<1x1x125xi32, #tpu.memory_space<hbm>> -> memref<125xi32, #tpu.memory_space<hbm>>
    tpu.enqueue_dma source(%dma_start3A_6 : memref<125xi32, #tpu.memory_space<hbm>>) target(%arg8 : memref<125xi32, #tpu.memory_space<vmem>>) target_semaphore(%arg17 : memref<!tpu.dma_semaphore, #tpu.memory_space<semaphore_mem>>)
    %dma_start3A_7 = arith.constant 0 : i32
    %dma_start3A_8 = arith.constant 0 : i32
    %dma_start3A_9 = tpu.memref_slice %arg7[%dma_start3A_7, %dma_start3A_8] : memref<80x125xi32, #tpu.memory_space<vmem>> -> memref<1x125xi32, #tpu.memory_space<vmem>>
    %dma_start3A_10 = tpu.memref_squeeze %dma_start3A_9 : memref<1x125xi32, #tpu.memory_space<vmem>> -> memref<125xi32, #tpu.memory_space<vmem>>
    %dma_start3A_11 = arith.constant 0 : i32
    %dma_start3A_12 = arith.constant 0 : i32
    %dma_start3A_13 = tpu.memref_slice %arg2[%dma_start3A_11, %dma_start3A_12] : memref<10000x128xf32, #tpu.memory_space<hbm>> -> memref<10000x128xf32, #tpu.memory_space<hbm>>
    tpu.enqueue_indirect_dma source(%dma_start3A_13 : memref<10000x128xf32, #tpu.memory_space<hbm>>) target(%arg10 : memref<125x128xf32, #tpu.memory_space<vmem>>) offsets(%dma_start3A_10 : memref<125xi32, #tpu.memory_space<vmem>>) semaphore(%arg13 : memref<!tpu.dma_semaphore, #tpu.memory_space<semaphore_mem>>)
    %dma_start3A_14 = arith.constant 1 : i32
    %dma_start3A_15 = arith.constant 0 : i32
    %dma_start3A_16 = tpu.memref_slice %arg4[%add3A, %dma_start3A_14, %dma_start3A_15] : memref<32x80x125xi32, #tpu.memory_space<hbm>> -> memref<1x1x125xi32, #tpu.memory_space<hbm>>
    %dma_start3A_17 = tpu.memref_squeeze %dma_start3A_16 : memref<1x1x125xi32, #tpu.memory_space<hbm>> -> memref<125xi32, #tpu.memory_space<hbm>>
    %dma_start3A_18 = arith.constant 0 : i32
    %dma_start3A_19 = tpu.memref_slice %arg4[%add3A, %dma_start3A_14, %dma_start3A_18] : memref<32x80x125xi32, #tpu.memory_space<hbm>> -> memref<1x1x125xi32, #tpu.memory_space<hbm>>
    %dma_start3A_20 = tpu.memref_squeeze %dma_start3A_19 : memref<1x1x125xi32, #tpu.memory_space<hbm>> -> memref<125xi32, #tpu.memory_space<hbm>>
    tpu.enqueue_dma source(%dma_start3A_20 : memref<125xi32, #tpu.memory_space<hbm>>) target(%arg9 : memref<125xi32, #tpu.memory_space<vmem>>) target_semaphore(%arg18 : memref<!tpu.dma_semaphore, #tpu.memory_space<semaphore_mem>>)
    %mul3A_21 = arith.constant 625 : i32
    %mul3A_22 = arith.muli %arg1, %mul3A_21 : i32
    "tpu.region"() ({
      %run_scoped3A = tpu.sem_alloc : memref<!tpu.dma_semaphore, #tpu.memory_space<semaphore_mem>>
      %dma_start3A_145 = arith.constant 0 : i32
      %dma_start3A_146 = tpu.memref_slice %arg12[%mul3A_22, %dma_start3A_145] : memref<10000x128xf32, #tpu.memory_space<vmem_shared>> -> memref<625x128xf32, #tpu.memory_space<vmem_shared>>
      tpu.enqueue_dma source(%arg5 : memref<625x128xf32, #tpu.memory_space<hbm>>) target(%dma_start3A_146 : memref<625x128xf32, #tpu.memory_space<vmem_shared>>) target_semaphore(%run_scoped3A : memref<!tpu.dma_semaphore, #tpu.memory_space<semaphore_mem>>)
      %dma_wait3A_147 = arith.constant 0 : i32
      %dma_wait3A_148 = tpu.memref_slice %arg12[%mul3A_22, %dma_wait3A_147] : memref<10000x128xf32, #tpu.memory_space<vmem_shared>> -> memref<625x128xf32, #tpu.memory_space<vmem_shared>>
      tpu.wait_dma2 semaphore(%run_scoped3A : memref<!tpu.dma_semaphore, #tpu.memory_space<semaphore_mem>>) src(%arg5 : memref<625x128xf32, #tpu.memory_space<hbm>>) dst(%dma_wait3A_148 : memref<625x128xf32, #tpu.memory_space<vmem_shared>>)
      tpu.yield
    }) : () -> ()
    %barrier3A = arith.constant 0 : index
    tpu.barrier barrier_id(%barrier3A)
    %dma_wait3A = arith.constant 0 : i32
    %dma_wait3A_23 = arith.constant 0 : i32
    %dma_wait3A_24 = tpu.memref_slice %arg7[%dma_wait3A, %dma_wait3A_23] : memref<80x125xi32, #tpu.memory_space<vmem>> -> memref<1x125xi32, #tpu.memory_space<vmem>>
    %dma_wait3A_25 = tpu.memref_squeeze %dma_wait3A_24 : memref<1x125xi32, #tpu.memory_space<vmem>> -> memref<125xi32, #tpu.memory_space<vmem>>
    %dma_wait3A_26 = arith.constant 0 : i32
    %dma_wait3A_27 = arith.constant 0 : i32
    %dma_wait3A_28 = tpu.memref_slice %arg2[%dma_wait3A_26, %dma_wait3A_27] : memref<10000x128xf32, #tpu.memory_space<hbm>> -> memref<10000x128xf32, #tpu.memory_space<hbm>>
    tpu.wait_indirect_dma semaphore(%arg13 : memref<!tpu.dma_semaphore, #tpu.memory_space<semaphore_mem>>) src(%dma_wait3A_28 : memref<10000x128xf32, #tpu.memory_space<hbm>>) dst(%arg10 : memref<125x128xf32, #tpu.memory_space<vmem>>)
    %dma_wait3A_29 = arith.constant 0 : i32
    %dma_wait3A_30 = arith.constant 0 : i32
    %dma_wait3A_31 = tpu.memref_slice %arg4[%add3A, %dma_wait3A_29, %dma_wait3A_30] : memref<32x80x125xi32, #tpu.memory_space<hbm>> -> memref<1x1x125xi32, #tpu.memory_space<hbm>>
    %dma_wait3A_32 = tpu.memref_squeeze %dma_wait3A_31 : memref<1x1x125xi32, #tpu.memory_space<hbm>> -> memref<125xi32, #tpu.memory_space<hbm>>
    %dma_wait3A_33 = arith.constant 0 : i32
    %dma_wait3A_34 = tpu.memref_slice %arg4[%add3A, %dma_wait3A_29, %dma_wait3A_33] : memref<32x80x125xi32, #tpu.memory_space<hbm>> -> memref<1x1x125xi32, #tpu.memory_space<hbm>>
    %dma_wait3A_35 = tpu.memref_squeeze %dma_wait3A_34 : memref<1x1x125xi32, #tpu.memory_space<hbm>> -> memref<125xi32, #tpu.memory_space<hbm>>
    tpu.wait_dma2 semaphore(%arg17 : memref<!tpu.dma_semaphore, #tpu.memory_space<semaphore_mem>>) src(%dma_wait3A_35 : memref<125xi32, #tpu.memory_space<hbm>>) dst(%arg8 : memref<125xi32, #tpu.memory_space<vmem>>)
    %dma_start3A_36 = arith.constant 0 : i32
    %dma_start3A_37 = arith.constant 0 : i32
    %dma_start3A_38 = tpu.memref_slice %arg12[%dma_start3A_36, %dma_start3A_37] : memref<10000x128xf32, #tpu.memory_space<vmem_shared>> -> memref<10000x128xf32, #tpu.memory_space<vmem_shared>>
    tpu.enqueue_indirect_dma source(%arg10 : memref<125x128xf32, #tpu.memory_space<vmem>>) target(%dma_start3A_38 : memref<10000x128xf32, #tpu.memory_space<vmem_shared>>) offsets(%arg8 : memref<125xi32, #tpu.memory_space<vmem>>) semaphore(%arg15 : memref<!tpu.dma_semaphore, #tpu.memory_space<semaphore_mem>>) {add = true}
    %dma_start3A_39 = arith.constant 1 : i32
    %dma_start3A_40 = arith.constant 0 : i32
    %dma_start3A_41 = tpu.memref_slice %arg7[%dma_start3A_39, %dma_start3A_40] : memref<80x125xi32, #tpu.memory_space<vmem>> -> memref<1x125xi32, #tpu.memory_space<vmem>>
    %dma_start3A_42 = tpu.memref_squeeze %dma_start3A_41 : memref<1x125xi32, #tpu.memory_space<vmem>> -> memref<125xi32, #tpu.memory_space<vmem>>
    %dma_start3A_43 = arith.constant 0 : i32
    %dma_start3A_44 = arith.constant 0 : i32
    %dma_start3A_45 = tpu.memref_slice %arg2[%dma_start3A_43, %dma_start3A_44] : memref<10000x128xf32, #tpu.memory_space<hbm>> -> memref<10000x128xf32, #tpu.memory_space<hbm>>
    tpu.enqueue_indirect_dma source(%dma_start3A_45 : memref<10000x128xf32, #tpu.memory_space<hbm>>) target(%arg11 : memref<125x128xf32, #tpu.memory_space<vmem>>) offsets(%dma_start3A_42 : memref<125xi32, #tpu.memory_space<vmem>>) semaphore(%arg14 : memref<!tpu.dma_semaphore, #tpu.memory_space<semaphore_mem>>)
    %scan3A = arith.constant 0 : i32
    %scan3A_46 = arith.constant 0 : i32
    %scan3A_47 = arith.constant 38 : i32
    %scan3A_48 = arith.addi %scan3A_46, %scan3A_47 : i32
    %scan3A_49 = arith.constant 1 : i32
    scf.for %scan3A_145 = %scan3A_46 to %scan3A_48 step %scan3A_49  : i32 {
      %mul3A_146 = arith.constant 2 : i32
      %mul3A_147 = arith.muli %mul3A_146, %scan3A_145 : i32
      %add3A_148 = arith.constant 1 : i32
      %add3A_149 = arith.addi %mul3A_147, %add3A_148 : i32
      %dma_wait3A_150 = arith.constant 0 : i32
      %dma_wait3A_151 = tpu.memref_slice %arg7[%add3A_149, %dma_wait3A_150] : memref<80x125xi32, #tpu.memory_space<vmem>> -> memref<1x125xi32, #tpu.memory_space<vmem>>
      %dma_wait3A_152 = tpu.memref_squeeze %dma_wait3A_151 : memref<1x125xi32, #tpu.memory_space<vmem>> -> memref<125xi32, #tpu.memory_space<vmem>>
      %dma_wait3A_153 = arith.constant 0 : i32
      %dma_wait3A_154 = arith.constant 0 : i32
      %dma_wait3A_155 = tpu.memref_slice %arg2[%dma_wait3A_153, %dma_wait3A_154] : memref<10000x128xf32, #tpu.memory_space<hbm>> -> memref<10000x128xf32, #tpu.memory_space<hbm>>
      tpu.wait_indirect_dma semaphore(%arg14 : memref<!tpu.dma_semaphore, #tpu.memory_space<semaphore_mem>>) src(%dma_wait3A_155 : memref<10000x128xf32, #tpu.memory_space<hbm>>) dst(%arg11 : memref<125x128xf32, #tpu.memory_space<vmem>>)
      %dma_wait3A_156 = arith.constant 0 : i32
      %dma_wait3A_157 = tpu.memref_slice %arg4[%add3A, %add3A_149, %dma_wait3A_156] : memref<32x80x125xi32, #tpu.memory_space<hbm>> -> memref<1x1x125xi32, #tpu.memory_space<hbm>>
      %dma_wait3A_158 = tpu.memref_squeeze %dma_wait3A_157 : memref<1x1x125xi32, #tpu.memory_space<hbm>> -> memref<125xi32, #tpu.memory_space<hbm>>
      %dma_wait3A_159 = arith.constant 0 : i32
      %dma_wait3A_160 = tpu.memref_slice %arg4[%add3A, %add3A_149, %dma_wait3A_159] : memref<32x80x125xi32, #tpu.memory_space<hbm>> -> memref<1x1x125xi32, #tpu.memory_space<hbm>>
      %dma_wait3A_161 = tpu.memref_squeeze %dma_wait3A_160 : memref<1x1x125xi32, #tpu.memory_space<hbm>> -> memref<125xi32, #tpu.memory_space<hbm>>
      tpu.wait_dma2 semaphore(%arg18 : memref<!tpu.dma_semaphore, #tpu.memory_space<semaphore_mem>>) src(%dma_wait3A_161 : memref<125xi32, #tpu.memory_space<hbm>>) dst(%arg9 : memref<125xi32, #tpu.memory_space<vmem>>)
      %dma_start3A_162 = arith.constant 0 : i32
      %dma_start3A_163 = arith.constant 0 : i32
      %dma_start3A_164 = tpu.memref_slice %arg12[%dma_start3A_162, %dma_start3A_163] : memref<10000x128xf32, #tpu.memory_space<vmem_shared>> -> memref<10000x128xf32, #tpu.memory_space<vmem_shared>>
      tpu.enqueue_indirect_dma source(%arg11 : memref<125x128xf32, #tpu.memory_space<vmem>>) target(%dma_start3A_164 : memref<10000x128xf32, #tpu.memory_space<vmem_shared>>) offsets(%arg9 : memref<125xi32, #tpu.memory_space<vmem>>) semaphore(%arg16 : memref<!tpu.dma_semaphore, #tpu.memory_space<semaphore_mem>>) {add = true}
      %sub3A = arith.constant 1 : i32
      %sub3A_165 = arith.subi %add3A_149, %sub3A : i32
      %dma_wait3A_166 = arith.constant 0 : i32
      %dma_wait3A_167 = arith.constant 0 : i32
      %dma_wait3A_168 = tpu.memref_slice %arg12[%dma_wait3A_166, %dma_wait3A_167] : memref<10000x128xf32, #tpu.memory_space<vmem_shared>> -> memref<10000x128xf32, #tpu.memory_space<vmem_shared>>
      tpu.wait_indirect_dma semaphore(%arg15 : memref<!tpu.dma_semaphore, #tpu.memory_space<semaphore_mem>>) src(%arg10 : memref<125x128xf32, #tpu.memory_space<vmem>>) dst(%dma_wait3A_168 : memref<10000x128xf32, #tpu.memory_space<vmem_shared>>)
      %add3A_169 = arith.constant 1 : i32
      %add3A_170 = arith.addi %add3A_149, %add3A_169 : i32
      %dma_start3A_171 = arith.constant 0 : i32
      %dma_start3A_172 = tpu.memref_slice %arg4[%add3A, %add3A_170, %dma_start3A_171] : memref<32x80x125xi32, #tpu.memory_space<hbm>> -> memref<1x1x125xi32, #tpu.memory_space<hbm>>
      %dma_start3A_173 = tpu.memref_squeeze %dma_start3A_172 : memref<1x1x125xi32, #tpu.memory_space<hbm>> -> memref<125xi32, #tpu.memory_space<hbm>>
      %dma_start3A_174 = arith.constant 0 : i32
      %dma_start3A_175 = tpu.memref_slice %arg4[%add3A, %add3A_170, %dma_start3A_174] : memref<32x80x125xi32, #tpu.memory_space<hbm>> -> memref<1x1x125xi32, #tpu.memory_space<hbm>>
      %dma_start3A_176 = tpu.memref_squeeze %dma_start3A_175 : memref<1x1x125xi32, #tpu.memory_space<hbm>> -> memref<125xi32, #tpu.memory_space<hbm>>
      tpu.enqueue_dma source(%dma_start3A_176 : memref<125xi32, #tpu.memory_space<hbm>>) target(%arg8 : memref<125xi32, #tpu.memory_space<vmem>>) target_semaphore(%arg17 : memref<!tpu.dma_semaphore, #tpu.memory_space<semaphore_mem>>)
      %add3A_177 = arith.constant 1 : i32
      %add3A_178 = arith.addi %add3A_149, %add3A_177 : i32
      %dma_start3A_179 = arith.constant 0 : i32
      %dma_start3A_180 = tpu.memref_slice %arg7[%add3A_178, %dma_start3A_179] : memref<80x125xi32, #tpu.memory_space<vmem>> -> memref<1x125xi32, #tpu.memory_space<vmem>>
      %dma_start3A_181 = tpu.memref_squeeze %dma_start3A_180 : memref<1x125xi32, #tpu.memory_space<vmem>> -> memref<125xi32, #tpu.memory_space<vmem>>
      %dma_start3A_182 = arith.constant 0 : i32
      %dma_start3A_183 = arith.constant 0 : i32
      %dma_start3A_184 = tpu.memref_slice %arg2[%dma_start3A_182, %dma_start3A_183] : memref<10000x128xf32, #tpu.memory_space<hbm>> -> memref<10000x128xf32, #tpu.memory_space<hbm>>
      tpu.enqueue_indirect_dma source(%dma_start3A_184 : memref<10000x128xf32, #tpu.memory_space<hbm>>) target(%arg10 : memref<125x128xf32, #tpu.memory_space<vmem>>) offsets(%dma_start3A_181 : memref<125xi32, #tpu.memory_space<vmem>>) semaphore(%arg13 : memref<!tpu.dma_semaphore, #tpu.memory_space<semaphore_mem>>)
      %mul3A_185 = arith.constant 2 : i32
      %mul3A_186 = arith.muli %mul3A_185, %scan3A_145 : i32
      %add3A_187 = arith.constant 2 : i32
      %add3A_188 = arith.addi %mul3A_186, %add3A_187 : i32
      %dma_wait3A_189 = arith.constant 0 : i32
      %dma_wait3A_190 = tpu.memref_slice %arg7[%add3A_188, %dma_wait3A_189] : memref<80x125xi32, #tpu.memory_space<vmem>> -> memref<1x125xi32, #tpu.memory_space<vmem>>
      %dma_wait3A_191 = tpu.memref_squeeze %dma_wait3A_190 : memref<1x125xi32, #tpu.memory_space<vmem>> -> memref<125xi32, #tpu.memory_space<vmem>>
      %dma_wait3A_192 = arith.constant 0 : i32
      %dma_wait3A_193 = arith.constant 0 : i32
      %dma_wait3A_194 = tpu.memref_slice %arg2[%dma_wait3A_192, %dma_wait3A_193] : memref<10000x128xf32, #tpu.memory_space<hbm>> -> memref<10000x128xf32, #tpu.memory_space<hbm>>
      tpu.wait_indirect_dma semaphore(%arg13 : memref<!tpu.dma_semaphore, #tpu.memory_space<semaphore_mem>>) src(%dma_wait3A_194 : memref<10000x128xf32, #tpu.memory_space<hbm>>) dst(%arg10 : memref<125x128xf32, #tpu.memory_space<vmem>>)
      %dma_wait3A_195 = arith.constant 0 : i32
      %dma_wait3A_196 = tpu.memref_slice %arg4[%add3A, %add3A_188, %dma_wait3A_195] : memref<32x80x125xi32, #tpu.memory_space<hbm>> -> memref<1x1x125xi32, #tpu.memory_space<hbm>>
      %dma_wait3A_197 = tpu.memref_squeeze %dma_wait3A_196 : memref<1x1x125xi32, #tpu.memory_space<hbm>> -> memref<125xi32, #tpu.memory_space<hbm>>
      %dma_wait3A_198 = arith.constant 0 : i32
      %dma_wait3A_199 = tpu.memref_slice %arg4[%add3A, %add3A_188, %dma_wait3A_198] : memref<32x80x125xi32, #tpu.memory_space<hbm>> -> memref<1x1x125xi32, #tpu.memory_space<hbm>>
      %dma_wait3A_200 = tpu.memref_squeeze %dma_wait3A_199 : memref<1x1x125xi32, #tpu.memory_space<hbm>> -> memref<125xi32, #tpu.memory_space<hbm>>
      tpu.wait_dma2 semaphore(%arg17 : memref<!tpu.dma_semaphore, #tpu.memory_space<semaphore_mem>>) src(%dma_wait3A_200 : memref<125xi32, #tpu.memory_space<hbm>>) dst(%arg8 : memref<125xi32, #tpu.memory_space<vmem>>)
      %dma_start3A_201 = arith.constant 0 : i32
      %dma_start3A_202 = arith.constant 0 : i32
      %dma_start3A_203 = tpu.memref_slice %arg12[%dma_start3A_201, %dma_start3A_202] : memref<10000x128xf32, #tpu.memory_space<vmem_shared>> -> memref<10000x128xf32, #tpu.memory_space<vmem_shared>>
      tpu.enqueue_indirect_dma source(%arg10 : memref<125x128xf32, #tpu.memory_space<vmem>>) target(%dma_start3A_203 : memref<10000x128xf32, #tpu.memory_space<vmem_shared>>) offsets(%arg8 : memref<125xi32, #tpu.memory_space<vmem>>) semaphore(%arg15 : memref<!tpu.dma_semaphore, #tpu.memory_space<semaphore_mem>>) {add = true}
      %sub3A_204 = arith.constant 1 : i32
      %sub3A_205 = arith.subi %add3A_188, %sub3A_204 : i32
      %dma_wait3A_206 = arith.constant 0 : i32
      %dma_wait3A_207 = arith.constant 0 : i32
      %dma_wait3A_208 = tpu.memref_slice %arg12[%dma_wait3A_206, %dma_wait3A_207] : memref<10000x128xf32, #tpu.memory_space<vmem_shared>> -> memref<10000x128xf32, #tpu.memory_space<vmem_shared>>
      tpu.wait_indirect_dma semaphore(%arg16 : memref<!tpu.dma_semaphore, #tpu.memory_space<semaphore_mem>>) src(%arg11 : memref<125x128xf32, #tpu.memory_space<vmem>>) dst(%dma_wait3A_208 : memref<10000x128xf32, #tpu.memory_space<vmem_shared>>)
      %add3A_209 = arith.constant 1 : i32
      %add3A_210 = arith.addi %add3A_188, %add3A_209 : i32
      %dma_start3A_211 = arith.constant 0 : i32
      %dma_start3A_212 = tpu.memref_slice %arg4[%add3A, %add3A_210, %dma_start3A_211] : memref<32x80x125xi32, #tpu.memory_space<hbm>> -> memref<1x1x125xi32, #tpu.memory_space<hbm>>
      %dma_start3A_213 = tpu.memref_squeeze %dma_start3A_212 : memref<1x1x125xi32, #tpu.memory_space<hbm>> -> memref<125xi32, #tpu.memory_space<hbm>>
      %dma_start3A_214 = arith.constant 0 : i32
      %dma_start3A_215 = tpu.memref_slice %arg4[%add3A, %add3A_210, %dma_start3A_214] : memref<32x80x125xi32, #tpu.memory_space<hbm>> -> memref<1x1x125xi32, #tpu.memory_space<hbm>>
      %dma_start3A_216 = tpu.memref_squeeze %dma_start3A_215 : memref<1x1x125xi32, #tpu.memory_space<hbm>> -> memref<125xi32, #tpu.memory_space<hbm>>
      tpu.enqueue_dma source(%dma_start3A_216 : memref<125xi32, #tpu.memory_space<hbm>>) target(%arg9 : memref<125xi32, #tpu.memory_space<vmem>>) target_semaphore(%arg18 : memref<!tpu.dma_semaphore, #tpu.memory_space<semaphore_mem>>)
      %add3A_217 = arith.constant 1 : i32
      %add3A_218 = arith.addi %add3A_188, %add3A_217 : i32
      %dma_start3A_219 = arith.constant 0 : i32
      %dma_start3A_220 = tpu.memref_slice %arg7[%add3A_218, %dma_start3A_219] : memref<80x125xi32, #tpu.memory_space<vmem>> -> memref<1x125xi32, #tpu.memory_space<vmem>>
      %dma_start3A_221 = tpu.memref_squeeze %dma_start3A_220 : memref<1x125xi32, #tpu.memory_space<vmem>> -> memref<125xi32, #tpu.memory_space<vmem>>
      %dma_start3A_222 = arith.constant 0 : i32
      %dma_start3A_223 = arith.constant 0 : i32
      %dma_start3A_224 = tpu.memref_slice %arg2[%dma_start3A_222, %dma_start3A_223] : memref<10000x128xf32, #tpu.memory_space<hbm>> -> memref<10000x128xf32, #tpu.memory_space<hbm>>
      tpu.enqueue_indirect_dma source(%dma_start3A_224 : memref<10000x128xf32, #tpu.memory_space<hbm>>) target(%arg11 : memref<125x128xf32, #tpu.memory_space<vmem>>) offsets(%dma_start3A_221 : memref<125xi32, #tpu.memory_space<vmem>>) semaphore(%arg14 : memref<!tpu.dma_semaphore, #tpu.memory_space<semaphore_mem>>)
    }
    %scan3A_50 = arith.constant 38 : i32
    %dma_wait3A_51 = arith.constant 77 : i32
    %dma_wait3A_52 = arith.constant 0 : i32
    %dma_wait3A_53 = tpu.memref_slice %arg7[%dma_wait3A_51, %dma_wait3A_52] : memref<80x125xi32, #tpu.memory_space<vmem>> -> memref<1x125xi32, #tpu.memory_space<vmem>>
    %dma_wait3A_54 = tpu.memref_squeeze %dma_wait3A_53 : memref<1x125xi32, #tpu.memory_space<vmem>> -> memref<125xi32, #tpu.memory_space<vmem>>
    %dma_wait3A_55 = arith.constant 0 : i32
    %dma_wait3A_56 = arith.constant 0 : i32
    %dma_wait3A_57 = tpu.memref_slice %arg2[%dma_wait3A_55, %dma_wait3A_56] : memref<10000x128xf32, #tpu.memory_space<hbm>> -> memref<10000x128xf32, #tpu.memory_space<hbm>>
    tpu.wait_indirect_dma semaphore(%arg14 : memref<!tpu.dma_semaphore, #tpu.memory_space<semaphore_mem>>) src(%dma_wait3A_57 : memref<10000x128xf32, #tpu.memory_space<hbm>>) dst(%arg11 : memref<125x128xf32, #tpu.memory_space<vmem>>)
    %dma_wait3A_58 = arith.constant 77 : i32
    %dma_wait3A_59 = arith.constant 0 : i32
    %dma_wait3A_60 = tpu.memref_slice %arg4[%add3A, %dma_wait3A_58, %dma_wait3A_59] : memref<32x80x125xi32, #tpu.memory_space<hbm>> -> memref<1x1x125xi32, #tpu.memory_space<hbm>>
    %dma_wait3A_61 = tpu.memref_squeeze %dma_wait3A_60 : memref<1x1x125xi32, #tpu.memory_space<hbm>> -> memref<125xi32, #tpu.memory_space<hbm>>
    %dma_wait3A_62 = arith.constant 0 : i32
    %dma_wait3A_63 = tpu.memref_slice %arg4[%add3A, %dma_wait3A_58, %dma_wait3A_62] : memref<32x80x125xi32, #tpu.memory_space<hbm>> -> memref<1x1x125xi32, #tpu.memory_space<hbm>>
    %dma_wait3A_64 = tpu.memref_squeeze %dma_wait3A_63 : memref<1x1x125xi32, #tpu.memory_space<hbm>> -> memref<125xi32, #tpu.memory_space<hbm>>
    tpu.wait_dma2 semaphore(%arg18 : memref<!tpu.dma_semaphore, #tpu.memory_space<semaphore_mem>>) src(%dma_wait3A_64 : memref<125xi32, #tpu.memory_space<hbm>>) dst(%arg9 : memref<125xi32, #tpu.memory_space<vmem>>)
    %dma_start3A_65 = arith.constant 0 : i32
    %dma_start3A_66 = arith.constant 0 : i32
    %dma_start3A_67 = tpu.memref_slice %arg12[%dma_start3A_65, %dma_start3A_66] : memref<10000x128xf32, #tpu.memory_space<vmem_shared>> -> memref<10000x128xf32, #tpu.memory_space<vmem_shared>>
    tpu.enqueue_indirect_dma source(%arg11 : memref<125x128xf32, #tpu.memory_space<vmem>>) target(%dma_start3A_67 : memref<10000x128xf32, #tpu.memory_space<vmem_shared>>) offsets(%arg9 : memref<125xi32, #tpu.memory_space<vmem>>) semaphore(%arg16 : memref<!tpu.dma_semaphore, #tpu.memory_space<semaphore_mem>>) {add = true}
    %dma_wait3A_68 = arith.constant 0 : i32
    %dma_wait3A_69 = arith.constant 0 : i32
    %dma_wait3A_70 = tpu.memref_slice %arg12[%dma_wait3A_68, %dma_wait3A_69] : memref<10000x128xf32, #tpu.memory_space<vmem_shared>> -> memref<10000x128xf32, #tpu.memory_space<vmem_shared>>
    tpu.wait_indirect_dma semaphore(%arg15 : memref<!tpu.dma_semaphore, #tpu.memory_space<semaphore_mem>>) src(%arg10 : memref<125x128xf32, #tpu.memory_space<vmem>>) dst(%dma_wait3A_70 : memref<10000x128xf32, #tpu.memory_space<vmem_shared>>)
    %dma_start3A_71 = arith.constant 78 : i32
    %dma_start3A_72 = arith.constant 0 : i32
    %dma_start3A_73 = tpu.memref_slice %arg4[%add3A, %dma_start3A_71, %dma_start3A_72] : memref<32x80x125xi32, #tpu.memory_space<hbm>> -> memref<1x1x125xi32, #tpu.memory_space<hbm>>
    %dma_start3A_74 = tpu.memref_squeeze %dma_start3A_73 : memref<1x1x125xi32, #tpu.memory_space<hbm>> -> memref<125xi32, #tpu.memory_space<hbm>>
    %dma_start3A_75 = arith.constant 0 : i32
    %dma_start3A_76 = tpu.memref_slice %arg4[%add3A, %dma_start3A_71, %dma_start3A_75] : memref<32x80x125xi32, #tpu.memory_space<hbm>> -> memref<1x1x125xi32, #tpu.memory_space<hbm>>
    %dma_start3A_77 = tpu.memref_squeeze %dma_start3A_76 : memref<1x1x125xi32, #tpu.memory_space<hbm>> -> memref<125xi32, #tpu.memory_space<hbm>>
    tpu.enqueue_dma source(%dma_start3A_77 : memref<125xi32, #tpu.memory_space<hbm>>) target(%arg8 : memref<125xi32, #tpu.memory_space<vmem>>) target_semaphore(%arg17 : memref<!tpu.dma_semaphore, #tpu.memory_space<semaphore_mem>>)
    %dma_start3A_78 = arith.constant 78 : i32
    %dma_start3A_79 = arith.constant 0 : i32
    %dma_start3A_80 = tpu.memref_slice %arg7[%dma_start3A_78, %dma_start3A_79] : memref<80x125xi32, #tpu.memory_space<vmem>> -> memref<1x125xi32, #tpu.memory_space<vmem>>
    %dma_start3A_81 = tpu.memref_squeeze %dma_start3A_80 : memref<1x125xi32, #tpu.memory_space<vmem>> -> memref<125xi32, #tpu.memory_space<vmem>>
    %dma_start3A_82 = arith.constant 0 : i32
    %dma_start3A_83 = arith.constant 0 : i32
    %dma_start3A_84 = tpu.memref_slice %arg2[%dma_start3A_82, %dma_start3A_83] : memref<10000x128xf32, #tpu.memory_space<hbm>> -> memref<10000x128xf32, #tpu.memory_space<hbm>>
    tpu.enqueue_indirect_dma source(%dma_start3A_84 : memref<10000x128xf32, #tpu.memory_space<hbm>>) target(%arg10 : memref<125x128xf32, #tpu.memory_space<vmem>>) offsets(%dma_start3A_81 : memref<125xi32, #tpu.memory_space<vmem>>) semaphore(%arg13 : memref<!tpu.dma_semaphore, #tpu.memory_space<semaphore_mem>>)
    %dma_wait3A_85 = arith.constant 78 : i32
    %dma_wait3A_86 = arith.constant 0 : i32
    %dma_wait3A_87 = tpu.memref_slice %arg7[%dma_wait3A_85, %dma_wait3A_86] : memref<80x125xi32, #tpu.memory_space<vmem>> -> memref<1x125xi32, #tpu.memory_space<vmem>>
    %dma_wait3A_88 = tpu.memref_squeeze %dma_wait3A_87 : memref<1x125xi32, #tpu.memory_space<vmem>> -> memref<125xi32, #tpu.memory_space<vmem>>
    %dma_wait3A_89 = arith.constant 0 : i32
    %dma_wait3A_90 = arith.constant 0 : i32
    %dma_wait3A_91 = tpu.memref_slice %arg2[%dma_wait3A_89, %dma_wait3A_90] : memref<10000x128xf32, #tpu.memory_space<hbm>> -> memref<10000x128xf32, #tpu.memory_space<hbm>>
    tpu.wait_indirect_dma semaphore(%arg13 : memref<!tpu.dma_semaphore, #tpu.memory_space<semaphore_mem>>) src(%dma_wait3A_91 : memref<10000x128xf32, #tpu.memory_space<hbm>>) dst(%arg10 : memref<125x128xf32, #tpu.memory_space<vmem>>)
    %dma_wait3A_92 = arith.constant 78 : i32
    %dma_wait3A_93 = arith.constant 0 : i32
    %dma_wait3A_94 = tpu.memref_slice %arg4[%add3A, %dma_wait3A_92, %dma_wait3A_93] : memref<32x80x125xi32, #tpu.memory_space<hbm>> -> memref<1x1x125xi32, #tpu.memory_space<hbm>>
    %dma_wait3A_95 = tpu.memref_squeeze %dma_wait3A_94 : memref<1x1x125xi32, #tpu.memory_space<hbm>> -> memref<125xi32, #tpu.memory_space<hbm>>
    %dma_wait3A_96 = arith.constant 0 : i32
    %dma_wait3A_97 = tpu.memref_slice %arg4[%add3A, %dma_wait3A_92, %dma_wait3A_96] : memref<32x80x125xi32, #tpu.memory_space<hbm>> -> memref<1x1x125xi32, #tpu.memory_space<hbm>>
    %dma_wait3A_98 = tpu.memref_squeeze %dma_wait3A_97 : memref<1x1x125xi32, #tpu.memory_space<hbm>> -> memref<125xi32, #tpu.memory_space<hbm>>
    tpu.wait_dma2 semaphore(%arg17 : memref<!tpu.dma_semaphore, #tpu.memory_space<semaphore_mem>>) src(%dma_wait3A_98 : memref<125xi32, #tpu.memory_space<hbm>>) dst(%arg8 : memref<125xi32, #tpu.memory_space<vmem>>)
    %dma_start3A_99 = arith.constant 0 : i32
    %dma_start3A_100 = arith.constant 0 : i32
    %dma_start3A_101 = tpu.memref_slice %arg12[%dma_start3A_99, %dma_start3A_100] : memref<10000x128xf32, #tpu.memory_space<vmem_shared>> -> memref<10000x128xf32, #tpu.memory_space<vmem_shared>>
    tpu.enqueue_indirect_dma source(%arg10 : memref<125x128xf32, #tpu.memory_space<vmem>>) target(%dma_start3A_101 : memref<10000x128xf32, #tpu.memory_space<vmem_shared>>) offsets(%arg8 : memref<125xi32, #tpu.memory_space<vmem>>) semaphore(%arg15 : memref<!tpu.dma_semaphore, #tpu.memory_space<semaphore_mem>>) {add = true}
    %dma_wait3A_102 = arith.constant 0 : i32
    %dma_wait3A_103 = arith.constant 0 : i32
    %dma_wait3A_104 = tpu.memref_slice %arg12[%dma_wait3A_102, %dma_wait3A_103] : memref<10000x128xf32, #tpu.memory_space<vmem_shared>> -> memref<10000x128xf32, #tpu.memory_space<vmem_shared>>
    tpu.wait_indirect_dma semaphore(%arg16 : memref<!tpu.dma_semaphore, #tpu.memory_space<semaphore_mem>>) src(%arg11 : memref<125x128xf32, #tpu.memory_space<vmem>>) dst(%dma_wait3A_104 : memref<10000x128xf32, #tpu.memory_space<vmem_shared>>)
    %dma_start3A_105 = arith.constant 79 : i32
    %dma_start3A_106 = arith.constant 0 : i32
    %dma_start3A_107 = tpu.memref_slice %arg4[%add3A, %dma_start3A_105, %dma_start3A_106] : memref<32x80x125xi32, #tpu.memory_space<hbm>> -> memref<1x1x125xi32, #tpu.memory_space<hbm>>
    %dma_start3A_108 = tpu.memref_squeeze %dma_start3A_107 : memref<1x1x125xi32, #tpu.memory_space<hbm>> -> memref<125xi32, #tpu.memory_space<hbm>>
    %dma_start3A_109 = arith.constant 0 : i32
    %dma_start3A_110 = tpu.memref_slice %arg4[%add3A, %dma_start3A_105, %dma_start3A_109] : memref<32x80x125xi32, #tpu.memory_space<hbm>> -> memref<1x1x125xi32, #tpu.memory_space<hbm>>
    %dma_start3A_111 = tpu.memref_squeeze %dma_start3A_110 : memref<1x1x125xi32, #tpu.memory_space<hbm>> -> memref<125xi32, #tpu.memory_space<hbm>>
    tpu.enqueue_dma source(%dma_start3A_111 : memref<125xi32, #tpu.memory_space<hbm>>) target(%arg9 : memref<125xi32, #tpu.memory_space<vmem>>) target_semaphore(%arg18 : memref<!tpu.dma_semaphore, #tpu.memory_space<semaphore_mem>>)
    %dma_start3A_112 = arith.constant 79 : i32
    %dma_start3A_113 = arith.constant 0 : i32
    %dma_start3A_114 = tpu.memref_slice %arg7[%dma_start3A_112, %dma_start3A_113] : memref<80x125xi32, #tpu.memory_space<vmem>> -> memref<1x125xi32, #tpu.memory_space<vmem>>
    %dma_start3A_115 = tpu.memref_squeeze %dma_start3A_114 : memref<1x125xi32, #tpu.memory_space<vmem>> -> memref<125xi32, #tpu.memory_space<vmem>>
    %dma_start3A_116 = arith.constant 0 : i32
    %dma_start3A_117 = arith.constant 0 : i32
    %dma_start3A_118 = tpu.memref_slice %arg2[%dma_start3A_116, %dma_start3A_117] : memref<10000x128xf32, #tpu.memory_space<hbm>> -> memref<10000x128xf32, #tpu.memory_space<hbm>>
    tpu.enqueue_indirect_dma source(%dma_start3A_118 : memref<10000x128xf32, #tpu.memory_space<hbm>>) target(%arg11 : memref<125x128xf32, #tpu.memory_space<vmem>>) offsets(%dma_start3A_115 : memref<125xi32, #tpu.memory_space<vmem>>) semaphore(%arg14 : memref<!tpu.dma_semaphore, #tpu.memory_space<semaphore_mem>>)
    %dma_wait3A_119 = arith.constant 79 : i32
    %dma_wait3A_120 = arith.constant 0 : i32
    %dma_wait3A_121 = tpu.memref_slice %arg7[%dma_wait3A_119, %dma_wait3A_120] : memref<80x125xi32, #tpu.memory_space<vmem>> -> memref<1x125xi32, #tpu.memory_space<vmem>>
    %dma_wait3A_122 = tpu.memref_squeeze %dma_wait3A_121 : memref<1x125xi32, #tpu.memory_space<vmem>> -> memref<125xi32, #tpu.memory_space<vmem>>
    %dma_wait3A_123 = arith.constant 0 : i32
    %dma_wait3A_124 = arith.constant 0 : i32
    %dma_wait3A_125 = tpu.memref_slice %arg2[%dma_wait3A_123, %dma_wait3A_124] : memref<10000x128xf32, #tpu.memory_space<hbm>> -> memref<10000x128xf32, #tpu.memory_space<hbm>>
    tpu.wait_indirect_dma semaphore(%arg14 : memref<!tpu.dma_semaphore, #tpu.memory_space<semaphore_mem>>) src(%dma_wait3A_125 : memref<10000x128xf32, #tpu.memory_space<hbm>>) dst(%arg11 : memref<125x128xf32, #tpu.memory_space<vmem>>)
    %dma_wait3A_126 = arith.constant 79 : i32
    %dma_wait3A_127 = arith.constant 0 : i32
    %dma_wait3A_128 = tpu.memref_slice %arg4[%add3A, %dma_wait3A_126, %dma_wait3A_127] : memref<32x80x125xi32, #tpu.memory_space<hbm>> -> memref<1x1x125xi32, #tpu.memory_space<hbm>>
    %dma_wait3A_129 = tpu.memref_squeeze %dma_wait3A_128 : memref<1x1x125xi32, #tpu.memory_space<hbm>> -> memref<125xi32, #tpu.memory_space<hbm>>
    %dma_wait3A_130 = arith.constant 0 : i32
    %dma_wait3A_131 = tpu.memref_slice %arg4[%add3A, %dma_wait3A_126, %dma_wait3A_130] : memref<32x80x125xi32, #tpu.memory_space<hbm>> -> memref<1x1x125xi32, #tpu.memory_space<hbm>>
    %dma_wait3A_132 = tpu.memref_squeeze %dma_wait3A_131 : memref<1x1x125xi32, #tpu.memory_space<hbm>> -> memref<125xi32, #tpu.memory_space<hbm>>
    tpu.wait_dma2 semaphore(%arg18 : memref<!tpu.dma_semaphore, #tpu.memory_space<semaphore_mem>>) src(%dma_wait3A_132 : memref<125xi32, #tpu.memory_space<hbm>>) dst(%arg9 : memref<125xi32, #tpu.memory_space<vmem>>)
    %dma_start3A_133 = arith.constant 0 : i32
    %dma_start3A_134 = arith.constant 0 : i32
    %dma_start3A_135 = tpu.memref_slice %arg12[%dma_start3A_133, %dma_start3A_134] : memref<10000x128xf32, #tpu.memory_space<vmem_shared>> -> memref<10000x128xf32, #tpu.memory_space<vmem_shared>>
    tpu.enqueue_indirect_dma source(%arg11 : memref<125x128xf32, #tpu.memory_space<vmem>>) target(%dma_start3A_135 : memref<10000x128xf32, #tpu.memory_space<vmem_shared>>) offsets(%arg9 : memref<125xi32, #tpu.memory_space<vmem>>) semaphore(%arg16 : memref<!tpu.dma_semaphore, #tpu.memory_space<semaphore_mem>>) {add = true}
    %dma_wait3A_136 = arith.constant 0 : i32
    %dma_wait3A_137 = arith.constant 0 : i32
    %dma_wait3A_138 = tpu.memref_slice %arg12[%dma_wait3A_136, %dma_wait3A_137] : memref<10000x128xf32, #tpu.memory_space<vmem_shared>> -> memref<10000x128xf32, #tpu.memory_space<vmem_shared>>
    tpu.wait_indirect_dma semaphore(%arg15 : memref<!tpu.dma_semaphore, #tpu.memory_space<semaphore_mem>>) src(%arg10 : memref<125x128xf32, #tpu.memory_space<vmem>>) dst(%dma_wait3A_138 : memref<10000x128xf32, #tpu.memory_space<vmem_shared>>)
    %dma_wait3A_139 = arith.constant 0 : i32
    %dma_wait3A_140 = arith.constant 0 : i32
    %dma_wait3A_141 = tpu.memref_slice %arg12[%dma_wait3A_139, %dma_wait3A_140] : memref<10000x128xf32, #tpu.memory_space<vmem_shared>> -> memref<10000x128xf32, #tpu.memory_space<vmem_shared>>
    tpu.wait_indirect_dma semaphore(%arg16 : memref<!tpu.dma_semaphore, #tpu.memory_space<semaphore_mem>>) src(%arg11 : memref<125x128xf32, #tpu.memory_space<vmem>>) dst(%dma_wait3A_141 : memref<10000x128xf32, #tpu.memory_space<vmem_shared>>)
    %barrier3A_142 = arith.constant 0 : index
    tpu.barrier barrier_id(%barrier3A_142)
    %mul3A_143 = arith.constant 625 : i32
    %mul3A_144 = arith.muli %arg1, %mul3A_143 : i32
    "tpu.region"() ({
      %run_scoped3A = tpu.sem_alloc : memref<!tpu.dma_semaphore, #tpu.memory_space<semaphore_mem>>
      %dma_start3A_145 = arith.constant 0 : i32
      %dma_start3A_146 = arith.constant 0 : i32
      %dma_start3A_147 = tpu.memref_slice %arg6[%arg0, %arg1, %dma_start3A_145, %dma_start3A_146] : memref<2x16x625x128xf32, #tpu.memory_space<hbm>> -> memref<1x1x625x128xf32, #tpu.memory_space<hbm>>
      %dma_start3A_148 = tpu.memref_squeeze %dma_start3A_147 : memref<1x1x625x128xf32, #tpu.memory_space<hbm>> -> memref<625x128xf32, #tpu.memory_space<hbm>>
      %dma_start3A_149 = arith.constant 0 : i32
      %dma_start3A_150 = tpu.memref_slice %arg12[%mul3A_144, %dma_start3A_149] : memref<10000x128xf32, #tpu.memory_space<vmem_shared>> -> memref<625x128xf32, #tpu.memory_space<vmem_shared>>
      tpu.enqueue_dma source(%dma_start3A_150 : memref<625x128xf32, #tpu.memory_space<vmem_shared>>) target(%dma_start3A_148 : memref<625x128xf32, #tpu.memory_space<hbm>>) target_semaphore(%run_scoped3A : memref<!tpu.dma_semaphore, #tpu.memory_space<semaphore_mem>>)
      %dma_wait3A_151 = arith.constant 0 : i32
      %dma_wait3A_152 = arith.constant 0 : i32
      %dma_wait3A_153 = tpu.memref_slice %arg6[%arg0, %arg1, %dma_wait3A_151, %dma_wait3A_152] : memref<2x16x625x128xf32, #tpu.memory_space<hbm>> -> memref<1x1x625x128xf32, #tpu.memory_space<hbm>>
      %dma_wait3A_154 = tpu.memref_squeeze %dma_wait3A_153 : memref<1x1x625x128xf32, #tpu.memory_space<hbm>> -> memref<625x128xf32, #tpu.memory_space<hbm>>
      %dma_wait3A_155 = arith.constant 0 : i32
      %dma_wait3A_156 = tpu.memref_slice %arg12[%mul3A_144, %dma_wait3A_155] : memref<10000x128xf32, #tpu.memory_space<vmem_shared>> -> memref<625x128xf32, #tpu.memory_space<vmem_shared>>
      tpu.wait_dma2 semaphore(%run_scoped3A : memref<!tpu.dma_semaphore, #tpu.memory_space<semaphore_mem>>) src(%dma_wait3A_156 : memref<625x128xf32, #tpu.memory_space<vmem_shared>>) dst(%dma_wait3A_154 : memref<625x128xf32, #tpu.memory_space<hbm>>)
      tpu.yield
    }) : () -> ()
    return
  }
}

#map = affine_map<(d0, d1) -> (0, 0)>
#map1 = affine_map<(d0, d1) -> (0, 0, 0)>
#map2 = affine_map<(d0, d1) -> (0, 0, 0, 0)>
module attributes {stable_mosaic.version = 14 : i64} {
  func.func @agg_kernel(%arg0: i32, %arg1: i32, %arg2: memref<10000x128xf32, #tpu.memory_space<hbm>>, %arg3: memref<32x80x125xi32, #tpu.memory_space<hbm>>, %arg4: memref<32x80x125xi32, #tpu.memory_space<hbm>>, %arg5: memref<625x128xf32, #tpu.memory_space<hbm>>, %arg6: memref<2x16x625x128xf32, #tpu.memory_space<hbm>>, %arg7: memref<80x125xi32, #tpu.memory_space<vmem>>, %arg8: memref<125xi32, #tpu.memory_space<vmem>>, %arg9: memref<125xi32, #tpu.memory_space<vmem>>, %arg10: memref<125x128xf32, #tpu.memory_space<vmem>>, %arg11: memref<125x128xf32, #tpu.memory_space<vmem>>, %arg12: memref<10000x128xf32, #tpu.memory_space<vmem_shared>>, %arg13: memref<!tpu.dma_semaphore, #tpu.memory_space<semaphore_mem>>, %arg14: memref<!tpu.dma_semaphore, #tpu.memory_space<semaphore_mem>>, %arg15: memref<!tpu.dma_semaphore, #tpu.memory_space<semaphore_mem>>, %arg16: memref<!tpu.dma_semaphore, #tpu.memory_space<semaphore_mem>>, %arg17: memref<!tpu.dma_semaphore, #tpu.memory_space<semaphore_mem>>, %arg18: memref<!tpu.dma_semaphore, #tpu.memory_space<semaphore_mem>>) attributes {dimension_semantics = [#tpu.dimension_semantics<core_parallel>, #tpu.dimension_semantics<subcore_parallel>], iteration_bounds = array<i64: 2, 16>, scalar_prefetch = 0 : i64, scratch_operands = 12 : i64, tpu.core_type = #tpu.core_type<sc_vector_subcore>, window_params = [{transform_indices = #map}, {transform_indices = #map1}, {transform_indices = #map1}, {transform_indices = #map}, {transform_indices = #map2}]} {
    %mul3A = arith.constant 16 : i32
    %mul3A_0 = arith.muli %arg0, %mul3A : i32
    %add3A = arith.addi %mul3A_0, %arg1 : i32
    "tpu.region"() ({
      %run_scoped3A = tpu.sem_alloc : memref<!tpu.dma_semaphore, #tpu.memory_space<semaphore_mem>>
      %dma_start3A_145 = arith.constant 0 : i32
      %dma_start3A_146 = arith.constant 0 : i32
      %dma_start3A_147 = tpu.memref_slice %arg3[%add3A, %dma_start3A_145, %dma_start3A_146] : memref<32x80x125xi32, #tpu.memory_space<hbm>> -> memref<1x80x125xi32, #tpu.memory_space<hbm>>
      %dma_start3A_148 = tpu.memref_squeeze %dma_start3A_147 : memref<1x80x125xi32, #tpu.memory_space<hbm>> -> memref<80x125xi32, #tpu.memory_space<hbm>>
      %dma_start3A_149 = arith.constant 0 : i32
      %dma_start3A_150 = arith.constant 0 : i32
      %dma_start3A_151 = tpu.memref_slice %arg3[%add3A, %dma_start3A_149, %dma_start3A_150] : memref<32x80x125xi32, #tpu.memory_space<hbm>> -> memref<1x80x125xi32, #tpu.memory_space<hbm>>
      %dma_start3A_152 = tpu.memref_squeeze %dma_start3A_151 : memref<1x80x125xi32, #tpu.memory_space<hbm>> -> memref<80x125xi32, #tpu.memory_space<hbm>>
      tpu.enqueue_dma source(%dma_start3A_152 : memref<80x125xi32, #tpu.memory_space<hbm>>) target(%arg7 : memref<80x125xi32, #tpu.memory_space<vmem>>) target_semaphore(%run_scoped3A : memref<!tpu.dma_semaphore, #tpu.memory_space<semaphore_mem>>)
      %dma_wait3A_153 = arith.constant 0 : i32
      %dma_wait3A_154 = arith.constant 0 : i32
      %dma_wait3A_155 = tpu.memref_slice %arg3[%add3A, %dma_wait3A_153, %dma_wait3A_154] : memref<32x80x125xi32, #tpu.memory_space<hbm>> -> memref<1x80x125xi32, #tpu.memory_space<hbm>>
      %dma_wait3A_156 = tpu.memref_squeeze %dma_wait3A_155 : memref<1x80x125xi32, #tpu.memory_space<hbm>> -> memref<80x125xi32, #tpu.memory_space<hbm>>
      %dma_wait3A_157 = arith.constant 0 : i32
      %dma_wait3A_158 = arith.constant 0 : i32
      %dma_wait3A_159 = tpu.memref_slice %arg3[%add3A, %dma_wait3A_157, %dma_wait3A_158] : memref<32x80x125xi32, #tpu.memory_space<hbm>> -> memref<1x80x125xi32, #tpu.memory_space<hbm>>
      %dma_wait3A_160 = tpu.memref_squeeze %dma_wait3A_159 : memref<1x80x125xi32, #tpu.memory_space<hbm>> -> memref<80x125xi32, #tpu.memory_space<hbm>>
      tpu.wait_dma2 semaphore(%run_scoped3A : memref<!tpu.dma_semaphore, #tpu.memory_space<semaphore_mem>>) src(%dma_wait3A_160 : memref<80x125xi32, #tpu.memory_space<hbm>>) dst(%arg7 : memref<80x125xi32, #tpu.memory_space<vmem>>)
      tpu.yield
    }) : () -> ()
    %dma_start3A = arith.constant 0 : i32
    %dma_start3A_1 = arith.constant 0 : i32
    %dma_start3A_2 = tpu.memref_slice %arg4[%add3A, %dma_start3A, %dma_start3A_1] : memref<32x80x125xi32, #tpu.memory_space<hbm>> -> memref<1x1x125xi32, #tpu.memory_space<hbm>>
    %dma_start3A_3 = tpu.memref_squeeze %dma_start3A_2 : memref<1x1x125xi32, #tpu.memory_space<hbm>> -> memref<125xi32, #tpu.memory_space<hbm>>
    %dma_start3A_4 = arith.constant 0 : i32
    %dma_start3A_5 = tpu.memref_slice %arg4[%add3A, %dma_start3A, %dma_start3A_4] : memref<32x80x125xi32, #tpu.memory_space<hbm>> -> memref<1x1x125xi32, #tpu.memory_space<hbm>>
    %dma_start3A_6 = tpu.memref_squeeze %dma_start3A_5 : memref<1x1x125xi32, #tpu.memory_space<hbm>> -> memref<125xi32, #tpu.memory_space<hbm>>
    tpu.enqueue_dma source(%dma_start3A_6 : memref<125xi32, #tpu.memory_space<hbm>>) target(%arg8 : memref<125xi32, #tpu.memory_space<vmem>>) target_semaphore(%arg17 : memref<!tpu.dma_semaphore, #tpu.memory_space<semaphore_mem>>)
    %dma_start3A_7 = arith.constant 0 : i32
    %dma_start3A_8 = arith.constant 0 : i32
    %dma_start3A_9 = tpu.memref_slice %arg7[%dma_start3A_7, %dma_start3A_8] : memref<80x125xi32, #tpu.memory_space<vmem>> -> memref<1x125xi32, #tpu.memory_space<vmem>>
    %dma_start3A_10 = tpu.memref_squeeze %dma_start3A_9 : memref<1x125xi32, #tpu.memory_space<vmem>> -> memref<125xi32, #tpu.memory_space<vmem>>
    %dma_start3A_11 = arith.constant 0 : i32
    %dma_start3A_12 = arith.constant 0 : i32
    %dma_start3A_13 = tpu.memref_slice %arg2[%dma_start3A_11, %dma_start3A_12] : memref<10000x128xf32, #tpu.memory_space<hbm>> -> memref<10000x128xf32, #tpu.memory_space<hbm>>
    tpu.enqueue_indirect_dma source(%dma_start3A_13 : memref<10000x128xf32, #tpu.memory_space<hbm>>) target(%arg10 : memref<125x128xf32, #tpu.memory_space<vmem>>) offsets(%dma_start3A_10 : memref<125xi32, #tpu.memory_space<vmem>>) semaphore(%arg13 : memref<!tpu.dma_semaphore, #tpu.memory_space<semaphore_mem>>)
    %dma_start3A_14 = arith.constant 1 : i32
    %dma_start3A_15 = arith.constant 0 : i32
    %dma_start3A_16 = tpu.memref_slice %arg4[%add3A, %dma_start3A_14, %dma_start3A_15] : memref<32x80x125xi32, #tpu.memory_space<hbm>> -> memref<1x1x125xi32, #tpu.memory_space<hbm>>
    %dma_start3A_17 = tpu.memref_squeeze %dma_start3A_16 : memref<1x1x125xi32, #tpu.memory_space<hbm>> -> memref<125xi32, #tpu.memory_space<hbm>>
    %dma_start3A_18 = arith.constant 0 : i32
    %dma_start3A_19 = tpu.memref_slice %arg4[%add3A, %dma_start3A_14, %dma_start3A_18] : memref<32x80x125xi32, #tpu.memory_space<hbm>> -> memref<1x1x125xi32, #tpu.memory_space<hbm>>
    %dma_start3A_20 = tpu.memref_squeeze %dma_start3A_19 : memref<1x1x125xi32, #tpu.memory_space<hbm>> -> memref<125xi32, #tpu.memory_space<hbm>>
    tpu.enqueue_dma source(%dma_start3A_20 : memref<125xi32, #tpu.memory_space<hbm>>) target(%arg9 : memref<125xi32, #tpu.memory_space<vmem>>) target_semaphore(%arg18 : memref<!tpu.dma_semaphore, #tpu.memory_space<semaphore_mem>>)
    %mul3A_21 = arith.constant 625 : i32
    %mul3A_22 = arith.muli %arg1, %mul3A_21 : i32
    "tpu.region"() ({
      %run_scoped3A = tpu.sem_alloc : memref<!tpu.dma_semaphore, #tpu.memory_space<semaphore_mem>>
      %dma_start3A_145 = arith.constant 0 : i32
      %dma_start3A_146 = tpu.memref_slice %arg12[%mul3A_22, %dma_start3A_145] : memref<10000x128xf32, #tpu.memory_space<vmem_shared>> -> memref<625x128xf32, #tpu.memory_space<vmem_shared>>
      tpu.enqueue_dma source(%arg5 : memref<625x128xf32, #tpu.memory_space<hbm>>) target(%dma_start3A_146 : memref<625x128xf32, #tpu.memory_space<vmem_shared>>) target_semaphore(%run_scoped3A : memref<!tpu.dma_semaphore, #tpu.memory_space<semaphore_mem>>)
      %dma_wait3A_147 = arith.constant 0 : i32
      %dma_wait3A_148 = tpu.memref_slice %arg12[%mul3A_22, %dma_wait3A_147] : memref<10000x128xf32, #tpu.memory_space<vmem_shared>> -> memref<625x128xf32, #tpu.memory_space<vmem_shared>>
      tpu.wait_dma2 semaphore(%run_scoped3A : memref<!tpu.dma_semaphore, #tpu.memory_space<semaphore_mem>>) src(%arg5 : memref<625x128xf32, #tpu.memory_space<hbm>>) dst(%dma_wait3A_148 : memref<625x128xf32, #tpu.memory_space<vmem_shared>>)
      tpu.yield
    }) : () -> ()
    %barrier3A = arith.constant 0 : index
    tpu.barrier barrier_id(%barrier3A)
    %dma_wait3A = arith.constant 0 : i32
    %dma_wait3A_23 = arith.constant 0 : i32
    %dma_wait3A_24 = tpu.memref_slice %arg7[%dma_wait3A, %dma_wait3A_23] : memref<80x125xi32, #tpu.memory_space<vmem>> -> memref<1x125xi32, #tpu.memory_space<vmem>>
    %dma_wait3A_25 = tpu.memref_squeeze %dma_wait3A_24 : memref<1x125xi32, #tpu.memory_space<vmem>> -> memref<125xi32, #tpu.memory_space<vmem>>
    %dma_wait3A_26 = arith.constant 0 : i32
    %dma_wait3A_27 = arith.constant 0 : i32
    %dma_wait3A_28 = tpu.memref_slice %arg2[%dma_wait3A_26, %dma_wait3A_27] : memref<10000x128xf32, #tpu.memory_space<hbm>> -> memref<10000x128xf32, #tpu.memory_space<hbm>>
    tpu.wait_indirect_dma semaphore(%arg13 : memref<!tpu.dma_semaphore, #tpu.memory_space<semaphore_mem>>) src(%dma_wait3A_28 : memref<10000x128xf32, #tpu.memory_space<hbm>>) dst(%arg10 : memref<125x128xf32, #tpu.memory_space<vmem>>)
    %dma_wait3A_29 = arith.constant 0 : i32
    %dma_wait3A_30 = arith.constant 0 : i32
    %dma_wait3A_31 = tpu.memref_slice %arg4[%add3A, %dma_wait3A_29, %dma_wait3A_30] : memref<32x80x125xi32, #tpu.memory_space<hbm>> -> memref<1x1x125xi32, #tpu.memory_space<hbm>>
    %dma_wait3A_32 = tpu.memref_squeeze %dma_wait3A_31 : memref<1x1x125xi32, #tpu.memory_space<hbm>> -> memref<125xi32, #tpu.memory_space<hbm>>
    %dma_wait3A_33 = arith.constant 0 : i32
    %dma_wait3A_34 = tpu.memref_slice %arg4[%add3A, %dma_wait3A_29, %dma_wait3A_33] : memref<32x80x125xi32, #tpu.memory_space<hbm>> -> memref<1x1x125xi32, #tpu.memory_space<hbm>>
    %dma_wait3A_35 = tpu.memref_squeeze %dma_wait3A_34 : memref<1x1x125xi32, #tpu.memory_space<hbm>> -> memref<125xi32, #tpu.memory_space<hbm>>
    tpu.wait_dma2 semaphore(%arg17 : memref<!tpu.dma_semaphore, #tpu.memory_space<semaphore_mem>>) src(%dma_wait3A_35 : memref<125xi32, #tpu.memory_space<hbm>>) dst(%arg8 : memref<125xi32, #tpu.memory_space<vmem>>)
    %dma_start3A_36 = arith.constant 0 : i32
    %dma_start3A_37 = arith.constant 0 : i32
    %dma_start3A_38 = tpu.memref_slice %arg12[%dma_start3A_36, %dma_start3A_37] : memref<10000x128xf32, #tpu.memory_space<vmem_shared>> -> memref<10000x128xf32, #tpu.memory_space<vmem_shared>>
    tpu.enqueue_indirect_dma source(%arg10 : memref<125x128xf32, #tpu.memory_space<vmem>>) target(%dma_start3A_38 : memref<10000x128xf32, #tpu.memory_space<vmem_shared>>) offsets(%arg8 : memref<125xi32, #tpu.memory_space<vmem>>) semaphore(%arg15 : memref<!tpu.dma_semaphore, #tpu.memory_space<semaphore_mem>>) {add = true}
    %dma_start3A_39 = arith.constant 1 : i32
    %dma_start3A_40 = arith.constant 0 : i32
    %dma_start3A_41 = tpu.memref_slice %arg7[%dma_start3A_39, %dma_start3A_40] : memref<80x125xi32, #tpu.memory_space<vmem>> -> memref<1x125xi32, #tpu.memory_space<vmem>>
    %dma_start3A_42 = tpu.memref_squeeze %dma_start3A_41 : memref<1x125xi32, #tpu.memory_space<vmem>> -> memref<125xi32, #tpu.memory_space<vmem>>
    %dma_start3A_43 = arith.constant 0 : i32
    %dma_start3A_44 = arith.constant 0 : i32
    %dma_start3A_45 = tpu.memref_slice %arg2[%dma_start3A_43, %dma_start3A_44] : memref<10000x128xf32, #tpu.memory_space<hbm>> -> memref<10000x128xf32, #tpu.memory_space<hbm>>
    tpu.enqueue_indirect_dma source(%dma_start3A_45 : memref<10000x128xf32, #tpu.memory_space<hbm>>) target(%arg11 : memref<125x128xf32, #tpu.memory_space<vmem>>) offsets(%dma_start3A_42 : memref<125xi32, #tpu.memory_space<vmem>>) semaphore(%arg14 : memref<!tpu.dma_semaphore, #tpu.memory_space<semaphore_mem>>)
    %scan3A = arith.constant 0 : i32
    %scan3A_46 = arith.constant 0 : i32
    %scan3A_47 = arith.constant 38 : i32
    %scan3A_48 = arith.addi %scan3A_46, %scan3A_47 : i32
    %scan3A_49 = arith.constant 1 : i32
    scf.for %scan3A_145 = %scan3A_46 to %scan3A_48 step %scan3A_49  : i32 {
      %mul3A_146 = arith.constant 2 : i32
      %mul3A_147 = arith.muli %mul3A_146, %scan3A_145 : i32
      %add3A_148 = arith.constant 1 : i32
      %add3A_149 = arith.addi %mul3A_147, %add3A_148 : i32
      %dma_wait3A_150 = arith.constant 0 : i32
      %dma_wait3A_151 = tpu.memref_slice %arg7[%add3A_149, %dma_wait3A_150] : memref<80x125xi32, #tpu.memory_space<vmem>> -> memref<1x125xi32, #tpu.memory_space<vmem>>
      %dma_wait3A_152 = tpu.memref_squeeze %dma_wait3A_151 : memref<1x125xi32, #tpu.memory_space<vmem>> -> memref<125xi32, #tpu.memory_space<vmem>>
      %dma_wait3A_153 = arith.constant 0 : i32
      %dma_wait3A_154 = arith.constant 0 : i32
      %dma_wait3A_155 = tpu.memref_slice %arg2[%dma_wait3A_153, %dma_wait3A_154] : memref<10000x128xf32, #tpu.memory_space<hbm>> -> memref<10000x128xf32, #tpu.memory_space<hbm>>
      tpu.wait_indirect_dma semaphore(%arg14 : memref<!tpu.dma_semaphore, #tpu.memory_space<semaphore_mem>>) src(%dma_wait3A_155 : memref<10000x128xf32, #tpu.memory_space<hbm>>) dst(%arg11 : memref<125x128xf32, #tpu.memory_space<vmem>>)
      %dma_wait3A_156 = arith.constant 0 : i32
      %dma_wait3A_157 = tpu.memref_slice %arg4[%add3A, %add3A_149, %dma_wait3A_156] : memref<32x80x125xi32, #tpu.memory_space<hbm>> -> memref<1x1x125xi32, #tpu.memory_space<hbm>>
      %dma_wait3A_158 = tpu.memref_squeeze %dma_wait3A_157 : memref<1x1x125xi32, #tpu.memory_space<hbm>> -> memref<125xi32, #tpu.memory_space<hbm>>
      %dma_wait3A_159 = arith.constant 0 : i32
      %dma_wait3A_160 = tpu.memref_slice %arg4[%add3A, %add3A_149, %dma_wait3A_159] : memref<32x80x125xi32, #tpu.memory_space<hbm>> -> memref<1x1x125xi32, #tpu.memory_space<hbm>>
      %dma_wait3A_161 = tpu.memref_squeeze %dma_wait3A_160 : memref<1x1x125xi32, #tpu.memory_space<hbm>> -> memref<125xi32, #tpu.memory_space<hbm>>
      tpu.wait_dma2 semaphore(%arg18 : memref<!tpu.dma_semaphore, #tpu.memory_space<semaphore_mem>>) src(%dma_wait3A_161 : memref<125xi32, #tpu.memory_space<hbm>>) dst(%arg9 : memref<125xi32, #tpu.memory_space<vmem>>)
      %dma_start3A_162 = arith.constant 0 : i32
      %dma_start3A_163 = arith.constant 0 : i32
      %dma_start3A_164 = tpu.memref_slice %arg12[%dma_start3A_162, %dma_start3A_163] : memref<10000x128xf32, #tpu.memory_space<vmem_shared>> -> memref<10000x128xf32, #tpu.memory_space<vmem_shared>>
      tpu.enqueue_indirect_dma source(%arg11 : memref<125x128xf32, #tpu.memory_space<vmem>>) target(%dma_start3A_164 : memref<10000x128xf32, #tpu.memory_space<vmem_shared>>) offsets(%arg9 : memref<125xi32, #tpu.memory_space<vmem>>) semaphore(%arg16 : memref<!tpu.dma_semaphore, #tpu.memory_space<semaphore_mem>>) {add = true}
      %sub3A = arith.constant 1 : i32
      %sub3A_165 = arith.subi %add3A_149, %sub3A : i32
      %dma_wait3A_166 = arith.constant 0 : i32
      %dma_wait3A_167 = arith.constant 0 : i32
      %dma_wait3A_168 = tpu.memref_slice %arg12[%dma_wait3A_166, %dma_wait3A_167] : memref<10000x128xf32, #tpu.memory_space<vmem_shared>> -> memref<10000x128xf32, #tpu.memory_space<vmem_shared>>
      tpu.wait_indirect_dma semaphore(%arg15 : memref<!tpu.dma_semaphore, #tpu.memory_space<semaphore_mem>>) src(%arg10 : memref<125x128xf32, #tpu.memory_space<vmem>>) dst(%dma_wait3A_168 : memref<10000x128xf32, #tpu.memory_space<vmem_shared>>)
      %add3A_169 = arith.constant 1 : i32
      %add3A_170 = arith.addi %add3A_149, %add3A_169 : i32
      %dma_start3A_171 = arith.constant 0 : i32
      %dma_start3A_172 = tpu.memref_slice %arg4[%add3A, %add3A_170, %dma_start3A_171] : memref<32x80x125xi32, #tpu.memory_space<hbm>> -> memref<1x1x125xi32, #tpu.memory_space<hbm>>
      %dma_start3A_173 = tpu.memref_squeeze %dma_start3A_172 : memref<1x1x125xi32, #tpu.memory_space<hbm>> -> memref<125xi32, #tpu.memory_space<hbm>>
      %dma_start3A_174 = arith.constant 0 : i32
      %dma_start3A_175 = tpu.memref_slice %arg4[%add3A, %add3A_170, %dma_start3A_174] : memref<32x80x125xi32, #tpu.memory_space<hbm>> -> memref<1x1x125xi32, #tpu.memory_space<hbm>>
      %dma_start3A_176 = tpu.memref_squeeze %dma_start3A_175 : memref<1x1x125xi32, #tpu.memory_space<hbm>> -> memref<125xi32, #tpu.memory_space<hbm>>
      tpu.enqueue_dma source(%dma_start3A_176 : memref<125xi32, #tpu.memory_space<hbm>>) target(%arg8 : memref<125xi32, #tpu.memory_space<vmem>>) target_semaphore(%arg17 : memref<!tpu.dma_semaphore, #tpu.memory_space<semaphore_mem>>)
      %add3A_177 = arith.constant 1 : i32
      %add3A_178 = arith.addi %add3A_149, %add3A_177 : i32
      %dma_start3A_179 = arith.constant 0 : i32
      %dma_start3A_180 = tpu.memref_slice %arg7[%add3A_178, %dma_start3A_179] : memref<80x125xi32, #tpu.memory_space<vmem>> -> memref<1x125xi32, #tpu.memory_space<vmem>>
      %dma_start3A_181 = tpu.memref_squeeze %dma_start3A_180 : memref<1x125xi32, #tpu.memory_space<vmem>> -> memref<125xi32, #tpu.memory_space<vmem>>
      %dma_start3A_182 = arith.constant 0 : i32
      %dma_start3A_183 = arith.constant 0 : i32
      %dma_start3A_184 = tpu.memref_slice %arg2[%dma_start3A_182, %dma_start3A_183] : memref<10000x128xf32, #tpu.memory_space<hbm>> -> memref<10000x128xf32, #tpu.memory_space<hbm>>
      tpu.enqueue_indirect_dma source(%dma_start3A_184 : memref<10000x128xf32, #tpu.memory_space<hbm>>) target(%arg10 : memref<125x128xf32, #tpu.memory_space<vmem>>) offsets(%dma_start3A_181 : memref<125xi32, #tpu.memory_space<vmem>>) semaphore(%arg13 : memref<!tpu.dma_semaphore, #tpu.memory_space<semaphore_mem>>)
      %mul3A_185 = arith.constant 2 : i32
      %mul3A_186 = arith.muli %mul3A_185, %scan3A_145 : i32
      %add3A_187 = arith.constant 2 : i32
      %add3A_188 = arith.addi %mul3A_186, %add3A_187 : i32
      %dma_wait3A_189 = arith.constant 0 : i32
      %dma_wait3A_190 = tpu.memref_slice %arg7[%add3A_188, %dma_wait3A_189] : memref<80x125xi32, #tpu.memory_space<vmem>> -> memref<1x125xi32, #tpu.memory_space<vmem>>
      %dma_wait3A_191 = tpu.memref_squeeze %dma_wait3A_190 : memref<1x125xi32, #tpu.memory_space<vmem>> -> memref<125xi32, #tpu.memory_space<vmem>>
      %dma_wait3A_192 = arith.constant 0 : i32
      %dma_wait3A_193 = arith.constant 0 : i32
      %dma_wait3A_194 = tpu.memref_slice %arg2[%dma_wait3A_192, %dma_wait3A_193] : memref<10000x128xf32, #tpu.memory_space<hbm>> -> memref<10000x128xf32, #tpu.memory_space<hbm>>
      tpu.wait_indirect_dma semaphore(%arg13 : memref<!tpu.dma_semaphore, #tpu.memory_space<semaphore_mem>>) src(%dma_wait3A_194 : memref<10000x128xf32, #tpu.memory_space<hbm>>) dst(%arg10 : memref<125x128xf32, #tpu.memory_space<vmem>>)
      %dma_wait3A_195 = arith.constant 0 : i32
      %dma_wait3A_196 = tpu.memref_slice %arg4[%add3A, %add3A_188, %dma_wait3A_195] : memref<32x80x125xi32, #tpu.memory_space<hbm>> -> memref<1x1x125xi32, #tpu.memory_space<hbm>>
      %dma_wait3A_197 = tpu.memref_squeeze %dma_wait3A_196 : memref<1x1x125xi32, #tpu.memory_space<hbm>> -> memref<125xi32, #tpu.memory_space<hbm>>
      %dma_wait3A_198 = arith.constant 0 : i32
      %dma_wait3A_199 = tpu.memref_slice %arg4[%add3A, %add3A_188, %dma_wait3A_198] : memref<32x80x125xi32, #tpu.memory_space<hbm>> -> memref<1x1x125xi32, #tpu.memory_space<hbm>>
      %dma_wait3A_200 = tpu.memref_squeeze %dma_wait3A_199 : memref<1x1x125xi32, #tpu.memory_space<hbm>> -> memref<125xi32, #tpu.memory_space<hbm>>
      tpu.wait_dma2 semaphore(%arg17 : memref<!tpu.dma_semaphore, #tpu.memory_space<semaphore_mem>>) src(%dma_wait3A_200 : memref<125xi32, #tpu.memory_space<hbm>>) dst(%arg8 : memref<125xi32, #tpu.memory_space<vmem>>)
      %dma_start3A_201 = arith.constant 0 : i32
      %dma_start3A_202 = arith.constant 0 : i32
      %dma_start3A_203 = tpu.memref_slice %arg12[%dma_start3A_201, %dma_start3A_202] : memref<10000x128xf32, #tpu.memory_space<vmem_shared>> -> memref<10000x128xf32, #tpu.memory_space<vmem_shared>>
      tpu.enqueue_indirect_dma source(%arg10 : memref<125x128xf32, #tpu.memory_space<vmem>>) target(%dma_start3A_203 : memref<10000x128xf32, #tpu.memory_space<vmem_shared>>) offsets(%arg8 : memref<125xi32, #tpu.memory_space<vmem>>) semaphore(%arg15 : memref<!tpu.dma_semaphore, #tpu.memory_space<semaphore_mem>>) {add = true}
      %sub3A_204 = arith.constant 1 : i32
      %sub3A_205 = arith.subi %add3A_188, %sub3A_204 : i32
      %dma_wait3A_206 = arith.constant 0 : i32
      %dma_wait3A_207 = arith.constant 0 : i32
      %dma_wait3A_208 = tpu.memref_slice %arg12[%dma_wait3A_206, %dma_wait3A_207] : memref<10000x128xf32, #tpu.memory_space<vmem_shared>> -> memref<10000x128xf32, #tpu.memory_space<vmem_shared>>
      tpu.wait_indirect_dma semaphore(%arg16 : memref<!tpu.dma_semaphore, #tpu.memory_space<semaphore_mem>>) src(%arg11 : memref<125x128xf32, #tpu.memory_space<vmem>>) dst(%dma_wait3A_208 : memref<10000x128xf32, #tpu.memory_space<vmem_shared>>)
      %add3A_209 = arith.constant 1 : i32
      %add3A_210 = arith.addi %add3A_188, %add3A_209 : i32
      %dma_start3A_211 = arith.constant 0 : i32
      %dma_start3A_212 = tpu.memref_slice %arg4[%add3A, %add3A_210, %dma_start3A_211] : memref<32x80x125xi32, #tpu.memory_space<hbm>> -> memref<1x1x125xi32, #tpu.memory_space<hbm>>
      %dma_start3A_213 = tpu.memref_squeeze %dma_start3A_212 : memref<1x1x125xi32, #tpu.memory_space<hbm>> -> memref<125xi32, #tpu.memory_space<hbm>>
      %dma_start3A_214 = arith.constant 0 : i32
      %dma_start3A_215 = tpu.memref_slice %arg4[%add3A, %add3A_210, %dma_start3A_214] : memref<32x80x125xi32, #tpu.memory_space<hbm>> -> memref<1x1x125xi32, #tpu.memory_space<hbm>>
      %dma_start3A_216 = tpu.memref_squeeze %dma_start3A_215 : memref<1x1x125xi32, #tpu.memory_space<hbm>> -> memref<125xi32, #tpu.memory_space<hbm>>
      tpu.enqueue_dma source(%dma_start3A_216 : memref<125xi32, #tpu.memory_space<hbm>>) target(%arg9 : memref<125xi32, #tpu.memory_space<vmem>>) target_semaphore(%arg18 : memref<!tpu.dma_semaphore, #tpu.memory_space<semaphore_mem>>)
      %add3A_217 = arith.constant 1 : i32
      %add3A_218 = arith.addi %add3A_188, %add3A_217 : i32
      %dma_start3A_219 = arith.constant 0 : i32
      %dma_start3A_220 = tpu.memref_slice %arg7[%add3A_218, %dma_start3A_219] : memref<80x125xi32, #tpu.memory_space<vmem>> -> memref<1x125xi32, #tpu.memory_space<vmem>>
      %dma_start3A_221 = tpu.memref_squeeze %dma_start3A_220 : memref<1x125xi32, #tpu.memory_space<vmem>> -> memref<125xi32, #tpu.memory_space<vmem>>
      %dma_start3A_222 = arith.constant 0 : i32
      %dma_start3A_223 = arith.constant 0 : i32
      %dma_start3A_224 = tpu.memref_slice %arg2[%dma_start3A_222, %dma_start3A_223] : memref<10000x128xf32, #tpu.memory_space<hbm>> -> memref<10000x128xf32, #tpu.memory_space<hbm>>
      tpu.enqueue_indirect_dma source(%dma_start3A_224 : memref<10000x128xf32, #tpu.memory_space<hbm>>) target(%arg11 : memref<125x128xf32, #tpu.memory_space<vmem>>) offsets(%dma_start3A_221 : memref<125xi32, #tpu.memory_space<vmem>>) semaphore(%arg14 : memref<!tpu.dma_semaphore, #tpu.memory_space<semaphore_mem>>)
    }
    %scan3A_50 = arith.constant 38 : i32
    %dma_wait3A_51 = arith.constant 77 : i32
    %dma_wait3A_52 = arith.constant 0 : i32
    %dma_wait3A_53 = tpu.memref_slice %arg7[%dma_wait3A_51, %dma_wait3A_52] : memref<80x125xi32, #tpu.memory_space<vmem>> -> memref<1x125xi32, #tpu.memory_space<vmem>>
    %dma_wait3A_54 = tpu.memref_squeeze %dma_wait3A_53 : memref<1x125xi32, #tpu.memory_space<vmem>> -> memref<125xi32, #tpu.memory_space<vmem>>
    %dma_wait3A_55 = arith.constant 0 : i32
    %dma_wait3A_56 = arith.constant 0 : i32
    %dma_wait3A_57 = tpu.memref_slice %arg2[%dma_wait3A_55, %dma_wait3A_56] : memref<10000x128xf32, #tpu.memory_space<hbm>> -> memref<10000x128xf32, #tpu.memory_space<hbm>>
    tpu.wait_indirect_dma semaphore(%arg14 : memref<!tpu.dma_semaphore, #tpu.memory_space<semaphore_mem>>) src(%dma_wait3A_57 : memref<10000x128xf32, #tpu.memory_space<hbm>>) dst(%arg11 : memref<125x128xf32, #tpu.memory_space<vmem>>)
    %dma_wait3A_58 = arith.constant 77 : i32
    %dma_wait3A_59 = arith.constant 0 : i32
    %dma_wait3A_60 = tpu.memref_slice %arg4[%add3A, %dma_wait3A_58, %dma_wait3A_59] : memref<32x80x125xi32, #tpu.memory_space<hbm>> -> memref<1x1x125xi32, #tpu.memory_space<hbm>>
    %dma_wait3A_61 = tpu.memref_squeeze %dma_wait3A_60 : memref<1x1x125xi32, #tpu.memory_space<hbm>> -> memref<125xi32, #tpu.memory_space<hbm>>
    %dma_wait3A_62 = arith.constant 0 : i32
    %dma_wait3A_63 = tpu.memref_slice %arg4[%add3A, %dma_wait3A_58, %dma_wait3A_62] : memref<32x80x125xi32, #tpu.memory_space<hbm>> -> memref<1x1x125xi32, #tpu.memory_space<hbm>>
    %dma_wait3A_64 = tpu.memref_squeeze %dma_wait3A_63 : memref<1x1x125xi32, #tpu.memory_space<hbm>> -> memref<125xi32, #tpu.memory_space<hbm>>
    tpu.wait_dma2 semaphore(%arg18 : memref<!tpu.dma_semaphore, #tpu.memory_space<semaphore_mem>>) src(%dma_wait3A_64 : memref<125xi32, #tpu.memory_space<hbm>>) dst(%arg9 : memref<125xi32, #tpu.memory_space<vmem>>)
    %dma_start3A_65 = arith.constant 0 : i32
    %dma_start3A_66 = arith.constant 0 : i32
    %dma_start3A_67 = tpu.memref_slice %arg12[%dma_start3A_65, %dma_start3A_66] : memref<10000x128xf32, #tpu.memory_space<vmem_shared>> -> memref<10000x128xf32, #tpu.memory_space<vmem_shared>>
    tpu.enqueue_indirect_dma source(%arg11 : memref<125x128xf32, #tpu.memory_space<vmem>>) target(%dma_start3A_67 : memref<10000x128xf32, #tpu.memory_space<vmem_shared>>) offsets(%arg9 : memref<125xi32, #tpu.memory_space<vmem>>) semaphore(%arg16 : memref<!tpu.dma_semaphore, #tpu.memory_space<semaphore_mem>>) {add = true}
    %dma_wait3A_68 = arith.constant 0 : i32
    %dma_wait3A_69 = arith.constant 0 : i32
    %dma_wait3A_70 = tpu.memref_slice %arg12[%dma_wait3A_68, %dma_wait3A_69] : memref<10000x128xf32, #tpu.memory_space<vmem_shared>> -> memref<10000x128xf32, #tpu.memory_space<vmem_shared>>
    tpu.wait_indirect_dma semaphore(%arg15 : memref<!tpu.dma_semaphore, #tpu.memory_space<semaphore_mem>>) src(%arg10 : memref<125x128xf32, #tpu.memory_space<vmem>>) dst(%dma_wait3A_70 : memref<10000x128xf32, #tpu.memory_space<vmem_shared>>)
    %dma_start3A_71 = arith.constant 78 : i32
    %dma_start3A_72 = arith.constant 0 : i32
    %dma_start3A_73 = tpu.memref_slice %arg4[%add3A, %dma_start3A_71, %dma_start3A_72] : memref<32x80x125xi32, #tpu.memory_space<hbm>> -> memref<1x1x125xi32, #tpu.memory_space<hbm>>
    %dma_start3A_74 = tpu.memref_squeeze %dma_start3A_73 : memref<1x1x125xi32, #tpu.memory_space<hbm>> -> memref<125xi32, #tpu.memory_space<hbm>>
    %dma_start3A_75 = arith.constant 0 : i32
    %dma_start3A_76 = tpu.memref_slice %arg4[%add3A, %dma_start3A_71, %dma_start3A_75] : memref<32x80x125xi32, #tpu.memory_space<hbm>> -> memref<1x1x125xi32, #tpu.memory_space<hbm>>
    %dma_start3A_77 = tpu.memref_squeeze %dma_start3A_76 : memref<1x1x125xi32, #tpu.memory_space<hbm>> -> memref<125xi32, #tpu.memory_space<hbm>>
    tpu.enqueue_dma source(%dma_start3A_77 : memref<125xi32, #tpu.memory_space<hbm>>) target(%arg8 : memref<125xi32, #tpu.memory_space<vmem>>) target_semaphore(%arg17 : memref<!tpu.dma_semaphore, #tpu.memory_space<semaphore_mem>>)
    %dma_start3A_78 = arith.constant 78 : i32
    %dma_start3A_79 = arith.constant 0 : i32
    %dma_start3A_80 = tpu.memref_slice %arg7[%dma_start3A_78, %dma_start3A_79] : memref<80x125xi32, #tpu.memory_space<vmem>> -> memref<1x125xi32, #tpu.memory_space<vmem>>
    %dma_start3A_81 = tpu.memref_squeeze %dma_start3A_80 : memref<1x125xi32, #tpu.memory_space<vmem>> -> memref<125xi32, #tpu.memory_space<vmem>>
    %dma_start3A_82 = arith.constant 0 : i32
    %dma_start3A_83 = arith.constant 0 : i32
    %dma_start3A_84 = tpu.memref_slice %arg2[%dma_start3A_82, %dma_start3A_83] : memref<10000x128xf32, #tpu.memory_space<hbm>> -> memref<10000x128xf32, #tpu.memory_space<hbm>>
    tpu.enqueue_indirect_dma source(%dma_start3A_84 : memref<10000x128xf32, #tpu.memory_space<hbm>>) target(%arg10 : memref<125x128xf32, #tpu.memory_space<vmem>>) offsets(%dma_start3A_81 : memref<125xi32, #tpu.memory_space<vmem>>) semaphore(%arg13 : memref<!tpu.dma_semaphore, #tpu.memory_space<semaphore_mem>>)
    %dma_wait3A_85 = arith.constant 78 : i32
    %dma_wait3A_86 = arith.constant 0 : i32
    %dma_wait3A_87 = tpu.memref_slice %arg7[%dma_wait3A_85, %dma_wait3A_86] : memref<80x125xi32, #tpu.memory_space<vmem>> -> memref<1x125xi32, #tpu.memory_space<vmem>>
    %dma_wait3A_88 = tpu.memref_squeeze %dma_wait3A_87 : memref<1x125xi32, #tpu.memory_space<vmem>> -> memref<125xi32, #tpu.memory_space<vmem>>
    %dma_wait3A_89 = arith.constant 0 : i32
    %dma_wait3A_90 = arith.constant 0 : i32
    %dma_wait3A_91 = tpu.memref_slice %arg2[%dma_wait3A_89, %dma_wait3A_90] : memref<10000x128xf32, #tpu.memory_space<hbm>> -> memref<10000x128xf32, #tpu.memory_space<hbm>>
    tpu.wait_indirect_dma semaphore(%arg13 : memref<!tpu.dma_semaphore, #tpu.memory_space<semaphore_mem>>) src(%dma_wait3A_91 : memref<10000x128xf32, #tpu.memory_space<hbm>>) dst(%arg10 : memref<125x128xf32, #tpu.memory_space<vmem>>)
    %dma_wait3A_92 = arith.constant 78 : i32
    %dma_wait3A_93 = arith.constant 0 : i32
    %dma_wait3A_94 = tpu.memref_slice %arg4[%add3A, %dma_wait3A_92, %dma_wait3A_93] : memref<32x80x125xi32, #tpu.memory_space<hbm>> -> memref<1x1x125xi32, #tpu.memory_space<hbm>>
    %dma_wait3A_95 = tpu.memref_squeeze %dma_wait3A_94 : memref<1x1x125xi32, #tpu.memory_space<hbm>> -> memref<125xi32, #tpu.memory_space<hbm>>
    %dma_wait3A_96 = arith.constant 0 : i32
    %dma_wait3A_97 = tpu.memref_slice %arg4[%add3A, %dma_wait3A_92, %dma_wait3A_96] : memref<32x80x125xi32, #tpu.memory_space<hbm>> -> memref<1x1x125xi32, #tpu.memory_space<hbm>>
    %dma_wait3A_98 = tpu.memref_squeeze %dma_wait3A_97 : memref<1x1x125xi32, #tpu.memory_space<hbm>> -> memref<125xi32, #tpu.memory_space<hbm>>
    tpu.wait_dma2 semaphore(%arg17 : memref<!tpu.dma_semaphore, #tpu.memory_space<semaphore_mem>>) src(%dma_wait3A_98 : memref<125xi32, #tpu.memory_space<hbm>>) dst(%arg8 : memref<125xi32, #tpu.memory_space<vmem>>)
    %dma_start3A_99 = arith.constant 0 : i32
    %dma_start3A_100 = arith.constant 0 : i32
    %dma_start3A_101 = tpu.memref_slice %arg12[%dma_start3A_99, %dma_start3A_100] : memref<10000x128xf32, #tpu.memory_space<vmem_shared>> -> memref<10000x128xf32, #tpu.memory_space<vmem_shared>>
    tpu.enqueue_indirect_dma source(%arg10 : memref<125x128xf32, #tpu.memory_space<vmem>>) target(%dma_start3A_101 : memref<10000x128xf32, #tpu.memory_space<vmem_shared>>) offsets(%arg8 : memref<125xi32, #tpu.memory_space<vmem>>) semaphore(%arg15 : memref<!tpu.dma_semaphore, #tpu.memory_space<semaphore_mem>>) {add = true}
    %dma_wait3A_102 = arith.constant 0 : i32
    %dma_wait3A_103 = arith.constant 0 : i32
    %dma_wait3A_104 = tpu.memref_slice %arg12[%dma_wait3A_102, %dma_wait3A_103] : memref<10000x128xf32, #tpu.memory_space<vmem_shared>> -> memref<10000x128xf32, #tpu.memory_space<vmem_shared>>
    tpu.wait_indirect_dma semaphore(%arg16 : memref<!tpu.dma_semaphore, #tpu.memory_space<semaphore_mem>>) src(%arg11 : memref<125x128xf32, #tpu.memory_space<vmem>>) dst(%dma_wait3A_104 : memref<10000x128xf32, #tpu.memory_space<vmem_shared>>)
    %dma_start3A_105 = arith.constant 79 : i32
    %dma_start3A_106 = arith.constant 0 : i32
    %dma_start3A_107 = tpu.memref_slice %arg4[%add3A, %dma_start3A_105, %dma_start3A_106] : memref<32x80x125xi32, #tpu.memory_space<hbm>> -> memref<1x1x125xi32, #tpu.memory_space<hbm>>
    %dma_start3A_108 = tpu.memref_squeeze %dma_start3A_107 : memref<1x1x125xi32, #tpu.memory_space<hbm>> -> memref<125xi32, #tpu.memory_space<hbm>>
    %dma_start3A_109 = arith.constant 0 : i32
    %dma_start3A_110 = tpu.memref_slice %arg4[%add3A, %dma_start3A_105, %dma_start3A_109] : memref<32x80x125xi32, #tpu.memory_space<hbm>> -> memref<1x1x125xi32, #tpu.memory_space<hbm>>
    %dma_start3A_111 = tpu.memref_squeeze %dma_start3A_110 : memref<1x1x125xi32, #tpu.memory_space<hbm>> -> memref<125xi32, #tpu.memory_space<hbm>>
    tpu.enqueue_dma source(%dma_start3A_111 : memref<125xi32, #tpu.memory_space<hbm>>) target(%arg9 : memref<125xi32, #tpu.memory_space<vmem>>) target_semaphore(%arg18 : memref<!tpu.dma_semaphore, #tpu.memory_space<semaphore_mem>>)
    %dma_start3A_112 = arith.constant 79 : i32
    %dma_start3A_113 = arith.constant 0 : i32
    %dma_start3A_114 = tpu.memref_slice %arg7[%dma_start3A_112, %dma_start3A_113] : memref<80x125xi32, #tpu.memory_space<vmem>> -> memref<1x125xi32, #tpu.memory_space<vmem>>
    %dma_start3A_115 = tpu.memref_squeeze %dma_start3A_114 : memref<1x125xi32, #tpu.memory_space<vmem>> -> memref<125xi32, #tpu.memory_space<vmem>>
    %dma_start3A_116 = arith.constant 0 : i32
    %dma_start3A_117 = arith.constant 0 : i32
    %dma_start3A_118 = tpu.memref_slice %arg2[%dma_start3A_116, %dma_start3A_117] : memref<10000x128xf32, #tpu.memory_space<hbm>> -> memref<10000x128xf32, #tpu.memory_space<hbm>>
    tpu.enqueue_indirect_dma source(%dma_start3A_118 : memref<10000x128xf32, #tpu.memory_space<hbm>>) target(%arg11 : memref<125x128xf32, #tpu.memory_space<vmem>>) offsets(%dma_start3A_115 : memref<125xi32, #tpu.memory_space<vmem>>) semaphore(%arg14 : memref<!tpu.dma_semaphore, #tpu.memory_space<semaphore_mem>>)
    %dma_wait3A_119 = arith.constant 79 : i32
    %dma_wait3A_120 = arith.constant 0 : i32
    %dma_wait3A_121 = tpu.memref_slice %arg7[%dma_wait3A_119, %dma_wait3A_120] : memref<80x125xi32, #tpu.memory_space<vmem>> -> memref<1x125xi32, #tpu.memory_space<vmem>>
    %dma_wait3A_122 = tpu.memref_squeeze %dma_wait3A_121 : memref<1x125xi32, #tpu.memory_space<vmem>> -> memref<125xi32, #tpu.memory_space<vmem>>
    %dma_wait3A_123 = arith.constant 0 : i32
    %dma_wait3A_124 = arith.constant 0 : i32
    %dma_wait3A_125 = tpu.memref_slice %arg2[%dma_wait3A_123, %dma_wait3A_124] : memref<10000x128xf32, #tpu.memory_space<hbm>> -> memref<10000x128xf32, #tpu.memory_space<hbm>>
    tpu.wait_indirect_dma semaphore(%arg14 : memref<!tpu.dma_semaphore, #tpu.memory_space<semaphore_mem>>) src(%dma_wait3A_125 : memref<10000x128xf32, #tpu.memory_space<hbm>>) dst(%arg11 : memref<125x128xf32, #tpu.memory_space<vmem>>)
    %dma_wait3A_126 = arith.constant 79 : i32
    %dma_wait3A_127 = arith.constant 0 : i32
    %dma_wait3A_128 = tpu.memref_slice %arg4[%add3A, %dma_wait3A_126, %dma_wait3A_127] : memref<32x80x125xi32, #tpu.memory_space<hbm>> -> memref<1x1x125xi32, #tpu.memory_space<hbm>>
    %dma_wait3A_129 = tpu.memref_squeeze %dma_wait3A_128 : memref<1x1x125xi32, #tpu.memory_space<hbm>> -> memref<125xi32, #tpu.memory_space<hbm>>
    %dma_wait3A_130 = arith.constant 0 : i32
    %dma_wait3A_131 = tpu.memref_slice %arg4[%add3A, %dma_wait3A_126, %dma_wait3A_130] : memref<32x80x125xi32, #tpu.memory_space<hbm>> -> memref<1x1x125xi32, #tpu.memory_space<hbm>>
    %dma_wait3A_132 = tpu.memref_squeeze %dma_wait3A_131 : memref<1x1x125xi32, #tpu.memory_space<hbm>> -> memref<125xi32, #tpu.memory_space<hbm>>
    tpu.wait_dma2 semaphore(%arg18 : memref<!tpu.dma_semaphore, #tpu.memory_space<semaphore_mem>>) src(%dma_wait3A_132 : memref<125xi32, #tpu.memory_space<hbm>>) dst(%arg9 : memref<125xi32, #tpu.memory_space<vmem>>)
    %dma_start3A_133 = arith.constant 0 : i32
    %dma_start3A_134 = arith.constant 0 : i32
    %dma_start3A_135 = tpu.memref_slice %arg12[%dma_start3A_133, %dma_start3A_134] : memref<10000x128xf32, #tpu.memory_space<vmem_shared>> -> memref<10000x128xf32, #tpu.memory_space<vmem_shared>>
    tpu.enqueue_indirect_dma source(%arg11 : memref<125x128xf32, #tpu.memory_space<vmem>>) target(%dma_start3A_135 : memref<10000x128xf32, #tpu.memory_space<vmem_shared>>) offsets(%arg9 : memref<125xi32, #tpu.memory_space<vmem>>) semaphore(%arg16 : memref<!tpu.dma_semaphore, #tpu.memory_space<semaphore_mem>>) {add = true}
    %dma_wait3A_136 = arith.constant 0 : i32
    %dma_wait3A_137 = arith.constant 0 : i32
    %dma_wait3A_138 = tpu.memref_slice %arg12[%dma_wait3A_136, %dma_wait3A_137] : memref<10000x128xf32, #tpu.memory_space<vmem_shared>> -> memref<10000x128xf32, #tpu.memory_space<vmem_shared>>
    tpu.wait_indirect_dma semaphore(%arg15 : memref<!tpu.dma_semaphore, #tpu.memory_space<semaphore_mem>>) src(%arg10 : memref<125x128xf32, #tpu.memory_space<vmem>>) dst(%dma_wait3A_138 : memref<10000x128xf32, #tpu.memory_space<vmem_shared>>)
    %dma_wait3A_139 = arith.constant 0 : i32
    %dma_wait3A_140 = arith.constant 0 : i32
    %dma_wait3A_141 = tpu.memref_slice %arg12[%dma_wait3A_139, %dma_wait3A_140] : memref<10000x128xf32, #tpu.memory_space<vmem_shared>> -> memref<10000x128xf32, #tpu.memory_space<vmem_shared>>
    tpu.wait_indirect_dma semaphore(%arg16 : memref<!tpu.dma_semaphore, #tpu.memory_space<semaphore_mem>>) src(%arg11 : memref<125x128xf32, #tpu.memory_space<vmem>>) dst(%dma_wait3A_141 : memref<10000x128xf32, #tpu.memory_space<vmem_shared>>)
    %barrier3A_142 = arith.constant 0 : index
    tpu.barrier barrier_id(%barrier3A_142)
    %mul3A_143 = arith.constant 625 : i32
    %mul3A_144 = arith.muli %arg1, %mul3A_143 : i32
    "tpu.region"() ({
      %run_scoped3A = tpu.sem_alloc : memref<!tpu.dma_semaphore, #tpu.memory_space<semaphore_mem>>
      %dma_start3A_145 = arith.constant 0 : i32
      %dma_start3A_146 = arith.constant 0 : i32
      %dma_start3A_147 = tpu.memref_slice %arg6[%arg0, %arg1, %dma_start3A_145, %dma_start3A_146] : memref<2x16x625x128xf32, #tpu.memory_space<hbm>> -> memref<1x1x625x128xf32, #tpu.memory_space<hbm>>
      %dma_start3A_148 = tpu.memref_squeeze %dma_start3A_147 : memref<1x1x625x128xf32, #tpu.memory_space<hbm>> -> memref<625x128xf32, #tpu.memory_space<hbm>>
      %dma_start3A_149 = arith.constant 0 : i32
      %dma_start3A_150 = tpu.memref_slice %arg12[%mul3A_144, %dma_start3A_149] : memref<10000x128xf32, #tpu.memory_space<vmem_shared>> -> memref<625x128xf32, #tpu.memory_space<vmem_shared>>
      tpu.enqueue_dma source(%dma_start3A_150 : memref<625x128xf32, #tpu.memory_space<vmem_shared>>) target(%dma_start3A_148 : memref<625x128xf32, #tpu.memory_space<hbm>>) target_semaphore(%run_scoped3A : memref<!tpu.dma_semaphore, #tpu.memory_space<semaphore_mem>>)
      %dma_wait3A_151 = arith.constant 0 : i32
      %dma_wait3A_152 = arith.constant 0 : i32
      %dma_wait3A_153 = tpu.memref_slice %arg6[%arg0, %arg1, %dma_wait3A_151, %dma_wait3A_152] : memref<2x16x625x128xf32, #tpu.memory_space<hbm>> -> memref<1x1x625x128xf32, #tpu.memory_space<hbm>>
      %dma_wait3A_154 = tpu.memref_squeeze %dma_wait3A_153 : memref<1x1x625x128xf32, #tpu.memory_space<hbm>> -> memref<625x128xf32, #tpu.memory_space<hbm>>
      %dma_wait3A_155 = arith.constant 0 : i32
      %dma_wait3A_156 = tpu.memref_slice %arg12[%mul3A_144, %dma_wait3A_155] : memref<10000x128xf32, #tpu.memory_space<vmem_shared>> -> memref<625x128xf32, #tpu.memory_space<vmem_shared>>
      tpu.wait_dma2 semaphore(%run_scoped3A : memref<!tpu.dma_semaphore, #tpu.memory_space<semaphore_mem>>) src(%dma_wait3A_156 : memref<625x128xf32, #tpu.memory_space<vmem_shared>>) dst(%dma_wait3A_154 : memref<625x128xf32, #tpu.memory_space<hbm>>)
      tpu.yield
    }) : () -> ()
    return
  }
}

module attributes {stable_mosaic.version = 14 : i64} {
  func.func @_prep_body(%arg0: i32, %arg1: memref<1000x128xf32, #tpu.memory_space<vmem>>, %arg2: memref<1000x4xf32, #tpu.memory_space<vmem>>, %arg3: memref<1000x128xf32, #tpu.memory_space<vmem>>, %arg4: memref<1000x1xf32, #tpu.memory_space<vmem>>, %arg5: memref<1000x1xf32, #tpu.memory_space<vmem>>) attributes {dimension_semantics = [#tpu.dimension_semantics<arbitrary>], iteration_bounds = array<i64: 10>, scalar_prefetch = 0 : i64, scratch_operands = 0 : i64, tpu.core_type = #tpu.core_type<tc>, window_params = [{transform_indices = @transform_0, window_bounds = array<i64: 1000, 128>}, {transform_indices = @transform_1, window_bounds = array<i64: 1000, 4>}, {transform_indices = @transform_2, window_bounds = array<i64: 1000, 128>}, {transform_indices = @transform_3, window_bounds = array<i64: 1000, 1>}, {transform_indices = @transform_4, window_bounds = array<i64: 1000, 1>}]} {
    %get3A = arith.constant 0 : index
    %get3A_0 = arith.constant 0 : index
    %get3A_1 = vector.load %arg2[%get3A, %get3A_0] : memref<1000x4xf32, #tpu.memory_space<vmem>>, vector<1000x4xf32>
    %slice3A = vector.extract_strided_slice %get3A_1 {offsets = [0, 0], sizes = [1000, 1], strides = [1, 1]} : vector<1000x4xf32> to vector<1000x1xf32>
    %slice3A_2 = vector.extract_strided_slice %get3A_1 {offsets = [0, 2], sizes = [1000, 1], strides = [1, 1]} : vector<1000x4xf32> to vector<1000x1xf32>
    %add3A = arith.addf %slice3A, %slice3A_2 : vector<1000x1xf32>
    %slice3A_3 = vector.extract_strided_slice %get3A_1 {offsets = [0, 1], sizes = [1000, 1], strides = [1, 1]} : vector<1000x4xf32> to vector<1000x1xf32>
    %slice3A_4 = vector.extract_strided_slice %get3A_1 {offsets = [0, 3], sizes = [1000, 1], strides = [1, 1]} : vector<1000x4xf32> to vector<1000x1xf32>
    %add3A_5 = arith.addf %slice3A_3, %slice3A_4 : vector<1000x1xf32>
    %max3A = arith.constant 1.000000e+00 : f32
    %max3A_6 = vector.broadcast %max3A : f32 to vector<1000x1xf32>
    %max3A_7 = arith.maximumf %add3A, %max3A_6 : vector<1000x1xf32>
    %rsqrt3A = math.rsqrt %max3A_7 : vector<1000x1xf32>
    %max3A_8 = arith.constant 1.000000e+00 : f32
    %max3A_9 = vector.broadcast %max3A_8 : f32 to vector<1000x1xf32>
    %max3A_10 = arith.maximumf %add3A_5, %max3A_9 : vector<1000x1xf32>
    %rsqrt3A_11 = math.rsqrt %max3A_10 : vector<1000x1xf32>
    %swap3A = arith.constant 0 : index
    %swap3A_12 = arith.constant 0 : index
    %swap3A_13 = vector.load %arg4[%swap3A, %swap3A_12] : memref<1000x1xf32, #tpu.memory_space<vmem>>, vector<1000x1xf32>
    tpu.vector_store %arg4[%swap3A, %swap3A_12], %rsqrt3A {strides = array<i32>} : memref<1000x1xf32, #tpu.memory_space<vmem>>, vector<1000x1xf32>,
    %swap3A_14 = arith.constant 0 : index
    %swap3A_15 = arith.constant 0 : index
    %swap3A_16 = vector.load %arg5[%swap3A_14, %swap3A_15] : memref<1000x1xf32, #tpu.memory_space<vmem>>, vector<1000x1xf32>
    tpu.vector_store %arg5[%swap3A_14, %swap3A_15], %rsqrt3A_11 {strides = array<i32>} : memref<1000x1xf32, #tpu.memory_space<vmem>>, vector<1000x1xf32>,
    %get3A_17 = arith.constant 0 : index
    %get3A_18 = arith.constant 0 : index
    %get3A_19 = vector.load %arg1[%get3A_17, %get3A_18] : memref<1000x128xf32, #tpu.memory_space<vmem>>, vector<1000x128xf32>
    %mul3A = vector.broadcast %rsqrt3A : vector<1000x1xf32> to vector<1000x128xf32>
    %mul3A_20 = arith.mulf %get3A_19, %mul3A : vector<1000x128xf32>
    %swap3A_21 = arith.constant 0 : index
    %swap3A_22 = arith.constant 0 : index
    %swap3A_23 = vector.load %arg3[%swap3A_21, %swap3A_22] : memref<1000x128xf32, #tpu.memory_space<vmem>>, vector<1000x128xf32>
    tpu.vector_store %arg3[%swap3A_21, %swap3A_22], %mul3A_20 {strides = array<i32>} : memref<1000x128xf32, #tpu.memory_space<vmem>>, vector<1000x128xf32>,
    return
  }
  func.func @transform_0(%arg0: i32) -> (i32, i32) {
    %c0_i32 = arith.constant 0 : i32
    %c0_i32_0 = arith.constant 0 : i32
    return %arg0, %c0_i32 : i32, i32
  }
  func.func @transform_1(%arg0: i32) -> (i32, i32) {
    %c0_i32 = arith.constant 0 : i32
    %c0_i32_0 = arith.constant 0 : i32
    return %arg0, %c0_i32 : i32, i32
  }
  func.func @transform_2(%arg0: i32) -> (i32, i32) {
    %c0_i32 = arith.constant 0 : i32
    %c0_i32_0 = arith.constant 0 : i32
    return %arg0, %c0_i32 : i32, i32
  }
  func.func @transform_3(%arg0: i32) -> (i32, i32) {
    %c0_i32 = arith.constant 0 : i32
    %c0_i32_0 = arith.constant 0 : i32
    return %arg0, %c0_i32 : i32, i32
  }
  func.func @transform_4(%arg0: i32) -> (i32, i32) {
    %c0_i32 = arith.constant 0 : i32
    %c0_i32_0 = arith.constant 0 : i32
    return %arg0, %c0_i32 : i32, i32
  }
}

module attributes {stable_mosaic.version = 14 : i64} {
  func.func @_layer_body(%arg0: i32, %arg1: memref<2x1000x128xf32, #tpu.memory_space<vmem>>, %arg2: memref<1000x1xf32, #tpu.memory_space<vmem>>, %arg3: memref<1000x1xf32, #tpu.memory_space<vmem>>, %arg4: memref<128x128xf32, #tpu.memory_space<vmem>>, %arg5: memref<1x128xf32, #tpu.memory_space<vmem>>, %arg6: memref<1000x128xf32, #tpu.memory_space<vmem>>) attributes {dimension_semantics = [#tpu.dimension_semantics<arbitrary>], iteration_bounds = array<i64: 10>, scalar_prefetch = 0 : i64, scratch_operands = 0 : i64, tpu.core_type = #tpu.core_type<tc>, window_params = [{transform_indices = @transform_0, window_bounds = array<i64: 2, 1000, 128>}, {transform_indices = @transform_1, window_bounds = array<i64: 1000, 1>}, {transform_indices = @transform_2, window_bounds = array<i64: 1000, 1>}, {pipeline_mode = #tpu.pipeline_mode<synchronous>, transform_indices = @transform_3, window_bounds = array<i64: 128, 128>}, {pipeline_mode = #tpu.pipeline_mode<synchronous>, transform_indices = @transform_4, window_bounds = array<i64: 1, 128>}, {transform_indices = @transform_5, window_bounds = array<i64: 1000, 128>}]} {
    %get3A = arith.constant 0 : index
    %get3A_0 = arith.constant 0 : index
    %get3A_1 = arith.constant 0 : index
    %get3A_2 = vector.load %arg1[%get3A, %get3A_0, %get3A_1] : memref<2x1000x128xf32, #tpu.memory_space<vmem>>, vector<2x1000x128xf32>
    %slice3A = vector.extract_strided_slice %get3A_2 {offsets = [0, 0, 0], sizes = [1, 1000, 128], strides = [1, 1, 1]} : vector<2x1000x128xf32> to vector<1x1000x128xf32>
    %squeeze3A = vector.shape_cast %slice3A : vector<1x1000x128xf32> to vector<1000x128xf32>
    %slice3A_3 = vector.extract_strided_slice %get3A_2 {offsets = [1, 0, 0], sizes = [1, 1000, 128], strides = [1, 1, 1]} : vector<2x1000x128xf32> to vector<1x1000x128xf32>
    %squeeze3A_4 = vector.shape_cast %slice3A_3 : vector<1x1000x128xf32> to vector<1000x128xf32>
    %add3A = arith.addf %squeeze3A, %squeeze3A_4 : vector<1000x128xf32>
    %get3A_5 = arith.constant 0 : index
    %get3A_6 = arith.constant 0 : index
    %get3A_7 = vector.load %arg2[%get3A_5, %get3A_6] : memref<1000x1xf32, #tpu.memory_space<vmem>>, vector<1000x1xf32>
    %mul3A = vector.broadcast %get3A_7 : vector<1000x1xf32> to vector<1000x128xf32>
    %mul3A_8 = arith.mulf %add3A, %mul3A : vector<1000x128xf32>
    %get3A_9 = arith.constant 0 : index
    %get3A_10 = arith.constant 0 : index
    %get3A_11 = vector.load %arg4[%get3A_9, %get3A_10] : memref<128x128xf32, #tpu.memory_space<vmem>>, vector<128x128xf32>
    %dot_general3A = arith.constant dense<0.000000e+00> : vector<1000x128xf32>
    %dot_general3A_12 = tpu.matmul %mul3A_8, %get3A_11, %dot_general3A {dimension_numbers = #tpu.dot_dimension_numbers<[1], [0], [0], [1], [0, 0, 1, 1], [], []>, transpose_lhs_hint = false} : vector<1000x128xf32>, vector<128x128xf32>, vector<1000x128xf32> -> vector<1000x128xf32>
    %get3A_13 = arith.constant 0 : index
    %get3A_14 = arith.constant 0 : index
    %get3A_15 = vector.load %arg5[%get3A_13, %get3A_14] : memref<1x128xf32, #tpu.memory_space<vmem>>, vector<1x128xf32>
    %add3A_16 = vector.broadcast %get3A_15 : vector<1x128xf32> to vector<1000x128xf32>
    %add3A_17 = arith.addf %dot_general3A_12, %add3A_16 : vector<1000x128xf32>
    %neg3A = arith.constant 0.000000e+00 : f32
    %neg3A_18 = vector.broadcast %neg3A : f32 to vector<1000x128xf32>
    %neg3A_19 = arith.subf %neg3A_18, %add3A_17 : vector<1000x128xf32>
    %exp3A = math.exp %neg3A_19 : vector<1000x128xf32>
    %add3A_20 = arith.constant 1.000000e+00 : f32
    %add3A_21 = vector.broadcast %add3A_20 : f32 to vector<1000x128xf32>
    %add3A_22 = arith.addf %add3A_21, %exp3A : vector<1000x128xf32>
    %div3A = arith.constant 1.000000e+00 : f32
    %div3A_23 = vector.broadcast %div3A : f32 to vector<1000x128xf32>
    %div3A_24 = arith.divf %div3A_23, %add3A_22 : vector<1000x128xf32>
    %mul3A_25 = arith.mulf %add3A_17, %div3A_24 : vector<1000x128xf32>
    %get3A_26 = arith.constant 0 : index
    %get3A_27 = arith.constant 0 : index
    %get3A_28 = vector.load %arg3[%get3A_26, %get3A_27] : memref<1000x1xf32, #tpu.memory_space<vmem>>, vector<1000x1xf32>
    %mul3A_29 = vector.broadcast %get3A_28 : vector<1000x1xf32> to vector<1000x128xf32>
    %mul3A_30 = arith.mulf %mul3A_25, %mul3A_29 : vector<1000x128xf32>
    %swap3A = arith.constant 0 : index
    %swap3A_31 = arith.constant 0 : index
    %swap3A_32 = vector.load %arg6[%swap3A, %swap3A_31] : memref<1000x128xf32, #tpu.memory_space<vmem>>, vector<1000x128xf32>
    tpu.vector_store %arg6[%swap3A, %swap3A_31], %mul3A_30 {strides = array<i32>} : memref<1000x128xf32, #tpu.memory_space<vmem>>, vector<1000x128xf32>,
    return
  }
  func.func @transform_0(%arg0: i32) -> (i32, i32, i32) {
    %c0_i32 = arith.constant 0 : i32
    %c0_i32_0 = arith.constant 0 : i32
    %c0_i32_1 = arith.constant 0 : i32
    return %c0_i32, %arg0, %c0_i32_0 : i32, i32, i32
  }
  func.func @transform_1(%arg0: i32) -> (i32, i32) {
    %c0_i32 = arith.constant 0 : i32
    %c0_i32_0 = arith.constant 0 : i32
    return %arg0, %c0_i32 : i32, i32
  }
  func.func @transform_2(%arg0: i32) -> (i32, i32) {
    %c0_i32 = arith.constant 0 : i32
    %c0_i32_0 = arith.constant 0 : i32
    return %arg0, %c0_i32 : i32, i32
  }
  func.func @transform_3(%arg0: i32) -> (i32, i32) {
    %c0_i32 = arith.constant 0 : i32
    %c0_i32_0 = arith.constant 0 : i32
    %c0_i32_1 = arith.constant 0 : i32
    return %c0_i32, %c0_i32_0 : i32, i32
  }
  func.func @transform_4(%arg0: i32) -> (i32, i32) {
    %c0_i32 = arith.constant 0 : i32
    %c0_i32_0 = arith.constant 0 : i32
    %c0_i32_1 = arith.constant 0 : i32
    return %c0_i32, %c0_i32_0 : i32, i32
  }
  func.func @transform_5(%arg0: i32) -> (i32, i32) {
    %c0_i32 = arith.constant 0 : i32
    %c0_i32_0 = arith.constant 0 : i32
    return %arg0, %c0_i32 : i32, i32
  }
}

module attributes {stable_mosaic.version = 14 : i64} {
  func.func @_final_body(%arg0: i32, %arg1: memref<2x1000x128xf32, #tpu.memory_space<vmem>>, %arg2: memref<1000x1xf32, #tpu.memory_space<vmem>>, %arg3: memref<128x128xf32, #tpu.memory_space<vmem>>, %arg4: memref<1x128xf32, #tpu.memory_space<vmem>>, %arg5: memref<1x128xf32, #tpu.memory_space<vmem>>) attributes {dimension_semantics = [#tpu.dimension_semantics<arbitrary>], iteration_bounds = array<i64: 10>, scalar_prefetch = 0 : i64, scratch_operands = 0 : i64, tpu.core_type = #tpu.core_type<tc>, window_params = [{transform_indices = @transform_0, window_bounds = array<i64: 2, 1000, 128>}, {transform_indices = @transform_1, window_bounds = array<i64: 1000, 1>}, {pipeline_mode = #tpu.pipeline_mode<synchronous>, transform_indices = @transform_2, window_bounds = array<i64: 128, 128>}, {pipeline_mode = #tpu.pipeline_mode<synchronous>, transform_indices = @transform_3, window_bounds = array<i64: 1, 128>}, {pipeline_mode = #tpu.pipeline_mode<synchronous>, transform_indices = @transform_4, window_bounds = array<i64: 1, 128>}]} {
    %get3A = arith.constant 0 : index
    %get3A_0 = arith.constant 0 : index
    %get3A_1 = arith.constant 0 : index
    %get3A_2 = vector.load %arg1[%get3A, %get3A_0, %get3A_1] : memref<2x1000x128xf32, #tpu.memory_space<vmem>>, vector<2x1000x128xf32>
    %slice3A = vector.extract_strided_slice %get3A_2 {offsets = [0, 0, 0], sizes = [1, 1000, 128], strides = [1, 1, 1]} : vector<2x1000x128xf32> to vector<1x1000x128xf32>
    %squeeze3A = vector.shape_cast %slice3A : vector<1x1000x128xf32> to vector<1000x128xf32>
    %slice3A_3 = vector.extract_strided_slice %get3A_2 {offsets = [1, 0, 0], sizes = [1, 1000, 128], strides = [1, 1, 1]} : vector<2x1000x128xf32> to vector<1x1000x128xf32>
    %squeeze3A_4 = vector.shape_cast %slice3A_3 : vector<1x1000x128xf32> to vector<1000x128xf32>
    %add3A = arith.addf %squeeze3A, %squeeze3A_4 : vector<1000x128xf32>
    %get3A_5 = arith.constant 0 : index
    %get3A_6 = arith.constant 0 : index
    %get3A_7 = vector.load %arg2[%get3A_5, %get3A_6] : memref<1000x1xf32, #tpu.memory_space<vmem>>, vector<1000x1xf32>
    %mul3A = vector.broadcast %get3A_7 : vector<1000x1xf32> to vector<1000x128xf32>
    %mul3A_8 = arith.mulf %add3A, %mul3A : vector<1000x128xf32>
    %get3A_9 = arith.constant 0 : index
    %get3A_10 = arith.constant 0 : index
    %get3A_11 = vector.load %arg3[%get3A_9, %get3A_10] : memref<128x128xf32, #tpu.memory_space<vmem>>, vector<128x128xf32>
    %dot_general3A = arith.constant dense<0.000000e+00> : vector<1000x128xf32>
    %dot_general3A_12 = tpu.matmul %mul3A_8, %get3A_11, %dot_general3A {dimension_numbers = #tpu.dot_dimension_numbers<[1], [0], [0], [1], [0, 0, 1, 1], [], []>, transpose_lhs_hint = false} : vector<1000x128xf32>, vector<128x128xf32>, vector<1000x128xf32> -> vector<1000x128xf32>
    %get3A_13 = arith.constant 0 : index
    %get3A_14 = arith.constant 0 : index
    %get3A_15 = vector.load %arg4[%get3A_13, %get3A_14] : memref<1x128xf32, #tpu.memory_space<vmem>>, vector<1x128xf32>
    %add3A_16 = vector.broadcast %get3A_15 : vector<1x128xf32> to vector<1000x128xf32>
    %add3A_17 = arith.addf %dot_general3A_12, %add3A_16 : vector<1000x128xf32>
    %neg3A = arith.constant 0.000000e+00 : f32
    %neg3A_18 = vector.broadcast %neg3A : f32 to vector<1000x128xf32>
    %neg3A_19 = arith.subf %neg3A_18, %add3A_17 : vector<1000x128xf32>
    %exp3A = math.exp %neg3A_19 : vector<1000x128xf32>
    %add3A_20 = arith.constant 1.000000e+00 : f32
    %add3A_21 = vector.broadcast %add3A_20 : f32 to vector<1000x128xf32>
    %add3A_22 = arith.addf %add3A_21, %exp3A : vector<1000x128xf32>
    %div3A = arith.constant 1.000000e+00 : f32
    %div3A_23 = vector.broadcast %div3A : f32 to vector<1000x128xf32>
    %div3A_24 = arith.divf %div3A_23, %add3A_22 : vector<1000x128xf32>
    %mul3A_25 = arith.mulf %add3A_17, %div3A_24 : vector<1000x128xf32>
    %reduce_sum3A = arith.constant dense<0.000000e+00> : vector<128xf32>
    %reduce_sum3A_26 = vector.multi_reduction <add>, %mul3A_25, %reduce_sum3A [0] : vector<1000x128xf32> to vector<128xf32>
    %broadcast_in_dim3A = vector.shape_cast %reduce_sum3A_26 : vector<128xf32> to vector<1x128xf32>
    %mul3A_27 = arith.constant 9.99999974E-5 : f32
    %mul3A_28 = vector.broadcast %mul3A_27 : f32 to vector<1x128xf32>
    %mul3A_29 = arith.mulf %broadcast_in_dim3A, %mul3A_28 : vector<1x128xf32>
    %eq3A = arith.constant 0 : i32
    %eq3A_30 = arith.cmpi eq, %arg0, %eq3A : i32
    %convert_element_type3A = arith.extui %eq3A_30 : i1 to i32
    %cond3A = arith.constant 0 : i32
    %cond3A_31 = arith.cmpi ne, %convert_element_type3A, %cond3A : i32
    scf.if %cond3A_31 {
      %swap3A = arith.constant 0 : index
      %swap3A_36 = arith.constant 0 : index
      %swap3A_37 = vector.load %arg5[%swap3A, %swap3A_36] : memref<1x128xf32, #tpu.memory_space<vmem>>, vector<1x128xf32>
      tpu.vector_store %arg5[%swap3A, %swap3A_36], %mul3A_29 {strides = array<i32>} : memref<1x128xf32, #tpu.memory_space<vmem>>, vector<1x128xf32>,
    } else {
    }
    %gt3A = arith.constant 0 : i32
    %gt3A_32 = arith.cmpi sgt, %arg0, %gt3A : i32
    %convert_element_type3A_33 = arith.extui %gt3A_32 : i1 to i32
    %cond3A_34 = arith.constant 0 : i32
    %cond3A_35 = arith.cmpi ne, %convert_element_type3A_33, %cond3A_34 : i32
    scf.if %cond3A_35 {
      %get3A_36 = arith.constant 0 : index
      %get3A_37 = arith.constant 0 : index
      %get3A_38 = vector.load %arg5[%get3A_36, %get3A_37] : memref<1x128xf32, #tpu.memory_space<vmem>>, vector<1x128xf32>
      %add3A_39 = arith.addf %get3A_38, %mul3A_29 : vector<1x128xf32>
      %swap3A = arith.constant 0 : index
      %swap3A_40 = arith.constant 0 : index
      %swap3A_41 = vector.load %arg5[%swap3A, %swap3A_40] : memref<1x128xf32, #tpu.memory_space<vmem>>, vector<1x128xf32>
      tpu.vector_store %arg5[%swap3A, %swap3A_40], %add3A_39 {strides = array<i32>} : memref<1x128xf32, #tpu.memory_space<vmem>>, vector<1x128xf32>,
    } else {
    }
    return
  }
  func.func @transform_0(%arg0: i32) -> (i32, i32, i32) {
    %c0_i32 = arith.constant 0 : i32
    %c0_i32_0 = arith.constant 0 : i32
    %c0_i32_1 = arith.constant 0 : i32
    return %c0_i32, %arg0, %c0_i32_0 : i32, i32, i32
  }
  func.func @transform_1(%arg0: i32) -> (i32, i32) {
    %c0_i32 = arith.constant 0 : i32
    %c0_i32_0 = arith.constant 0 : i32
    return %arg0, %c0_i32 : i32, i32
  }
  func.func @transform_2(%arg0: i32) -> (i32, i32) {
    %c0_i32 = arith.constant 0 : i32
    %c0_i32_0 = arith.constant 0 : i32
    %c0_i32_1 = arith.constant 0 : i32
    return %c0_i32, %c0_i32_0 : i32, i32
  }
  func.func @transform_3(%arg0: i32) -> (i32, i32) {
    %c0_i32 = arith.constant 0 : i32
    %c0_i32_0 = arith.constant 0 : i32
    %c0_i32_1 = arith.constant 0 : i32
    return %c0_i32, %c0_i32_0 : i32, i32
  }
  func.func @transform_4(%arg0: i32) -> (i32, i32) {
    %c0_i32 = arith.constant 0 : i32
    %c0_i32_0 = arith.constant 0 : i32
    %c0_i32_1 = arith.constant 0 : i32
    return %c0_i32, %c0_i32_0 : i32, i32
  }
}

</mosaic_0001>

<sc_bundles>
// kernel: kernel.10.cloned.1.call-start
scs
__scs_entry_jumppad:
0x0: {  	(pc) =	sbr.rel $0x88, $3  }
0x1: {  	(tag) =	ssettag $0x0;
	lr =	simm.s32 $0x1  }
0x2: {  	[smem:$0x3F99] =	sst lr;
	_ =	strace $0xD0000000  }
0x3: {  	_ = 	snop  }
0x4: {  	_ = 	snop  }
0x5: {  	_ = 	snop  }
0x6: {  	_ = 	snop  }
0x7: {  	_ = 	snop  }
__scs_overlays_trampoline_lowered:
0x8: {  	[smem:$0x3FA8] =	sst s0  }
0x9: {  	[smem:$0x3FA9] =	sst s1  }
0xa: {  	[smem:$0x3FAA] =	sst s2  }
0xb: {  	[smem:$0x3FAB] =	sst s3  }
0xc: {  	[smem:$0x3FAC] =	sst s4  }
0xd: {  	[smem:$0x3FAD] =	sst s5  }
0xe: {  	[smem:$0x3FAE] =	sst s6  }
0xf: {  	[smem:$0x3FAF] =	sst s7  }
0x10: {  	[smem:$0x3FB0] =	sst s8  }
0x11: {  	[smem:$0x3FB1] =	sst s9;
	s0 =	simm.s32 @!p0 $0x0  }
0x12: {  	s1 =	sld [smem:$0x3F97];
	s0 =	simm.s32 @p0 $0x1  }
0x13: {  	[smem:$0x3FB2] =	sst s0;
	s0 =	simm.s32 @!p1 $0x0  }
0x14: {  	s2 =	sld [smem:$0x3F96];
	s0 =	simm.s32 @p1 $0x1  }
0x15: {  	[smem:$0x3FB3] =	sst s0;
	s0 =	simm.s32 @!p2 $0x0  }
0x16: {  	s3 =	sld [smem:$0x3FDB];
	s0 =	simm.s32 @p2 $0x1  }
0x17: {  	s4 =	simm.s32 $0x1BF5;
	[smem:$0x3FB5] =	sst s0  }
0x18: {  	s0 =	sld [smem:$0x3F98];
	_ =	swait.ge [sflag:s4], $0x0  }
0x19: {  	s7 =	sld [smem:$0x3F99]  }
0x1a: {  	s8 =	sadd.s32 $0xFFFFE003, lr  }
0x1b: {  	s9 =	sadd.s32 $0xFFFFFEF7, lr;
	s5 =	simm.s32 $0xFFFFFFFF;
	p2 =	slt.u32 s8, $0xFFFFF086  }
0x1c: {  	p1 =	slt.u32 s9, $0xF7A;
	s5 =	simm.s32 @!p2 $0x0  }
0x1d: {  	s5 =	simm.s32 @p1 $0x1;
	p0 =	seq.s32 s7, s2  }
0x1e: {  	s7 =	smul.u32 @!p0 $0xF7A, s2;
	p2 =	seq.s32 @!p0 s5, $0x0  }
0x1f: {  	s9 =	smul.u32 $0xF7A, s1;
	s8 =	simm.s32 @!p0 $0x1BF5;
	p2 =	por !p2, p0  }
0x20: {  	[sflag:s8] =	ssyncset.s32 @!p0 $0xFFFFF086;
	s6 =	sadd.s32 @!p0 s3, s7;
	s7 =	simm.s32 @!p0 $0x108  }
0x21: {  	s3 =	sadd.s32 s3, s9;
	s6 =	sadd.s32 @!p0 $0x88, s6;
	s7 =	simm.s32 @p2 $0x1082  }
0x22: {  	[simem:s7], [sflag:s8] =	dma.local @!p0 [hbm:s6], $0xF7A  }
0x23: {  	s9 =	sor.u32 $0xD0000000, s2;
	s6 =	simm.s32 $0x108;
	_ =	swait.ge @!p0 [sflag:s8], $0x0  }
0x24: {  	s3 =	sadd.s32 $0x88, s3;
	s6 =	simm.s32 @!p1 $0x1082;
	[sflag:s4] =	ssyncset.s32 $0xFFFFF086  }
0x25: {  	[simem:s6], [sflag:s4] =	dma.local [hbm:s3], $0xF7A  }
0x26: {  	[smem:$0x3F99] =	sst s1;
	(tag) =	ssettag s2;
	_ =	strace s9  }
0x27: {  	s1 =	sld [smem:$0x3FA9]  }
0x28: {  	s2 =	sld [smem:$0x3FAA]  }
0x29: {  	s4 =	sld [smem:$0x3FAC]  }
0x2a: {  	p0 =	seq.s32 s5, $0x0;
	s5 =	sld [smem:$0x3FAD]  }
0x2b: {  	s6 =	sld [smem:$0x3FAE]  }
0x2c: {  	s7 =	sld [smem:$0x3FAF]  }
0x2d: {  	s3 =	simm.s32 $0x108;
	s8 =	sld [smem:$0x3FB0]  }
0x2e: {  	s3 =	simm.s32 @!p0 $0x1082;
	s9 =	sld [smem:$0x3FB1]  }
0x2f: {  	lr =	sadd.s32 s0, s3;
	s0 =	sld [smem:$0x3FA8]  }
0x30: {  	s3 =	sld [smem:$0x3FAB]  }
0x31: {  	[smem:$0x3FB4] =	sst s10  }
0x32: {  	s10 =	sld [smem:$0x3FB2];
	_ =	sdelay $0x3  }
0x33: {  	p0 =	seq.s32 s10, $0x1;
	s10 =	sld [smem:$0x3FB4];
	_ =	sdelay $0x3  }
0x34: {  	[smem:$0x3FB4] =	sst s10  }
0x35: {  	s10 =	sld [smem:$0x3FB3];
	_ =	sdelay $0x3  }
0x36: {  	p1 =	seq.s32 s10, $0x1;
	s10 =	sld [smem:$0x3FB4];
	_ =	sdelay $0x3  }
0x37: {  	[smem:$0x3FB4] =	sst s10  }
0x38: {  	s10 =	sld [smem:$0x3FB5]  }
0x39: {  	_ = 	snop;
	(pc) =	sbr.ind lr, $3  }
0x3a: {  	_ = 	snop  }
0x3b: {  	_ = 	snop  }
0x3c: {  	p2 =	seq.s32 s10, $0x1;
	s10 =	sld [smem:$0x3FB4]  }
0x3d: {  	_ =	shalt  }
0x3e: {  	_ =	shalt  }
0x3f: {  	_ =	shalt  }
0x40: {  	_ =	shalt  }
0x41: {  	_ =	shalt  }
0x42: {  	_ =	shalt  }
0x43: {  	_ =	shalt  }
0x44: {  	_ =	shalt  }
0x45: {  	_ =	shalt  }
0x46: {  	_ =	shalt  }
0x47: {  	_ =	shalt  }
0x48: {  	_ =	shalt  }
0x49: {  	_ =	shalt  }
0x4a: {  	_ =	shalt  }
0x4b: {  	_ =	shalt  }
0x4c: {  	_ =	shalt  }
0x4d: {  	_ =	shalt  }
0x4e: {  	_ =	shalt  }
0x4f: {  	_ =	shalt  }
0x50: {  	_ =	shalt  }
0x51: {  	_ =	shalt  }
0x52: {  	_ =	shalt  }
0x53: {  	_ =	shalt  }
0x54: {  	_ =	shalt  }
0x55: {  	_ =	shalt  }
0x56: {  	_ =	shalt  }
0x57: {  	_ =	shalt  }
0x58: {  	_ =	shalt  }
0x59: {  	_ =	shalt  }
0x5a: {  	_ =	shalt  }
0x5b: {  	_ =	shalt  }
0x5c: {  	_ =	shalt  }
0x5d: {  	_ =	shalt  }
0x5e: {  	_ =	shalt  }
0x5f: {  	_ =	shalt  }
0x60: {  	_ =	shalt  }
0x61: {  	_ =	shalt  }
0x62: {  	_ =	shalt  }
0x63: {  	_ =	shalt  }
0x64: {  	_ =	shalt  }
0x65: {  	_ =	shalt  }
0x66: {  	_ =	shalt  }
0x67: {  	_ =	shalt  }
0x68: {  	_ =	shalt  }
0x69: {  	_ =	shalt  }
0x6a: {  	_ =	shalt  }
0x6b: {  	_ =	shalt  }
0x6c: {  	_ =	shalt  }
0x6d: {  	_ =	shalt  }
0x6e: {  	_ =	shalt  }
0x6f: {  	_ =	shalt  }
0x70: {  	_ =	shalt  }
0x71: {  	_ =	shalt  }
0x72: {  	_ =	shalt  }
0x73: {  	_ =	shalt  }
0x74: {  	_ =	shalt  }
0x75: {  	_ =	shalt  }
0x76: {  	_ =	shalt  }
0x77: {  	_ =	shalt  }
0x78: {  	_ =	shalt  }
0x79: {  	_ =	shalt  }
0x7a: {  	_ =	shalt  }
0x7b: {  	_ =	shalt  }
0x7c: {  	_ =	shalt  }
0x7d: {  	_ =	shalt  }
0x7e: {  	_ =	shalt  }
0x7f: {  	_ =	shalt  }
0x80: {  	_ =	shalt  }
0x81: {  	_ =	shalt  }
0x82: {  	_ =	shalt  }
0x83: {  	_ =	shalt  }
0x84: {  	_ =	shalt  }
0x85: {  	_ =	shalt  }
0x86: {  	_ =	shalt  }
0x87: {  	_ =	shalt  }
.Lfunc_end0:
.L_simem_size_0:
called_computation_lowered:
.L_overlay_start_0:
0x88: {  	s2 =	sld [smem:$0x3FD9]  }
0x89: {  	s3 =	sld [smem:$0x3FFE];
	_ =	sdelay $0x1  }
0x8a: {  	s1 =	srdreg.scid  }
0x8b: {  	s0 =	sand.u32 $0x1, s1  }
0x8c: {  	s17 =	sshll.u32 s0, $0xA;
	s2 =	sadd.s32 s3, s2  }
0x8d: {  	s2 =	sadd.s32 s2, s17  }
0x8e: {  	[smem:$0x3FC0] =	sst s2  }
0x8f: {  	_ = 	snop  }
0x90: {  	s2 =	sld [smem:$0x3FD0];
	(tm) =	ssettm $0x1  }
0x91: {  	s18 =	sld [smem:$0x3FFB];
	_ =	sdelay $0x3  }
0x92: {  	_ =	strace s18  }
0x93: {  	s3 =	sld [smem:$0x3FFC];
	_ =	sdelay $0x3  }
0x94: {  	_ =	strace s3  }
0x95: {  	s3 =	sld [smem:$0x3FFD];
	_ =	sdelay $0x3  }
0x96: {  	_ =	strace s3  }
0x97: {  	_ =	strace $0x8FFFFFFF  }
0x98: {  	s19 =	sld [smem:$0x3FDB];
	_ =	sdelay $0x1  }
0x99: {  	s4 =	simm.s32 $_scs_section_size  }
0x9a: {  	s5 =	simm.s32 $_size__tile_overlayer_lowered;
	s6 =	simm.s32 $_tile_overlayer_lowered  }
0x9b: {  	s22 =	simm.s32 $0x1BFF;
	s21 =	sshll.u32 s6, $0x1;
	s3 =	sadd.s32 s4, s19  }
0x9c: {  	s7 =	simm.s32 $0x0;
	s20 =	sshll.u32 s5, $0x1;
	s5 =	sadd.s32 s21, s3  }
0x9d: {  	[timem:s7], [sflag:s22] =	dma.local [hbm:s5], s20  }
0x9e: {  	_ =	swait.ge [sflag:s22], s20  }
0x9f: {  	s4 =	ssub.s32 $0x0, s20;
	[sflag:s22] =	ssyncset.done $0x0  }
0xa0: {  	[sflag:s22] =	ssyncadd.s32 s4;
	_ =	sdelay $0x1  }
0xa1: {  	s23 =	simm.s32 $0x1B8B  }
0xa2: {  	_ =	swait.ge [sflag:s23], $0x1  }
0xa3: {  	[sflag:s23] =	ssyncset.done $0x0  }
0xa4: {  	s25 =	simm.s32 $0x1B8E;
	s24 =	sld [smem:$0x3FFE];
	[sflag:s23] =	ssyncadd.s32 $0xFFFFFFFF  }
0xa5: {  	s26 =	simm.s32 $execute0_lowered;
	[smem:$0x3FD2] =	sst s25  }
0xa6: {  	s5 =	sshll.u32 s26, $0x1;
	_ =	strace $0x80000046;
	[dreg:$0x1] =	wrdreg $0xFFFFFFFF  }
0xa7: {  	s28 =	simm.s32 $_size_execute0_lowered;
	s3 =	sadd.s32 s3, s5;
	[dreg:$0x0] =	wrdreg $0x0  }
0xa8: {  	s5 =	sshll.u32 s28, $0x1;
	[dreg:$0x2] =	wrdreg s3  }
0xa9: {  	[dreg:$0x3] =	wrdreg s5  }
0xaa: {  	[dreg:$0x4] =	wrdreg $0xC0  }
0xab: {  	_ =	task [dreg:s7], $0x5FFFF  }
0xac: {  	[dreg:$0x1] =	wrdreg $0xFFFFFFFF  }
0xad: {  	[dreg:$0x0] =	wrdreg $0x60  }
0xae: {  	[dreg:$0x2] =	wrdreg s24  }
0xaf: {  	[dreg:$0x3] =	wrdreg s2  }
0xb0: {  	[dreg:$0x4] =	wrdreg $0x50800  }
0xb1: {  	[dreg:$0x5] =	wrdreg $0x52F80  }
0xb2: {  	[dreg:$0x6] =	wrdreg $0x9  }
0xb3: {  	_ =	task.clear_ibuf [dreg:s7], $0x7FFFF;
	_ =	strace $0x90000046  }
0xb4: {  	s29 =	simm.s32 $0x9;
	_ =	strace $0x80000048  }
0xb5: {  	_ =	swait.ge [sflag:s29], $0x1  }
0xb6: {  	[sflag:s29] =	ssyncadd.s32 $0xFFFFFFFF  }
0xb7: {  	_ =	strace $0x90000048  }
0xb8: {  	_ =	sfence  }
0xb9: {  	s30 =	sld [smem:$0x0];
	_ =	sdelay $0x2  }
0xba: {  	s31 =	sshll.u32 s1, $0xD;
	s1 =	sshrl.u32 s1, $0x2  }
0xbb: {  	s3 =	sand.u32 $0x4000, s31;
	s1 =	sadd.s32 s1, s30  }
0xbc: {  	s0 =	sor.u32 s3, s0;
	s1 =	sshll.u32 s1, $0x11  }
0xbd: {  	s0 =	sor.u32 s1, s0  }
0xbe: {  	s0 =	sadd.s32 $0x8F2B, s0  }
0xbf: {  	[sflag:s0] =	ssyncadd.remote.s32 $0x1  }
0xc0: {  	_ =	sfence.sel $0xFFFF  }
0xc1: {  	[dreg:$0x0] =	wrdreg $0xFFFFFFFF;
	(pc) =	sbr.abs _section_cstart, $3  }
0xc2: {  	[dreg:$0x1] =	wrdreg $0xFFFFFFFF  }
0xc3: {  	_ =	task.clear_ibuf [dreg:s7], $0x2FFFF;
	_ =	strace $0x9FFFFFFF  }
0xc4: {  	(tm) =	ssettm $0x7FFFFFFF  }
0xc5: {  	_ =	shalt  }
tec
execute0_lowered:
.L_overlay_start_1:
0x0: {  	(tag) =	ssettag $0x1  }
0x1: {  	s6 =	rddreg [dreg:$0x0]  }
0x2: {  	s1 =	srdreg.scid;
	s0 =	rddreg [dreg:$0x1]  }
0x3: {  	s2 =	rddreg [dreg:$0x2];
	s10 =	stileid.u32  }
0x4: {  	s3 =	rddreg [dreg:$0x3];
	s4 =	simm.s32 $0x0;
	s13 =	simm.s32 $0x3  }
0x5: {  	s14 =	simm.s32 $0x2800;
	s15 =	simm.s32 $0x5000;
	s16 =	simm.s32 $0x7D  }
0x6: {  	s17 =	simm.s32 $0x80;
	s18 =	simm.s32 $0x2880;
	s19 =	simm.s32 $0x1  }
0x7: {  	s20 =	simm.s32 $0x2;
	s21 =	simm.s32 $0x0;
	s5 =	sand.u32 $0x1, s1  }
0x8: {  	[smem:$0x7FF] =	sst s4;
	p0 =	sne.s32 s10, $0x0;
	s1 =	sshll.u32 s5, $0x4  }
0x9: {  	s8 =	smul.u32 $0x9E0, s5;
	s9 =	ssub.s32 $0x2, s5;
	s5 =	sadd.s32 $0x16400, s6  }
0xa: {  	s7 =	sor.u32 s10, s1;
	s1 =	rddreg [dreg:$0x4];
	_ =	strace $0x80000047  }
0xb: {  	s31 =	sshrl.u32 s9, $0x1;
	s7 =	smul.u32 $0x500, s7;
	s11 =	sadd.s32 s8, s6  }
0xc: {  	s12 =	ssub.s32 s9, s31;
	s8 =	sadd.s32 $0x16A00, s11;
	s9 =	sadd.s32 $0x16A10, s11  }
0xd: {  	s10 =	smax.u32 s12, $0x1;
	s11 =	sshrl.u32 @!p0 s2, $0x3;
	s7 =	sadd.s32 s7, s6  }
0xe: {  	s12 =	sshrl.u32 @!p0 s3, $0x3;
	s6 =	sadd.s32 $0xC400, s7;
	s7 =	sadd.s32 $0x2400, s7  }
.LBB2_1:
0xf: {  	s22 =	simm.s32 @!p0 $0x1C03;
	s23 =	simm.s32 @!p0 $0x3  }
0x10: {  	[spmem:s11], [sflag:s22] =	dma.local @!p0 [hbm:s5], $0x4F0  }
0x11: {  	_ =	swait.ge @!p0 [sflag:s23], $0x4F0  }
0x12: {  	[sflag:s23] =	ssyncset.done @!p0 $0x0  }
0x13: {  	[sflag:s23] =	ssyncadd.s32 @!p0 $0xFFFFFB10  }
0x14: {  	[spmem:s12], [sflag:s22] =	dma.local @!p0 [hbm:s5], $0x4F0  }
0x15: {  	_ =	swait.ge @!p0 [sflag:s23], $0x4F0  }
0x16: {  	[sflag:s23] =	ssyncset.done @!p0 $0x0  }
0x17: {  	[sflag:s23] =	ssyncadd.s32 @!p0 $0xFFFFFB10  }
0x18: {  	[tilespmem:s4], [sflag:$0x3] =	stream.linear.gather [hbm4b:s6+s4], $0x2800, $0x38;
	[tilespmem:$0x5570] =	vst v63  }
0x19: {  	_ =	swait.ge [sflag:s13], $0x2800  }
0x1a: {  	[sflag:s13] =	ssyncset.done $0x0  }
0x1b: {  	[sflag:s13] =	ssyncadd.s32 $0xFFFFD800  }
0x1c: {  	[tilespmem:s14], [sflag:$0x3] =	stream.linear.gather [hbm4b:s7+s4], $0x2800, $0x38;
	[tilespmem:$0x5570] =	vst v63  }
0x1d: {  	_ =	swait.ge [sflag:s13], $0x2800  }
0x1e: {  	[sflag:s13] =	ssyncset.done $0x0  }
0x1f: {  	[sflag:s13] =	ssyncadd.s32 $0xFFFFD800  }
0x20: {  	[tilespmem:s15], [sflag:$0x3] =	stream.linear.gather [hbm4b:s0+s4], $0x80, $0x38;
	[tilespmem:$0x5570] =	vst v63  }
0x21: {  	_ =	swait.ge [sflag:s13], $0x80  }
0x22: {  	[sflag:s13] =	ssyncset.done $0x0  }
0x23: {  	[sflag:s13] =	ssyncadd.s32 $0xFFFFFF80  }
0x24: {  	[bflag:$0x0] =	sbarrier.arrive $0xFFFF  }
0x25: {  	[spmem:s2] =	stream.indirect.scatter.add.f32 [tilespmem:s15], [sflag:$0x1], $0x1, s4, s16, $0xb8;
	[tilespmem:$0x5570] =	vst v63  }
0x26: {  	_ = 	snop  }
0x27: {  	[spmem:s3] =	stream.indirect.scatter.add.f32 [tilespmem:s15], [sflag:$0x2], $0x1, s14, s16, $0xb8;
	[tilespmem:$0x5570] =	vst v63  }
0x28: {  	_ = 	snop  }
0x29: {  	[spmem:s2] =	stream.indirect.scatter.add.f32 [tilespmem:s15], [sflag:$0x1], $0x1, s17, s16, $0xb8;
	[tilespmem:$0x5570] =	vst v63  }
0x2a: {  	_ = 	snop  }
0x2b: {  	[spmem:s3] =	stream.indirect.scatter.add.f32 [tilespmem:s15], [sflag:$0x2], $0x1, s18, s16, $0xb8;
	[tilespmem:$0x5570] =	vst v63  }
0x2c: {  	s30 =	simm.s32 $0x100  }
0x2d: {  	[spmem:s2] =	stream.indirect.scatter.add.f32 [tilespmem:s15], [sflag:$0x1], $0x1, s30, s16, $0xb8;
	[tilespmem:$0x5570] =	vst v63  }
0x2e: {  	s31 =	simm.s32 $0x2900  }
0x2f: {  	[spmem:s3] =	stream.indirect.scatter.add.f32 [tilespmem:s15], [sflag:$0x2], $0x1, s31, s16, $0xb8;
	[tilespmem:$0x5570] =	vst v63  }
0x30: {  	_ =	swait.ge [sflag:s19], $0x7D  }
0x31: {  	[sflag:s19] =	ssyncset.done $0x0  }
0x32: {  	[sflag:s19] =	ssyncadd.s32 $0xFFFFFF83  }
0x33: {  	_ =	swait.ge [sflag:s20], $0x7D  }
0x34: {  	s22 =	simm.s32 $0x600;
	s23 =	simm.s32 $0x800;
	[sflag:s20] =	ssyncset.done $0x0  }
.LBB2_2:
0x35: {  	s24 =	sshra.s32 s22, $0x2  }
0x36: {  	[sflag:s20] =	ssyncadd.s32 $0xFFFFFF83;
	s22 =	smov.u32 s23;
	s25 =	sadd.s32 $0x200, s23  }
0x37: {  	[spmem:s2] =	stream.indirect.scatter.add.f32 [tilespmem:s15], [sflag:$0x1], $0x1, s24, s16, $0xb8;
	[tilespmem:$0x5570] =	vst v63  }
0x38: {  	p1 =	sne.s32 s23, $0x9E00;
	s23 =	sadd.s32 $0x2800, s24  }
0x39: {  	[spmem:s3] =	stream.indirect.scatter.add.f32 [tilespmem:s15], [sflag:$0x2], $0x1, s23, s16, $0xb8;
	[tilespmem:$0x5570] =	vst v63  }
.Ltmp0:
0x3a: {  	_ =	swait.ge [sflag:s19], $0x7D;
	(pc) =	sbr.rel @p1 .LBB2_2-.Ltmp0, $4  }
0x3b: {  	[sflag:s19] =	ssyncset.done $0x0  }
0x3c: {  	[sflag:s19] =	ssyncadd.s32 $0xFFFFFF83  }
0x3d: {  	_ =	swait.ge [sflag:s20], $0x7D  }
0x3e: {  	s23 =	smov.u32 s25;
	[sflag:s20] =	ssyncset.done $0x0  }
0x3f: {  	s22 =	sshra.s32 s22, $0x2;
	[sflag:s20] =	ssyncadd.s32 $0xFFFFFF83  }
0x40: {  	[spmem:s2] =	stream.indirect.scatter.add.f32 [tilespmem:s15], [sflag:$0x1], $0x1, s22, s16, $0xb8;
	[tilespmem:$0x5570] =	vst v63  }
0x41: {  	s22 =	sadd.s32 $0x2800, s22  }
0x42: {  	[spmem:s3] =	stream.indirect.scatter.add.f32 [tilespmem:s15], [sflag:$0x2], $0x1, s22, s16, $0xb8;
	[tilespmem:$0x5570] =	vst v63  }
0x43: {  	_ =	swait.ge [sflag:s19], $0x7D  }
0x44: {  	[sflag:s19] =	ssyncset.done $0x0  }
0x45: {  	[sflag:s19] =	ssyncadd.s32 $0xFFFFFF83  }
0x46: {  	_ =	swait.ge [sflag:s20], $0x7D  }
0x47: {  	[sflag:s20] =	ssyncset.done $0x0  }
0x48: {  	[sflag:s20] =	ssyncadd.s32 $0xFFFFFF83  }
0x49: {  	_ =	swait.ge [sflag:s19], $0x7D  }
0x4a: {  	[sflag:s19] =	ssyncset.done $0x0  }
0x4b: {  	[sflag:s19] =	ssyncadd.s32 $0xFFFFFF83  }
0x4c: {  	_ =	swait.ge [sflag:s20], $0x7D  }
0x4d: {  	[sflag:s20] =	ssyncset.done $0x0  }
0x4e: {  	[sflag:s20] =	ssyncadd.s32 $0xFFFFFF83  }
0x4f: {  	_ =	swait.ge [sflag:s19], $0x7D  }
0x50: {  	[sflag:s19] =	ssyncset.done $0x0  }
0x51: {  	[sflag:s19] =	ssyncadd.s32 $0xFFFFFF83  }
0x52: {  	_ =	swait.ge [sflag:s20], $0x7D  }
0x53: {  	s23 =	simm.s32 @!p0 $0x20;
	[sflag:s20] =	ssyncset.done $0x0  }
0x54: {  	s24 =	simm.s32 @!p0 $0x10;
	s25 =	simm.s32 @!p0 $0x1C03;
	[sflag:s20] =	ssyncadd.s32 $0xFFFFFF83  }
0x55: {  	s26 =	simm.s32 @!p0 $0x3;
	s22 =	simm.s32 @!p0 $0x1;
	[bflag:$0x0] =	sbarrier.arrive $0xFFFF  }
0x56: {  	[hbm:s8@s23], [sflag:s25] =	dma.strided @!p0 [spmem:s11@s24], $0x4F0, s22, $0x10   }
0x57: {  	s21 =	sadd.s32 $0x1, s21;
	_ =	swait.ge @!p0 [sflag:s26], $0x4F0  }
0x58: {  	p1 =	sne.s32 s21, s10;
	[sflag:s26] =	ssyncset.done @!p0 $0x0  }
.Ltmp1:
0x59: {  	[sflag:s26] =	ssyncadd.s32 @!p0 $0xFFFFFB10;
	(pc) =	sbr.rel @p1 .LBB2_1-.Ltmp1, $4  }
0x5a: {  	[hbm:s9@s23], [sflag:s25] =	dma.strided @!p0 [spmem:s12@s24], $0x4F0, s22, $0x10   }
0x5b: {  	_ =	swait.ge @!p0 [sflag:s26], $0x4F0  }
0x5c: {  	[sflag:s26] =	ssyncset.done @!p0 $0x0  }
0x5d: {  	[sflag:s26] =	ssyncadd.s32 @!p0 $0xFFFFFB10  }
0x5e: {  	_ =	sfence.sel $0x180000  }
0x5f: {  	[bflag:$0x0] =	sbarrier.arrive $0xFFFF  }
0x60: {  	_ =	strace $0x90000047  }
0x61: {  	s0 =	sadd.s32 @!p0 $0x100000, s1;
	[bflag:$0x2] =	sbarrier.arrive $0xFFFF  }
0x62: {  	[sflag:s0] =	ssyncadd.tile.s32 @!p0 $0x1;
	_ =	shalt  }
.Lfunc_end2:
_tile_overlayer_lowered:
.L_overlay_start_2:
0x63: {  	(tag) =	ssettag $0x2  }
0x64: {  	s0 =	rddreg [dreg:$0x0];
	s2 =	stileid.u32  }
0x65: {  	s1 =	rddreg [dreg:$0x1];
	p0 =	sne.s32 s2, $0x0  }
0x66: {  	s3 =	rddreg [dreg:$0x2];
	[bflag:$0x3] =	sbarrier.arrive $0xFFFF;
	s2 =	simm.s32 @!p0 $0x1C03  }
0x67: {  	[timem:s3], [sflag:s2] =	dma.local @!p0 [hbm:s0], s1  }
0x68: {  	s0 =	simm.s32 @!p0 $0x3  }
0x69: {  	_ =	swait.ge @!p0 [sflag:s0], s1  }
0x6a: {  	s1 =	ssub.s32 @!p0 $0x0, s1;
	[sflag:s0] =	ssyncset.done @!p0 $0x0  }
0x6b: {  	[sflag:s0] =	ssyncadd.s32 @!p0 s1  }
0x6c: {  	[bflag:$0x3] =	sbarrier.arrive $0xFFFF  }
0x6d: {  	_ =	shalt  }

// kernel: kernel.13.cloned.1.call-start
scs
__scs_entry_jumppad:
0x0: {  	(pc) =	sbr.rel $0x88, $3  }
0x1: {  	(tag) =	ssettag $0x0;
	lr =	simm.s32 $0x1  }
0x2: {  	[smem:$0x3F99] =	sst lr;
	_ =	strace $0xD0000000  }
0x3: {  	_ = 	snop  }
0x4: {  	_ = 	snop  }
0x5: {  	_ = 	snop  }
0x6: {  	_ = 	snop  }
0x7: {  	_ = 	snop  }
__scs_overlays_trampoline_lowered:
0x8: {  	[smem:$0x3FA8] =	sst s0  }
0x9: {  	[smem:$0x3FA9] =	sst s1  }
0xa: {  	[smem:$0x3FAA] =	sst s2  }
0xb: {  	[smem:$0x3FAB] =	sst s3  }
0xc: {  	[smem:$0x3FAC] =	sst s4  }
0xd: {  	[smem:$0x3FAD] =	sst s5  }
0xe: {  	[smem:$0x3FAE] =	sst s6  }
0xf: {  	[smem:$0x3FAF] =	sst s7  }
0x10: {  	[smem:$0x3FB0] =	sst s8  }
0x11: {  	[smem:$0x3FB1] =	sst s9;
	s0 =	simm.s32 @!p0 $0x0  }
0x12: {  	s1 =	sld [smem:$0x3F97];
	s0 =	simm.s32 @p0 $0x1  }
0x13: {  	[smem:$0x3FB2] =	sst s0;
	s0 =	simm.s32 @!p1 $0x0  }
0x14: {  	s2 =	sld [smem:$0x3F96];
	s0 =	simm.s32 @p1 $0x1  }
0x15: {  	[smem:$0x3FB3] =	sst s0;
	s0 =	simm.s32 @!p2 $0x0  }
0x16: {  	s3 =	sld [smem:$0x3FDB];
	s0 =	simm.s32 @p2 $0x1  }
0x17: {  	s4 =	simm.s32 $0x1BF5;
	[smem:$0x3FB5] =	sst s0  }
0x18: {  	s0 =	sld [smem:$0x3F98];
	_ =	swait.ge [sflag:s4], $0x0  }
0x19: {  	s7 =	sld [smem:$0x3F99]  }
0x1a: {  	s8 =	sadd.s32 $0xFFFFE003, lr  }
0x1b: {  	s9 =	sadd.s32 $0xFFFFFEF7, lr;
	s5 =	simm.s32 $0xFFFFFFFF;
	p2 =	slt.u32 s8, $0xFFFFF086  }
0x1c: {  	p1 =	slt.u32 s9, $0xF7A;
	s5 =	simm.s32 @!p2 $0x0  }
0x1d: {  	s5 =	simm.s32 @p1 $0x1;
	p0 =	seq.s32 s7, s2  }
0x1e: {  	s7 =	smul.u32 @!p0 $0xF7A, s2;
	p2 =	seq.s32 @!p0 s5, $0x0  }
0x1f: {  	s9 =	smul.u32 $0xF7A, s1;
	s8 =	simm.s32 @!p0 $0x1BF5;
	p2 =	por !p2, p0  }
0x20: {  	[sflag:s8] =	ssyncset.s32 @!p0 $0xFFFFF086;
	s6 =	sadd.s32 @!p0 s3, s7;
	s7 =	simm.s32 @!p0 $0x108  }
0x21: {  	s3 =	sadd.s32 s3, s9;
	s6 =	sadd.s32 @!p0 $0x88, s6;
	s7 =	simm.s32 @p2 $0x1082  }
0x22: {  	[simem:s7], [sflag:s8] =	dma.local @!p0 [hbm:s6], $0xF7A  }
0x23: {  	s9 =	sor.u32 $0xD0000000, s2;
	s6 =	simm.s32 $0x108;
	_ =	swait.ge @!p0 [sflag:s8], $0x0  }
0x24: {  	s3 =	sadd.s32 $0x88, s3;
	s6 =	simm.s32 @!p1 $0x1082;
	[sflag:s4] =	ssyncset.s32 $0xFFFFF086  }
0x25: {  	[simem:s6], [sflag:s4] =	dma.local [hbm:s3], $0xF7A  }
0x26: {  	[smem:$0x3F99] =	sst s1;
	(tag) =	ssettag s2;
	_ =	strace s9  }
0x27: {  	s1 =	sld [smem:$0x3FA9]  }
0x28: {  	s2 =	sld [smem:$0x3FAA]  }
0x29: {  	s4 =	sld [smem:$0x3FAC]  }
0x2a: {  	p0 =	seq.s32 s5, $0x0;
	s5 =	sld [smem:$0x3FAD]  }
0x2b: {  	s6 =	sld [smem:$0x3FAE]  }
0x2c: {  	s7 =	sld [smem:$0x3FAF]  }
0x2d: {  	s3 =	simm.s32 $0x108;
	s8 =	sld [smem:$0x3FB0]  }
0x2e: {  	s3 =	simm.s32 @!p0 $0x1082;
	s9 =	sld [smem:$0x3FB1]  }
0x2f: {  	lr =	sadd.s32 s0, s3;
	s0 =	sld [smem:$0x3FA8]  }
0x30: {  	s3 =	sld [smem:$0x3FAB]  }
0x31: {  	[smem:$0x3FB4] =	sst s10  }
0x32: {  	s10 =	sld [smem:$0x3FB2];
	_ =	sdelay $0x3  }
0x33: {  	p0 =	seq.s32 s10, $0x1;
	s10 =	sld [smem:$0x3FB4];
	_ =	sdelay $0x3  }
0x34: {  	[smem:$0x3FB4] =	sst s10  }
0x35: {  	s10 =	sld [smem:$0x3FB3];
	_ =	sdelay $0x3  }
0x36: {  	p1 =	seq.s32 s10, $0x1;
	s10 =	sld [smem:$0x3FB4];
	_ =	sdelay $0x3  }
0x37: {  	[smem:$0x3FB4] =	sst s10  }
0x38: {  	s10 =	sld [smem:$0x3FB5]  }
0x39: {  	_ = 	snop;
	(pc) =	sbr.ind lr, $3  }
0x3a: {  	_ = 	snop  }
0x3b: {  	_ = 	snop  }
0x3c: {  	p2 =	seq.s32 s10, $0x1;
	s10 =	sld [smem:$0x3FB4]  }
0x3d: {  	_ =	shalt  }
0x3e: {  	_ =	shalt  }
0x3f: {  	_ =	shalt  }
0x40: {  	_ =	shalt  }
0x41: {  	_ =	shalt  }
0x42: {  	_ =	shalt  }
0x43: {  	_ =	shalt  }
0x44: {  	_ =	shalt  }
0x45: {  	_ =	shalt  }
0x46: {  	_ =	shalt  }
0x47: {  	_ =	shalt  }
0x48: {  	_ =	shalt  }
0x49: {  	_ =	shalt  }
0x4a: {  	_ =	shalt  }
0x4b: {  	_ =	shalt  }
0x4c: {  	_ =	shalt  }
0x4d: {  	_ =	shalt  }
0x4e: {  	_ =	shalt  }
0x4f: {  	_ =	shalt  }
0x50: {  	_ =	shalt  }
0x51: {  	_ =	shalt  }
0x52: {  	_ =	shalt  }
0x53: {  	_ =	shalt  }
0x54: {  	_ =	shalt  }
0x55: {  	_ =	shalt  }
0x56: {  	_ =	shalt  }
0x57: {  	_ =	shalt  }
0x58: {  	_ =	shalt  }
0x59: {  	_ =	shalt  }
0x5a: {  	_ =	shalt  }
0x5b: {  	_ =	shalt  }
0x5c: {  	_ =	shalt  }
0x5d: {  	_ =	shalt  }
0x5e: {  	_ =	shalt  }
0x5f: {  	_ =	shalt  }
0x60: {  	_ =	shalt  }
0x61: {  	_ =	shalt  }
0x62: {  	_ =	shalt  }
0x63: {  	_ =	shalt  }
0x64: {  	_ =	shalt  }
0x65: {  	_ =	shalt  }
0x66: {  	_ =	shalt  }
0x67: {  	_ =	shalt  }
0x68: {  	_ =	shalt  }
0x69: {  	_ =	shalt  }
0x6a: {  	_ =	shalt  }
0x6b: {  	_ =	shalt  }
0x6c: {  	_ =	shalt  }
0x6d: {  	_ =	shalt  }
0x6e: {  	_ =	shalt  }
0x6f: {  	_ =	shalt  }
0x70: {  	_ =	shalt  }
0x71: {  	_ =	shalt  }
0x72: {  	_ =	shalt  }
0x73: {  	_ =	shalt  }
0x74: {  	_ =	shalt  }
0x75: {  	_ =	shalt  }
0x76: {  	_ =	shalt  }
0x77: {  	_ =	shalt  }
0x78: {  	_ =	shalt  }
0x79: {  	_ =	shalt  }
0x7a: {  	_ =	shalt  }
0x7b: {  	_ =	shalt  }
0x7c: {  	_ =	shalt  }
0x7d: {  	_ =	shalt  }
0x7e: {  	_ =	shalt  }
0x7f: {  	_ =	shalt  }
0x80: {  	_ =	shalt  }
0x81: {  	_ =	shalt  }
0x82: {  	_ =	shalt  }
0x83: {  	_ =	shalt  }
0x84: {  	_ =	shalt  }
0x85: {  	_ =	shalt  }
0x86: {  	_ =	shalt  }
0x87: {  	_ =	shalt  }
.Lfunc_end0:
.L_simem_size_0:
called_computation.1_lowered:
.L_overlay_start_0:
0x88: {  	s2 =	sld [smem:$0x3FD9]  }
0x89: {  	s3 =	sld [smem:$0x3FFE];
	_ =	sdelay $0x1  }
0x8a: {  	s1 =	srdreg.scid  }
0x8b: {  	s0 =	sand.u32 $0x1, s1  }
0x8c: {  	s16 =	sshll.u32 s0, $0xA;
	s2 =	sadd.s32 s3, s2  }
0x8d: {  	s2 =	sadd.s32 s2, s16  }
0x8e: {  	[smem:$0x3FC0] =	sst s2  }
0x8f: {  	_ = 	snop  }
0x90: {  	(tm) =	ssettm $0x1  }
0x91: {  	s17 =	sld [smem:$0x3FFB];
	_ =	sdelay $0x3  }
0x92: {  	_ =	strace s17  }
0x93: {  	s2 =	sld [smem:$0x3FFC];
	_ =	sdelay $0x3  }
0x94: {  	_ =	strace s2  }
0x95: {  	s2 =	sld [smem:$0x3FFD];
	_ =	sdelay $0x3  }
0x96: {  	_ =	strace s2  }
0x97: {  	_ =	strace $0x8FFFFFFF  }
0x98: {  	s18 =	sld [smem:$0x3FDB];
	_ =	sdelay $0x1  }
0x99: {  	s19 =	simm.s32 $_scs_section_size  }
0x9a: {  	s4 =	simm.s32 $_size__tile_overlayer_lowered;
	s5 =	simm.s32 $_tile_overlayer_lowered  }
0x9b: {  	s22 =	simm.s32 $0x1BFF;
	s21 =	sshll.u32 s5, $0x1;
	s2 =	sadd.s32 s19, s18  }
0x9c: {  	s6 =	simm.s32 $0x0;
	s20 =	sshll.u32 s4, $0x1;
	s4 =	sadd.s32 s21, s2  }
0x9d: {  	[timem:s6], [sflag:s22] =	dma.local [hbm:s4], s20  }
0x9e: {  	_ =	swait.ge [sflag:s22], s20  }
0x9f: {  	s3 =	ssub.s32 $0x0, s20;
	[sflag:s22] =	ssyncset.done $0x0  }
0xa0: {  	[sflag:s22] =	ssyncadd.s32 s3;
	_ =	sdelay $0x1  }
0xa1: {  	s23 =	simm.s32 $0x1B8B  }
0xa2: {  	_ =	swait.ge [sflag:s23], $0x1  }
0xa3: {  	[sflag:s23] =	ssyncset.done $0x0  }
0xa4: {  	s25 =	simm.s32 $0x1B8E;
	s24 =	sld [smem:$0x3FFE];
	[sflag:s23] =	ssyncadd.s32 $0xFFFFFFFF  }
0xa5: {  	s26 =	simm.s32 $execute0_lowered;
	[smem:$0x3FD2] =	sst s25  }
0xa6: {  	s4 =	sshll.u32 s26, $0x1;
	_ =	strace $0x80000049;
	[dreg:$0x1] =	wrdreg $0xFFFFFFFF  }
0xa7: {  	s28 =	simm.s32 $_size_execute0_lowered;
	s2 =	sadd.s32 s2, s4;
	[dreg:$0x0] =	wrdreg $0x0  }
0xa8: {  	s4 =	sshll.u32 s28, $0x1;
	[dreg:$0x2] =	wrdreg s2  }
0xa9: {  	[dreg:$0x3] =	wrdreg s4  }
0xaa: {  	[dreg:$0x4] =	wrdreg $0xC0  }
0xab: {  	_ =	task [dreg:s6], $0x5FFFF  }
0xac: {  	[dreg:$0x1] =	wrdreg $0xFFFFFFFF  }
0xad: {  	[dreg:$0x0] =	wrdreg $0x60  }
0xae: {  	[dreg:$0x2] =	wrdreg s24  }
0xaf: {  	[dreg:$0x3] =	wrdreg $0xA9000  }
0xb0: {  	[dreg:$0x4] =	wrdreg $0x9  }
0xb1: {  	_ =	task.clear_ibuf [dreg:s6], $0x5FFFF;
	_ =	strace $0x90000049  }
0xb2: {  	s29 =	simm.s32 $0x9;
	_ =	strace $0x8000004B  }
0xb3: {  	_ =	swait.ge [sflag:s29], $0x1  }
0xb4: {  	[sflag:s29] =	ssyncadd.s32 $0xFFFFFFFF  }
0xb5: {  	_ =	strace $0x9000004B  }
0xb6: {  	_ =	sfence  }
0xb7: {  	s30 =	sld [smem:$0x0];
	_ =	sdelay $0x2  }
0xb8: {  	s31 =	sshll.u32 s1, $0xD;
	s1 =	sshrl.u32 s1, $0x2  }
0xb9: {  	s3 =	sand.u32 $0x4000, s31;
	s1 =	sadd.s32 s1, s30  }
0xba: {  	s0 =	sor.u32 s3, s0;
	s1 =	sshll.u32 s1, $0x11  }
0xbb: {  	s0 =	sor.u32 s1, s0  }
0xbc: {  	s0 =	sadd.s32 $0x8F2B, s0  }
0xbd: {  	[sflag:s0] =	ssyncadd.remote.s32 $0x1  }
0xbe: {  	_ =	sfence.sel $0xFFFF  }
0xbf: {  	[dreg:$0x0] =	wrdreg $0xFFFFFFFF;
	(pc) =	sbr.abs _section_cstart, $3  }
0xc0: {  	[dreg:$0x1] =	wrdreg $0xFFFFFFFF  }
0xc1: {  	_ =	task.clear_ibuf [dreg:s6], $0x2FFFF;
	_ =	strace $0x9FFFFFFF  }
0xc2: {  	(tm) =	ssettm $0x7FFFFFFF  }
0xc3: {  	_ =	shalt  }
tec
execute0_lowered:
.L_overlay_start_1:
0x0: {  	(tag) =	ssettag $0x1  }
0x1: {  	s0 =	srdreg.scid;
	s1 =	rddreg [dreg:$0x0]  }
0x2: {  	s7 =	stileid.u32;
	s2 =	rddreg [dreg:$0x1];
	s15 =	simm.s32 $0x7  }
0x3: {  	s16 =	simm.s32 $0x2800;
	s17 =	simm.s32 $0x7D;
	s18 =	simm.s32 $0x2900  }
0x4: {  	s19 =	simm.s32 $0x2880;
	s28 =	simm.s32 $0x6;
	s29 =	simm.s32 $0x3  }
0x5: {  	s30 =	simm.s32 $0x4;
	s0 =	sand.u32 $0x1, s0;
	s10 =	smul.u32 $0x13C00, s7  }
0x6: {  	s5 =	sadd.s32 $0x16400, s1;
	s6 =	sadd.s32 $0x2400, s1;
	s12 =	sadd.s32 $0x3D600, s1  }
0x7: {  	s23 =	smul.u32 $0x4E200, s7;
	s31 =	sshll.u32 s7, $0x6;
	s3 =	sshll.u32 s0, $0x4  }
0x8: {  	s8 =	smul.u32 $0x13C000, s0;
	s0 =	ssub.s32 $0x2, s0;
	s20 =	sor.u32 $0x1C07, s31  }
0x9: {  	s4 =	sor.u32 s7, s3;
	s3 =	simm.s32 $0x0;
	s22 =	sshrl.u32 s0, $0x1  }
0xa: {  	s26 =	sshrl.u32 s23, $0x2;
	s23 =	simm.s32 $0x5;
	s4 =	smul.u32 $0x2800, s4  }
0xb: {  	[smem:$0x7FF] =	sst s3;
	s8 =	sadd.s32 s10, s8;
	s0 =	ssub.s32 s0, s22  }
0xc: {  	s21 =	sadd.s32 s26, s2;
	s22 =	simm.s32 $0x1;
	s26 =	simm.s32 $0x2  }
0xd: {  	_ =	strace $0x8000004A;
	[dreg:$0x3] =	wrdreg s12;
	s8 =	sshrl.u32 s8, $0x3  }
0xe: {  	s14 =	smax.u32 s0, $0x1;
	s21 =	sshrl.u32 s21, $0x3;
	s9 =	sshrl.u32 s4, $0x3  }
0xf: {  	s11 =	sadd.s32 s9, s1;
	s1 =	sadd.s32 s8, s1;
	s8 =	sadd.s32 s6, s9  }
0x10: {  	s0 =	simm.s32 $0x0;
	s24 =	sadd.s32 $0xC400, s11;
	s25 =	sadd.s32 $0x10, s8  }
0x11: {  	s11 =	sadd.s32 $0x4E0, s8;
	s12 =	sadd.s32 $0x4F0, s8;
	[dreg:$0x4] =	wrdreg s24  }
0x12: {  	s13 =	sadd.s32 $0x3FE00, s1;
	[dreg:$0x5] =	wrdreg s25;
	s25 =	simm.s32 $0x6900  }
.LBB2_1:
0x13: {  	s1 =	rddreg [dreg:$0x4]  }
0x14: {  	[tilespmem:s3], [sflag:$0x7] =	stream.linear.gather [hbm4b:s1+s3], $0x2800, $0x38;
	[tilespmem:$0x1E180] =	vst v63  }
0x15: {  	_ =	swait.ge [sflag:s15], $0x2800  }
0x16: {  	[sflag:s15] =	ssyncset.done $0x0  }
0x17: {  	[sflag:s15] =	ssyncadd.s32 $0xFFFFD800  }
0x18: {  	[tilespmem:s16], [sflag:$0x5] =	stream.linear.gather [hbm4b:s8+s3], $0x80, $0x38;
	[tilespmem:$0x1E180] =	vst v63  }
0x19: {  	s24 =	rddreg [dreg:$0x5]  }
0x1a: {  	[tilespmem:s18], [sflag:$0x1] =	stream.indirect.gather [hbm4b:s5+s17], $0x80, s3, s17, $0xb8;
	[tilespmem:$0x1E180] =	vst v63  }
0x1b: {  	s7 =	rddreg [dreg:$0x3]  }
0x1c: {  	[tilespmem:s19], [sflag:$0x6] =	stream.linear.gather [hbm4b:s24+s3], $0x80, $0x38;
	[tilespmem:$0x1E180] =	vst v63  }
0x1d: {  	[spmem:s21], [sflag:s20] =	dma.local [hbm:s7], $0x2710  }
0x1e: {  	_ =	swait.ge [sflag:s15], $0x2710  }
0x1f: {  	[sflag:s15] =	ssyncset.done $0x0  }
0x20: {  	[sflag:s15] =	ssyncadd.s32 $0xFFFFD8F0  }
0x21: {  	[bflag:$0x0] =	sbarrier.arrive $0xFFFF  }
0x22: {  	_ =	swait.ge [sflag:s22], $0x3E80  }
0x23: {  	[sflag:s22] =	ssyncset.done $0x0  }
0x24: {  	[sflag:s22] =	ssyncadd.s32 $0xFFFFC180  }
0x25: {  	_ =	swait.ge [sflag:s23], $0x80  }
0x26: {  	[sflag:s23] =	ssyncset.done $0x0  }
0x27: {  	[sflag:s23] =	ssyncadd.s32 $0xFFFFFF80  }
0x28: {  	[spmem:s2] =	stream.indirect.scatter.add.f32 [tilespmem:s18], [sflag:$0x3], $0x80, s16, s17, $0xb8;
	[tilespmem:$0x1E180] =	vst v63  }
0x29: {  	s9 =	simm.s32 $0x80  }
0x2a: {  	[tilespmem:s25], [sflag:$0x2] =	stream.indirect.gather [hbm4b:s5+s17], $0x80, s9, s17, $0xb8;
	[tilespmem:$0x1E180] =	vst v63  }
0x2b: {  	_ =	swait.ge [sflag:s26], $0x3E80  }
0x2c: {  	[sflag:s26] =	ssyncset.done $0x0  }
0x2d: {  	[sflag:s26] =	ssyncadd.s32 $0xFFFFC180  }
0x2e: {  	s10 =	simm.s32 $0x100;
	_ =	swait.ge [sflag:s28], $0x80  }
0x2f: {  	s24 =	sand.u32 $0x7C00, s10;
	[sflag:s28] =	ssyncset.done $0x0  }
0x30: {  	s1 =	sand.u32 $0x300, s10;
	s24 =	sadd.s32 s4, s24;
	[sflag:s28] =	ssyncadd.s32 $0xFFFFFF80  }
0x31: {  	[spmem:s2] =	stream.indirect.scatter.add.f32 [tilespmem:s25], [sflag:$0x4], $0x80, s19, s17, $0xb8;
	[tilespmem:$0x1E180] =	vst v63  }
0x32: {  	s1 =	sor.u32 s1, s24;
	_ =	swait.ge [sflag:s29], $0x3E80  }
0x33: {  	s1 =	sshrl.u32 s1, $0x3;
	[sflag:s29] =	ssyncset.done $0x0  }
0x34: {  	s1 =	sadd.s32 s6, s1;
	[sflag:s29] =	ssyncadd.s32 $0xFFFFC180  }
0x35: {  	[tilespmem:s16], [sflag:$0x5] =	stream.linear.gather [hbm4b:s1+s3], $0x80, $0x38;
	[tilespmem:$0x1E180] =	vst v63  }
0x36: {  	s7 =	simm.s32 $0x100  }
0x37: {  	[tilespmem:s18], [sflag:$0x1] =	stream.indirect.gather [hbm4b:s5+s17], $0x80, s7, s17, $0xb8;
	[tilespmem:$0x1E180] =	vst v63  }
0x38: {  	_ =	swait.ge [sflag:s22], $0x3E80  }
0x39: {  	[sflag:s22] =	ssyncset.done $0x0  }
0x3a: {  	[sflag:s22] =	ssyncadd.s32 $0xFFFFC180  }
0x3b: {  	s9 =	simm.s32 $0x180;
	_ =	swait.ge [sflag:s23], $0x80  }
0x3c: {  	s10 =	sand.u32 $0x7C00, s9;
	[sflag:s23] =	ssyncset.done $0x0  }
0x3d: {  	s24 =	sadd.s32 s4, s10;
	s1 =	sand.u32 $0x380, s9;
	[sflag:s23] =	ssyncadd.s32 $0xFFFFFF80  }
0x3e: {  	[spmem:s2] =	stream.indirect.scatter.add.f32 [tilespmem:s18], [sflag:$0x3], $0x80, s16, s17, $0xb8;
	[tilespmem:$0x1E180] =	vst v63  }
0x3f: {  	s1 =	sor.u32 s1, s24;
	_ =	swait.ge [sflag:s30], $0x3E80  }
0x40: {  	s1 =	sshrl.u32 s1, $0x3;
	[sflag:s30] =	ssyncset.done $0x0  }
0x41: {  	s1 =	sadd.s32 s6, s1;
	[sflag:s30] =	ssyncadd.s32 $0xFFFFC180  }
0x42: {  	[tilespmem:s19], [sflag:$0x6] =	stream.linear.gather [hbm4b:s1+s3], $0x80, $0x38;
	[tilespmem:$0x1E180] =	vst v63  }
0x43: {  	s31 =	simm.s32 $0x180;
	s24 =	simm.s32 $0x280;
	s1 =	simm.s32 $0x200  }
.LBB2_2:
0x44: {  	s7 =	sadd.s32 $0x80, s1  }
0x45: {  	p0 =	sne.s32 s24, $0x2680;
	s9 =	smov.u32 s24;
	s24 =	sadd.s32 $0x100, s24  }
0x46: {  	[tilespmem:s25], [sflag:$0x2] =	stream.indirect.gather [hbm4b:s5+s17], $0x80, s31, s17, $0xb8;
	[tilespmem:$0x1E180] =	vst v63  }
0x47: {  	s31 =	smov.u32 s7;
	_ =	swait.ge [sflag:s26], $0x3E80  }
0x48: {  	[sflag:s26] =	ssyncset.done $0x0  }
0x49: {  	[sflag:s26] =	ssyncadd.s32 $0xFFFFC180  }
0x4a: {  	_ =	swait.ge [sflag:s28], $0x80  }
0x4b: {  	s7 =	sadd.s32 $0xFFFFFF80, s9;
	[sflag:s28] =	ssyncset.done $0x0  }
0x4c: {  	s10 =	sand.u32 $0x7C00, s7;
	s7 =	sand.u32 $0x300, s7;
	[sflag:s28] =	ssyncadd.s32 $0xFFFFFF80  }
0x4d: {  	[spmem:s2] =	stream.indirect.scatter.add.f32 [tilespmem:s25], [sflag:$0x4], $0x80, s19, s17, $0xb8;
	[tilespmem:$0x1E180] =	vst v63  }
0x4e: {  	s10 =	sadd.s32 s4, s10;
	_ =	swait.ge [sflag:s29], $0x3E80  }
0x4f: {  	s7 =	sor.u32 s7, s10;
	[sflag:s29] =	ssyncset.done $0x0  }
0x50: {  	s7 =	sshrl.u32 s7, $0x3;
	[sflag:s29] =	ssyncadd.s32 $0xFFFFC180  }
0x51: {  	s7 =	sadd.s32 s6, s7  }
0x52: {  	[tilespmem:s16], [sflag:$0x5] =	stream.linear.gather [hbm4b:s7+s3], $0x80, $0x38;
	[tilespmem:$0x1E180] =	vst v63  }
0x53: {  	_ = 	snop  }
0x54: {  	[tilespmem:s18], [sflag:$0x1] =	stream.indirect.gather [hbm4b:s5+s17], $0x80, s1, s17, $0xb8;
	[tilespmem:$0x1E180] =	vst v63  }
0x55: {  	_ =	swait.ge [sflag:s22], $0x3E80  }
0x56: {  	[sflag:s22] =	ssyncset.done $0x0  }
0x57: {  	[sflag:s22] =	ssyncadd.s32 $0xFFFFC180  }
0x58: {  	_ =	swait.ge [sflag:s23], $0x80  }
0x59: {  	s7 =	sand.u32 $0x7C00, s9;
	[sflag:s23] =	ssyncset.done $0x0  }
0x5a: {  	s9 =	sand.u32 $0x380, s9;
	s7 =	sadd.s32 s4, s7;
	[sflag:s23] =	ssyncadd.s32 $0xFFFFFF80  }
0x5b: {  	[spmem:s2] =	stream.indirect.scatter.add.f32 [tilespmem:s18], [sflag:$0x3], $0x80, s16, s17, $0xb8;
	[tilespmem:$0x1E180] =	vst v63  }
.Ltmp0:
0x5c: {  	_ = 	snop;
	(pc) =	sbr.rel @p0 .LBB2_2-.Ltmp0, $4  }
0x5d: {  	s7 =	sor.u32 s9, s7;
	_ =	swait.ge [sflag:s30], $0x3E80  }
0x5e: {  	s7 =	sshrl.u32 s7, $0x3;
	[sflag:s30] =	ssyncset.done $0x0  }
0x5f: {  	s1 =	sadd.s32 $0x100, s1;
	s7 =	sadd.s32 s6, s7;
	[sflag:s30] =	ssyncadd.s32 $0xFFFFC180  }
0x60: {  	[tilespmem:s19], [sflag:$0x6] =	stream.linear.gather [hbm4b:s7+s3], $0x80, $0x38;
	[tilespmem:$0x1E180] =	vst v63  }
0x61: {  	[tilespmem:s25], [sflag:$0x2] =	stream.indirect.gather [hbm4b:s5+s17], $0x80, s31, s17, $0xb8;
	[tilespmem:$0x1E180] =	vst v63  }
0x62: {  	_ =	swait.ge [sflag:s26], $0x3E80  }
0x63: {  	[sflag:s26] =	ssyncset.done $0x0  }
0x64: {  	[sflag:s26] =	ssyncadd.s32 $0xFFFFC180  }
0x65: {  	_ =	swait.ge [sflag:s28], $0x80  }
0x66: {  	[sflag:s28] =	ssyncset.done $0x0  }
0x67: {  	[sflag:s28] =	ssyncadd.s32 $0xFFFFFF80  }
0x68: {  	[spmem:s2] =	stream.indirect.scatter.add.f32 [tilespmem:s25], [sflag:$0x4], $0x80, s19, s17, $0xb8;
	[tilespmem:$0x1E180] =	vst v63  }
0x69: {  	_ =	swait.ge [sflag:s29], $0x3E80  }
0x6a: {  	[sflag:s29] =	ssyncset.done $0x0  }
0x6b: {  	[sflag:s29] =	ssyncadd.s32 $0xFFFFC180  }
0x6c: {  	[tilespmem:s16], [sflag:$0x5] =	stream.linear.gather [hbm4b:s11+s3], $0x80, $0x38;
	[tilespmem:$0x1E180] =	vst v63  }
0x6d: {  	s1 =	simm.s32 $0x2700  }
0x6e: {  	[tilespmem:s18], [sflag:$0x1] =	stream.indirect.gather [hbm4b:s5+s17], $0x80, s1, s17, $0xb8;
	[tilespmem:$0x1E180] =	vst v63  }
0x6f: {  	_ =	swait.ge [sflag:s22], $0x3E80  }
0x70: {  	[sflag:s22] =	ssyncset.done $0x0  }
0x71: {  	[sflag:s22] =	ssyncadd.s32 $0xFFFFC180  }
0x72: {  	_ =	swait.ge [sflag:s23], $0x80  }
0x73: {  	[sflag:s23] =	ssyncset.done $0x0  }
0x74: {  	[sflag:s23] =	ssyncadd.s32 $0xFFFFFF80  }
0x75: {  	[spmem:s2] =	stream.indirect.scatter.add.f32 [tilespmem:s18], [sflag:$0x3], $0x80, s16, s17, $0xb8;
	[tilespmem:$0x1E180] =	vst v63  }
0x76: {  	_ =	swait.ge [sflag:s30], $0x3E80  }
0x77: {  	[sflag:s30] =	ssyncset.done $0x0  }
0x78: {  	[sflag:s30] =	ssyncadd.s32 $0xFFFFC180  }
0x79: {  	[tilespmem:s19], [sflag:$0x6] =	stream.linear.gather [hbm4b:s12+s3], $0x80, $0x38;
	[tilespmem:$0x1E180] =	vst v63  }
0x7a: {  	s31 =	simm.s32 $0x2780  }
0x7b: {  	[tilespmem:s25], [sflag:$0x2] =	stream.indirect.gather [hbm4b:s5+s17], $0x80, s31, s17, $0xb8;
	[tilespmem:$0x1E180] =	vst v63  }
0x7c: {  	_ =	swait.ge [sflag:s26], $0x3E80  }
0x7d: {  	[sflag:s26] =	ssyncset.done $0x0  }
0x7e: {  	[sflag:s26] =	ssyncadd.s32 $0xFFFFC180  }
0x7f: {  	_ =	swait.ge [sflag:s28], $0x80  }
0x80: {  	[sflag:s28] =	ssyncset.done $0x0  }
0x81: {  	[sflag:s28] =	ssyncadd.s32 $0xFFFFFF80  }
0x82: {  	[spmem:s2] =	stream.indirect.scatter.add.f32 [tilespmem:s25], [sflag:$0x4], $0x80, s19, s17, $0xb8;
	[tilespmem:$0x1E180] =	vst v63  }
0x83: {  	_ =	swait.ge [sflag:s29], $0x3E80  }
0x84: {  	[sflag:s29] =	ssyncset.done $0x0  }
0x85: {  	[sflag:s29] =	ssyncadd.s32 $0xFFFFC180  }
0x86: {  	_ =	swait.ge [sflag:s30], $0x3E80  }
0x87: {  	s0 =	sadd.s32 $0x1, s0;
	[sflag:s30] =	ssyncset.done $0x0  }
0x88: {  	p0 =	sne.s32 s0, s14;
	[sflag:s30] =	ssyncadd.s32 $0xFFFFC180  }
.Ltmp1:
0x89: {  	[bflag:$0x0] =	sbarrier.arrive $0xFFFF;
	(pc) =	sbr.rel @p0 .LBB2_1-.Ltmp1, $4  }
0x8a: {  	[hbm:s13], [sflag:s20] =	dma.local [spmem:s21], $0x2710  }
0x8b: {  	_ =	swait.ge [sflag:s15], $0x2710  }
0x8c: {  	[sflag:s15] =	ssyncset.done $0x0  }
0x8d: {  	[sflag:s15] =	ssyncadd.s32 $0xFFFFD8F0  }
0x8e: {  	_ =	sfence.sel $0x180000  }
0x8f: {  	[bflag:$0x0] =	sbarrier.arrive $0xFFFF  }
0x90: {  	_ =	strace $0x9000004A  }
0x91: {  	s0 =	stileid.u32;
	[bflag:$0x2] =	sbarrier.arrive $0xFFFF  }
0x92: {  	p0 =	sne.s32 s0, $0x0;
	s0 =	rddreg [dreg:$0x2]  }
0x93: {  	s0 =	sadd.s32 @!p0 $0x100000, s0  }
0x94: {  	[sflag:s0] =	ssyncadd.tile.s32 @!p0 $0x1;
	_ =	shalt  }
.Lfunc_end2:
_tile_overlayer_lowered:
.L_overlay_start_2:
0x95: {  	(tag) =	ssettag $0x2  }
0x96: {  	s0 =	rddreg [dreg:$0x0];
	s2 =	stileid.u32  }
0x97: {  	s1 =	rddreg [dreg:$0x1];
	p0 =	sne.s32 s2, $0x0  }
0x98: {  	s3 =	rddreg [dreg:$0x2];
	[bflag:$0x3] =	sbarrier.arrive $0xFFFF;
	s2 =	simm.s32 @!p0 $0x1C07  }
0x99: {  	[timem:s3], [sflag:s2] =	dma.local @!p0 [hbm:s0], s1  }
0x9a: {  	s0 =	simm.s32 @!p0 $0x7  }
0x9b: {  	_ =	swait.ge @!p0 [sflag:s0], s1  }
0x9c: {  	s1 =	ssub.s32 @!p0 $0x0, s1;
	[sflag:s0] =	ssyncset.done @!p0 $0x0  }
0x9d: {  	[sflag:s0] =	ssyncadd.s32 @!p0 s1  }
0x9e: {  	[bflag:$0x3] =	sbarrier.arrive $0xFFFF  }
0x9f: {  	_ =	shalt  }

// kernel: kernel.16.cloned.1.call-start
scs
__scs_entry_jumppad:
0x0: {  	(pc) =	sbr.rel $0x88, $3  }
0x1: {  	(tag) =	ssettag $0x0;
	lr =	simm.s32 $0x1  }
0x2: {  	[smem:$0x3F99] =	sst lr;
	_ =	strace $0xD0000000  }
0x3: {  	_ = 	snop  }
0x4: {  	_ = 	snop  }
0x5: {  	_ = 	snop  }
0x6: {  	_ = 	snop  }
0x7: {  	_ = 	snop  }
__scs_overlays_trampoline_lowered:
0x8: {  	[smem:$0x3FA8] =	sst s0  }
0x9: {  	[smem:$0x3FA9] =	sst s1  }
0xa: {  	[smem:$0x3FAA] =	sst s2  }
0xb: {  	[smem:$0x3FAB] =	sst s3  }
0xc: {  	[smem:$0x3FAC] =	sst s4  }
0xd: {  	[smem:$0x3FAD] =	sst s5  }
0xe: {  	[smem:$0x3FAE] =	sst s6  }
0xf: {  	[smem:$0x3FAF] =	sst s7  }
0x10: {  	[smem:$0x3FB0] =	sst s8  }
0x11: {  	[smem:$0x3FB1] =	sst s9;
	s0 =	simm.s32 @!p0 $0x0  }
0x12: {  	s1 =	sld [smem:$0x3F97];
	s0 =	simm.s32 @p0 $0x1  }
0x13: {  	[smem:$0x3FB2] =	sst s0;
	s0 =	simm.s32 @!p1 $0x0  }
0x14: {  	s2 =	sld [smem:$0x3F96];
	s0 =	simm.s32 @p1 $0x1  }
0x15: {  	[smem:$0x3FB3] =	sst s0;
	s0 =	simm.s32 @!p2 $0x0  }
0x16: {  	s3 =	sld [smem:$0x3FDB];
	s0 =	simm.s32 @p2 $0x1  }
0x17: {  	s4 =	simm.s32 $0x1BF5;
	[smem:$0x3FB5] =	sst s0  }
0x18: {  	s0 =	sld [smem:$0x3F98];
	_ =	swait.ge [sflag:s4], $0x0  }
0x19: {  	s7 =	sld [smem:$0x3F99]  }
0x1a: {  	s8 =	sadd.s32 $0xFFFFE003, lr  }
0x1b: {  	s9 =	sadd.s32 $0xFFFFFEF7, lr;
	s5 =	simm.s32 $0xFFFFFFFF;
	p2 =	slt.u32 s8, $0xFFFFF086  }
0x1c: {  	p1 =	slt.u32 s9, $0xF7A;
	s5 =	simm.s32 @!p2 $0x0  }
0x1d: {  	s5 =	simm.s32 @p1 $0x1;
	p0 =	seq.s32 s7, s2  }
0x1e: {  	s7 =	smul.u32 @!p0 $0xF7A, s2;
	p2 =	seq.s32 @!p0 s5, $0x0  }
0x1f: {  	s9 =	smul.u32 $0xF7A, s1;
	s8 =	simm.s32 @!p0 $0x1BF5;
	p2 =	por !p2, p0  }
0x20: {  	[sflag:s8] =	ssyncset.s32 @!p0 $0xFFFFF086;
	s6 =	sadd.s32 @!p0 s3, s7;
	s7 =	simm.s32 @!p0 $0x108  }
0x21: {  	s3 =	sadd.s32 s3, s9;
	s6 =	sadd.s32 @!p0 $0x88, s6;
	s7 =	simm.s32 @p2 $0x1082  }
0x22: {  	[simem:s7], [sflag:s8] =	dma.local @!p0 [hbm:s6], $0xF7A  }
0x23: {  	s9 =	sor.u32 $0xD0000000, s2;
	s6 =	simm.s32 $0x108;
	_ =	swait.ge @!p0 [sflag:s8], $0x0  }
0x24: {  	s3 =	sadd.s32 $0x88, s3;
	s6 =	simm.s32 @!p1 $0x1082;
	[sflag:s4] =	ssyncset.s32 $0xFFFFF086  }
0x25: {  	[simem:s6], [sflag:s4] =	dma.local [hbm:s3], $0xF7A  }
0x26: {  	[smem:$0x3F99] =	sst s1;
	(tag) =	ssettag s2;
	_ =	strace s9  }
0x27: {  	s1 =	sld [smem:$0x3FA9]  }
0x28: {  	s2 =	sld [smem:$0x3FAA]  }
0x29: {  	s4 =	sld [smem:$0x3FAC]  }
0x2a: {  	p0 =	seq.s32 s5, $0x0;
	s5 =	sld [smem:$0x3FAD]  }
0x2b: {  	s6 =	sld [smem:$0x3FAE]  }
0x2c: {  	s7 =	sld [smem:$0x3FAF]  }
0x2d: {  	s3 =	simm.s32 $0x108;
	s8 =	sld [smem:$0x3FB0]  }
0x2e: {  	s3 =	simm.s32 @!p0 $0x1082;
	s9 =	sld [smem:$0x3FB1]  }
0x2f: {  	lr =	sadd.s32 s0, s3;
	s0 =	sld [smem:$0x3FA8]  }
0x30: {  	s3 =	sld [smem:$0x3FAB]  }
0x31: {  	[smem:$0x3FB4] =	sst s10  }
0x32: {  	s10 =	sld [smem:$0x3FB2];
	_ =	sdelay $0x3  }
0x33: {  	p0 =	seq.s32 s10, $0x1;
	s10 =	sld [smem:$0x3FB4];
	_ =	sdelay $0x3  }
0x34: {  	[smem:$0x3FB4] =	sst s10  }
0x35: {  	s10 =	sld [smem:$0x3FB3];
	_ =	sdelay $0x3  }
0x36: {  	p1 =	seq.s32 s10, $0x1;
	s10 =	sld [smem:$0x3FB4];
	_ =	sdelay $0x3  }
0x37: {  	[smem:$0x3FB4] =	sst s10  }
0x38: {  	s10 =	sld [smem:$0x3FB5]  }
0x39: {  	_ = 	snop;
	(pc) =	sbr.ind lr, $3  }
0x3a: {  	_ = 	snop  }
0x3b: {  	_ = 	snop  }
0x3c: {  	p2 =	seq.s32 s10, $0x1;
	s10 =	sld [smem:$0x3FB4]  }
0x3d: {  	_ =	shalt  }
0x3e: {  	_ =	shalt  }
0x3f: {  	_ =	shalt  }
0x40: {  	_ =	shalt  }
0x41: {  	_ =	shalt  }
0x42: {  	_ =	shalt  }
0x43: {  	_ =	shalt  }
0x44: {  	_ =	shalt  }
0x45: {  	_ =	shalt  }
0x46: {  	_ =	shalt  }
0x47: {  	_ =	shalt  }
0x48: {  	_ =	shalt  }
0x49: {  	_ =	shalt  }
0x4a: {  	_ =	shalt  }
0x4b: {  	_ =	shalt  }
0x4c: {  	_ =	shalt  }
0x4d: {  	_ =	shalt  }
0x4e: {  	_ =	shalt  }
0x4f: {  	_ =	shalt  }
0x50: {  	_ =	shalt  }
0x51: {  	_ =	shalt  }
0x52: {  	_ =	shalt  }
0x53: {  	_ =	shalt  }
0x54: {  	_ =	shalt  }
0x55: {  	_ =	shalt  }
0x56: {  	_ =	shalt  }
0x57: {  	_ =	shalt  }
0x58: {  	_ =	shalt  }
0x59: {  	_ =	shalt  }
0x5a: {  	_ =	shalt  }
0x5b: {  	_ =	shalt  }
0x5c: {  	_ =	shalt  }
0x5d: {  	_ =	shalt  }
0x5e: {  	_ =	shalt  }
0x5f: {  	_ =	shalt  }
0x60: {  	_ =	shalt  }
0x61: {  	_ =	shalt  }
0x62: {  	_ =	shalt  }
0x63: {  	_ =	shalt  }
0x64: {  	_ =	shalt  }
0x65: {  	_ =	shalt  }
0x66: {  	_ =	shalt  }
0x67: {  	_ =	shalt  }
0x68: {  	_ =	shalt  }
0x69: {  	_ =	shalt  }
0x6a: {  	_ =	shalt  }
0x6b: {  	_ =	shalt  }
0x6c: {  	_ =	shalt  }
0x6d: {  	_ =	shalt  }
0x6e: {  	_ =	shalt  }
0x6f: {  	_ =	shalt  }
0x70: {  	_ =	shalt  }
0x71: {  	_ =	shalt  }
0x72: {  	_ =	shalt  }
0x73: {  	_ =	shalt  }
0x74: {  	_ =	shalt  }
0x75: {  	_ =	shalt  }
0x76: {  	_ =	shalt  }
0x77: {  	_ =	shalt  }
0x78: {  	_ =	shalt  }
0x79: {  	_ =	shalt  }
0x7a: {  	_ =	shalt  }
0x7b: {  	_ =	shalt  }
0x7c: {  	_ =	shalt  }
0x7d: {  	_ =	shalt  }
0x7e: {  	_ =	shalt  }
0x7f: {  	_ =	shalt  }
0x80: {  	_ =	shalt  }
0x81: {  	_ =	shalt  }
0x82: {  	_ =	shalt  }
0x83: {  	_ =	shalt  }
0x84: {  	_ =	shalt  }
0x85: {  	_ =	shalt  }
0x86: {  	_ =	shalt  }
0x87: {  	_ =	shalt  }
.Lfunc_end0:
.L_simem_size_0:
called_computation.2_lowered:
.L_overlay_start_0:
0x88: {  	s2 =	sld [smem:$0x3FD9]  }
0x89: {  	s3 =	sld [smem:$0x3FFE];
	_ =	sdelay $0x1  }
0x8a: {  	s1 =	srdreg.scid  }
0x8b: {  	s0 =	sand.u32 $0x1, s1  }
0x8c: {  	s16 =	sshll.u32 s0, $0xA;
	s2 =	sadd.s32 s3, s2  }
0x8d: {  	s2 =	sadd.s32 s2, s16  }
0x8e: {  	[smem:$0x3FC0] =	sst s2  }
0x8f: {  	_ = 	snop  }
0x90: {  	(tm) =	ssettm $0x1  }
0x91: {  	s17 =	sld [smem:$0x3FFB];
	_ =	sdelay $0x3  }
0x92: {  	_ =	strace s17  }
0x93: {  	s2 =	sld [smem:$0x3FFC];
	_ =	sdelay $0x3  }
0x94: {  	_ =	strace s2  }
0x95: {  	s2 =	sld [smem:$0x3FFD];
	_ =	sdelay $0x3  }
0x96: {  	_ =	strace s2  }
0x97: {  	_ =	strace $0x8FFFFFFF  }
0x98: {  	s18 =	sld [smem:$0x3FDB];
	_ =	sdelay $0x1  }
0x99: {  	s19 =	simm.s32 $_scs_section_size  }
0x9a: {  	s4 =	simm.s32 $_size__tile_overlayer_lowered;
	s5 =	simm.s32 $_tile_overlayer_lowered  }
0x9b: {  	s22 =	simm.s32 $0x1BFF;
	s21 =	sshll.u32 s5, $0x1;
	s2 =	sadd.s32 s19, s18  }
0x9c: {  	s6 =	simm.s32 $0x0;
	s20 =	sshll.u32 s4, $0x1;
	s4 =	sadd.s32 s21, s2  }
0x9d: {  	[timem:s6], [sflag:s22] =	dma.local [hbm:s4], s20  }
0x9e: {  	_ =	swait.ge [sflag:s22], s20  }
0x9f: {  	s3 =	ssub.s32 $0x0, s20;
	[sflag:s22] =	ssyncset.done $0x0  }
0xa0: {  	[sflag:s22] =	ssyncadd.s32 s3;
	_ =	sdelay $0x1  }
0xa1: {  	s23 =	simm.s32 $0x1B8B  }
0xa2: {  	_ =	swait.ge [sflag:s23], $0x1  }
0xa3: {  	[sflag:s23] =	ssyncset.done $0x0  }
0xa4: {  	s25 =	simm.s32 $0x1B8E;
	s24 =	sld [smem:$0x3FFE];
	[sflag:s23] =	ssyncadd.s32 $0xFFFFFFFF  }
0xa5: {  	s26 =	simm.s32 $execute0_lowered;
	[smem:$0x3FD2] =	sst s25  }
0xa6: {  	s4 =	sshll.u32 s26, $0x1;
	_ =	strace $0x8000004C;
	[dreg:$0x1] =	wrdreg $0xFFFFFFFF  }
0xa7: {  	s28 =	simm.s32 $_size_execute0_lowered;
	s2 =	sadd.s32 s2, s4;
	[dreg:$0x0] =	wrdreg $0x0  }
0xa8: {  	s4 =	sshll.u32 s28, $0x1;
	[dreg:$0x2] =	wrdreg s2  }
0xa9: {  	[dreg:$0x3] =	wrdreg s4  }
0xaa: {  	[dreg:$0x4] =	wrdreg $0xC0  }
0xab: {  	_ =	task [dreg:s6], $0x5FFFF  }
0xac: {  	[dreg:$0x1] =	wrdreg $0xFFFFFFFF  }
0xad: {  	[dreg:$0x0] =	wrdreg $0x60  }
0xae: {  	[dreg:$0x2] =	wrdreg s24  }
0xaf: {  	[dreg:$0x3] =	wrdreg $0xA9000  }
0xb0: {  	[dreg:$0x4] =	wrdreg $0x9  }
0xb1: {  	_ =	task.clear_ibuf [dreg:s6], $0x5FFFF;
	_ =	strace $0x9000004C  }
0xb2: {  	s29 =	simm.s32 $0x9;
	_ =	strace $0x8000004E  }
0xb3: {  	_ =	swait.ge [sflag:s29], $0x1  }
0xb4: {  	[sflag:s29] =	ssyncadd.s32 $0xFFFFFFFF  }
0xb5: {  	_ =	strace $0x9000004E  }
0xb6: {  	_ =	sfence  }
0xb7: {  	s30 =	sld [smem:$0x0];
	_ =	sdelay $0x2  }
0xb8: {  	s31 =	sshll.u32 s1, $0xD;
	s1 =	sshrl.u32 s1, $0x2  }
0xb9: {  	s3 =	sand.u32 $0x4000, s31;
	s1 =	sadd.s32 s1, s30  }
0xba: {  	s0 =	sor.u32 s3, s0;
	s1 =	sshll.u32 s1, $0x11  }
0xbb: {  	s0 =	sor.u32 s1, s0  }
0xbc: {  	s0 =	sadd.s32 $0x8F2B, s0  }
0xbd: {  	[sflag:s0] =	ssyncadd.remote.s32 $0x1  }
0xbe: {  	_ =	sfence.sel $0xFFFF  }
0xbf: {  	[dreg:$0x0] =	wrdreg $0xFFFFFFFF;
	(pc) =	sbr.abs _section_cstart, $3  }
0xc0: {  	[dreg:$0x1] =	wrdreg $0xFFFFFFFF  }
0xc1: {  	_ =	task.clear_ibuf [dreg:s6], $0x2FFFF;
	_ =	strace $0x9FFFFFFF  }
0xc2: {  	(tm) =	ssettm $0x7FFFFFFF  }
0xc3: {  	_ =	shalt  }
tec
execute0_lowered:
.L_overlay_start_1:
0x0: {  	(tag) =	ssettag $0x1  }
0x1: {  	s0 =	srdreg.scid;
	s1 =	rddreg [dreg:$0x0]  }
0x2: {  	s7 =	stileid.u32;
	s2 =	rddreg [dreg:$0x1];
	s15 =	simm.s32 $0x7  }
0x3: {  	s16 =	simm.s32 $0x2800;
	s17 =	simm.s32 $0x7D;
	s18 =	simm.s32 $0x2900  }
0x4: {  	s19 =	simm.s32 $0x2880;
	s28 =	simm.s32 $0x6;
	s29 =	simm.s32 $0x3  }
0x5: {  	s30 =	simm.s32 $0x4;
	s0 =	sand.u32 $0x1, s0;
	s10 =	smul.u32 $0x13C00, s7  }
0x6: {  	s5 =	sadd.s32 $0x16400, s1;
	s6 =	sadd.s32 $0x2400, s1;
	s12 =	sadd.s32 $0x3D600, s1  }
0x7: {  	s23 =	smul.u32 $0x4E200, s7;
	s31 =	sshll.u32 s7, $0x6;
	s3 =	sshll.u32 s0, $0x4  }
0x8: {  	s8 =	smul.u32 $0x13C000, s0;
	s0 =	ssub.s32 $0x2, s0;
	s20 =	sor.u32 $0x1C07, s31  }
0x9: {  	s4 =	sor.u32 s7, s3;
	s3 =	simm.s32 $0x0;
	s22 =	sshrl.u32 s0, $0x1  }
0xa: {  	s26 =	sshrl.u32 s23, $0x2;
	s23 =	simm.s32 $0x5;
	s4 =	smul.u32 $0x2800, s4  }
0xb: {  	[smem:$0x7FF] =	sst s3;
	s8 =	sadd.s32 s10, s8;
	s0 =	ssub.s32 s0, s22  }
0xc: {  	s21 =	sadd.s32 s26, s2;
	s22 =	simm.s32 $0x1;
	s26 =	simm.s32 $0x2  }
0xd: {  	_ =	strace $0x8000004D;
	[dreg:$0x3] =	wrdreg s12;
	s8 =	sshrl.u32 s8, $0x3  }
0xe: {  	s14 =	smax.u32 s0, $0x1;
	s21 =	sshrl.u32 s21, $0x3;
	s9 =	sshrl.u32 s4, $0x3  }
0xf: {  	s11 =	sadd.s32 s9, s1;
	s1 =	sadd.s32 s8, s1;
	s8 =	sadd.s32 s6, s9  }
0x10: {  	s0 =	simm.s32 $0x0;
	s24 =	sadd.s32 $0xC400, s11;
	s25 =	sadd.s32 $0x10, s8  }
0x11: {  	s11 =	sadd.s32 $0x4E0, s8;
	s12 =	sadd.s32 $0x4F0, s8;
	[dreg:$0x4] =	wrdreg s24  }
0x12: {  	s13 =	sadd.s32 $0x3FE00, s1;
	[dreg:$0x5] =	wrdreg s25;
	s25 =	simm.s32 $0x6900  }
.LBB2_1:
0x13: {  	s1 =	rddreg [dreg:$0x4]  }
0x14: {  	[tilespmem:s3], [sflag:$0x7] =	stream.linear.gather [hbm4b:s1+s3], $0x2800, $0x38;
	[tilespmem:$0x1E180] =	vst v63  }
0x15: {  	_ =	swait.ge [sflag:s15], $0x2800  }
0x16: {  	[sflag:s15] =	ssyncset.done $0x0  }
0x17: {  	[sflag:s15] =	ssyncadd.s32 $0xFFFFD800  }
0x18: {  	[tilespmem:s16], [sflag:$0x5] =	stream.linear.gather [hbm4b:s8+s3], $0x80, $0x38;
	[tilespmem:$0x1E180] =	vst v63  }
0x19: {  	s24 =	rddreg [dreg:$0x5]  }
0x1a: {  	[tilespmem:s18], [sflag:$0x1] =	stream.indirect.gather [hbm4b:s5+s17], $0x80, s3, s17, $0xb8;
	[tilespmem:$0x1E180] =	vst v63  }
0x1b: {  	s7 =	rddreg [dreg:$0x3]  }
0x1c: {  	[tilespmem:s19], [sflag:$0x6] =	stream.linear.gather [hbm4b:s24+s3], $0x80, $0x38;
	[tilespmem:$0x1E180] =	vst v63  }
0x1d: {  	[spmem:s21], [sflag:s20] =	dma.local [hbm:s7], $0x2710  }
0x1e: {  	_ =	swait.ge [sflag:s15], $0x2710  }
0x1f: {  	[sflag:s15] =	ssyncset.done $0x0  }
0x20: {  	[sflag:s15] =	ssyncadd.s32 $0xFFFFD8F0  }
0x21: {  	[bflag:$0x0] =	sbarrier.arrive $0xFFFF  }
0x22: {  	_ =	swait.ge [sflag:s22], $0x3E80  }
0x23: {  	[sflag:s22] =	ssyncset.done $0x0  }
0x24: {  	[sflag:s22] =	ssyncadd.s32 $0xFFFFC180  }
0x25: {  	_ =	swait.ge [sflag:s23], $0x80  }
0x26: {  	[sflag:s23] =	ssyncset.done $0x0  }
0x27: {  	[sflag:s23] =	ssyncadd.s32 $0xFFFFFF80  }
0x28: {  	[spmem:s2] =	stream.indirect.scatter.add.f32 [tilespmem:s18], [sflag:$0x3], $0x80, s16, s17, $0xb8;
	[tilespmem:$0x1E180] =	vst v63  }
0x29: {  	s9 =	simm.s32 $0x80  }
0x2a: {  	[tilespmem:s25], [sflag:$0x2] =	stream.indirect.gather [hbm4b:s5+s17], $0x80, s9, s17, $0xb8;
	[tilespmem:$0x1E180] =	vst v63  }
0x2b: {  	_ =	swait.ge [sflag:s26], $0x3E80  }
0x2c: {  	[sflag:s26] =	ssyncset.done $0x0  }
0x2d: {  	[sflag:s26] =	ssyncadd.s32 $0xFFFFC180  }
0x2e: {  	s10 =	simm.s32 $0x100;
	_ =	swait.ge [sflag:s28], $0x80  }
0x2f: {  	s24 =	sand.u32 $0x7C00, s10;
	[sflag:s28] =	ssyncset.done $0x0  }
0x30: {  	s1 =	sand.u32 $0x300, s10;
	s24 =	sadd.s32 s4, s24;
	[sflag:s28] =	ssyncadd.s32 $0xFFFFFF80  }
0x31: {  	[spmem:s2] =	stream.indirect.scatter.add.f32 [tilespmem:s25], [sflag:$0x4], $0x80, s19, s17, $0xb8;
	[tilespmem:$0x1E180] =	vst v63  }
0x32: {  	s1 =	sor.u32 s1, s24;
	_ =	swait.ge [sflag:s29], $0x3E80  }
0x33: {  	s1 =	sshrl.u32 s1, $0x3;
	[sflag:s29] =	ssyncset.done $0x0  }
0x34: {  	s1 =	sadd.s32 s6, s1;
	[sflag:s29] =	ssyncadd.s32 $0xFFFFC180  }
0x35: {  	[tilespmem:s16], [sflag:$0x5] =	stream.linear.gather [hbm4b:s1+s3], $0x80, $0x38;
	[tilespmem:$0x1E180] =	vst v63  }
0x36: {  	s7 =	simm.s32 $0x100  }
0x37: {  	[tilespmem:s18], [sflag:$0x1] =	stream.indirect.gather [hbm4b:s5+s17], $0x80, s7, s17, $0xb8;
	[tilespmem:$0x1E180] =	vst v63  }
0x38: {  	_ =	swait.ge [sflag:s22], $0x3E80  }
0x39: {  	[sflag:s22] =	ssyncset.done $0x0  }
0x3a: {  	[sflag:s22] =	ssyncadd.s32 $0xFFFFC180  }
0x3b: {  	s9 =	simm.s32 $0x180;
	_ =	swait.ge [sflag:s23], $0x80  }
0x3c: {  	s10 =	sand.u32 $0x7C00, s9;
	[sflag:s23] =	ssyncset.done $0x0  }
0x3d: {  	s24 =	sadd.s32 s4, s10;
	s1 =	sand.u32 $0x380, s9;
	[sflag:s23] =	ssyncadd.s32 $0xFFFFFF80  }
0x3e: {  	[spmem:s2] =	stream.indirect.scatter.add.f32 [tilespmem:s18], [sflag:$0x3], $0x80, s16, s17, $0xb8;
	[tilespmem:$0x1E180] =	vst v63  }
0x3f: {  	s1 =	sor.u32 s1, s24;
	_ =	swait.ge [sflag:s30], $0x3E80  }
0x40: {  	s1 =	sshrl.u32 s1, $0x3;
	[sflag:s30] =	ssyncset.done $0x0  }
0x41: {  	s1 =	sadd.s32 s6, s1;
	[sflag:s30] =	ssyncadd.s32 $0xFFFFC180  }
0x42: {  	[tilespmem:s19], [sflag:$0x6] =	stream.linear.gather [hbm4b:s1+s3], $0x80, $0x38;
	[tilespmem:$0x1E180] =	vst v63  }
0x43: {  	s31 =	simm.s32 $0x180;
	s24 =	simm.s32 $0x280;
	s1 =	simm.s32 $0x200  }
.LBB2_2:
0x44: {  	s7 =	sadd.s32 $0x80, s1  }
0x45: {  	p0 =	sne.s32 s24, $0x2680;
	s9 =	smov.u32 s24;
	s24 =	sadd.s32 $0x100, s24  }
0x46: {  	[tilespmem:s25], [sflag:$0x2] =	stream.indirect.gather [hbm4b:s5+s17], $0x80, s31, s17, $0xb8;
	[tilespmem:$0x1E180] =	vst v63  }
0x47: {  	s31 =	smov.u32 s7;
	_ =	swait.ge [sflag:s26], $0x3E80  }
0x48: {  	[sflag:s26] =	ssyncset.done $0x0  }
0x49: {  	[sflag:s26] =	ssyncadd.s32 $0xFFFFC180  }
0x4a: {  	_ =	swait.ge [sflag:s28], $0x80  }
0x4b: {  	s7 =	sadd.s32 $0xFFFFFF80, s9;
	[sflag:s28] =	ssyncset.done $0x0  }
0x4c: {  	s10 =	sand.u32 $0x7C00, s7;
	s7 =	sand.u32 $0x300, s7;
	[sflag:s28] =	ssyncadd.s32 $0xFFFFFF80  }
0x4d: {  	[spmem:s2] =	stream.indirect.scatter.add.f32 [tilespmem:s25], [sflag:$0x4], $0x80, s19, s17, $0xb8;
	[tilespmem:$0x1E180] =	vst v63  }
0x4e: {  	s10 =	sadd.s32 s4, s10;
	_ =	swait.ge [sflag:s29], $0x3E80  }
0x4f: {  	s7 =	sor.u32 s7, s10;
	[sflag:s29] =	ssyncset.done $0x0  }
0x50: {  	s7 =	sshrl.u32 s7, $0x3;
	[sflag:s29] =	ssyncadd.s32 $0xFFFFC180  }
0x51: {  	s7 =	sadd.s32 s6, s7  }
0x52: {  	[tilespmem:s16], [sflag:$0x5] =	stream.linear.gather [hbm4b:s7+s3], $0x80, $0x38;
	[tilespmem:$0x1E180] =	vst v63  }
0x53: {  	_ = 	snop  }
0x54: {  	[tilespmem:s18], [sflag:$0x1] =	stream.indirect.gather [hbm4b:s5+s17], $0x80, s1, s17, $0xb8;
	[tilespmem:$0x1E180] =	vst v63  }
0x55: {  	_ =	swait.ge [sflag:s22], $0x3E80  }
0x56: {  	[sflag:s22] =	ssyncset.done $0x0  }
0x57: {  	[sflag:s22] =	ssyncadd.s32 $0xFFFFC180  }
0x58: {  	_ =	swait.ge [sflag:s23], $0x80  }
0x59: {  	s7 =	sand.u32 $0x7C00, s9;
	[sflag:s23] =	ssyncset.done $0x0  }
0x5a: {  	s9 =	sand.u32 $0x380, s9;
	s7 =	sadd.s32 s4, s7;
	[sflag:s23] =	ssyncadd.s32 $0xFFFFFF80  }
0x5b: {  	[spmem:s2] =	stream.indirect.scatter.add.f32 [tilespmem:s18], [sflag:$0x3], $0x80, s16, s17, $0xb8;
	[tilespmem:$0x1E180] =	vst v63  }
.Ltmp0:
0x5c: {  	_ = 	snop;
	(pc) =	sbr.rel @p0 .LBB2_2-.Ltmp0, $4  }
0x5d: {  	s7 =	sor.u32 s9, s7;
	_ =	swait.ge [sflag:s30], $0x3E80  }
0x5e: {  	s7 =	sshrl.u32 s7, $0x3;
	[sflag:s30] =	ssyncset.done $0x0  }
0x5f: {  	s1 =	sadd.s32 $0x100, s1;
	s7 =	sadd.s32 s6, s7;
	[sflag:s30] =	ssyncadd.s32 $0xFFFFC180  }
0x60: {  	[tilespmem:s19], [sflag:$0x6] =	stream.linear.gather [hbm4b:s7+s3], $0x80, $0x38;
	[tilespmem:$0x1E180] =	vst v63  }
0x61: {  	[tilespmem:s25], [sflag:$0x2] =	stream.indirect.gather [hbm4b:s5+s17], $0x80, s31, s17, $0xb8;
	[tilespmem:$0x1E180] =	vst v63  }
0x62: {  	_ =	swait.ge [sflag:s26], $0x3E80  }
0x63: {  	[sflag:s26] =	ssyncset.done $0x0  }
0x64: {  	[sflag:s26] =	ssyncadd.s32 $0xFFFFC180  }
0x65: {  	_ =	swait.ge [sflag:s28], $0x80  }
0x66: {  	[sflag:s28] =	ssyncset.done $0x0  }
0x67: {  	[sflag:s28] =	ssyncadd.s32 $0xFFFFFF80  }
0x68: {  	[spmem:s2] =	stream.indirect.scatter.add.f32 [tilespmem:s25], [sflag:$0x4], $0x80, s19, s17, $0xb8;
	[tilespmem:$0x1E180] =	vst v63  }
0x69: {  	_ =	swait.ge [sflag:s29], $0x3E80  }
0x6a: {  	[sflag:s29] =	ssyncset.done $0x0  }
0x6b: {  	[sflag:s29] =	ssyncadd.s32 $0xFFFFC180  }
0x6c: {  	[tilespmem:s16], [sflag:$0x5] =	stream.linear.gather [hbm4b:s11+s3], $0x80, $0x38;
	[tilespmem:$0x1E180] =	vst v63  }
0x6d: {  	s1 =	simm.s32 $0x2700  }
0x6e: {  	[tilespmem:s18], [sflag:$0x1] =	stream.indirect.gather [hbm4b:s5+s17], $0x80, s1, s17, $0xb8;
	[tilespmem:$0x1E180] =	vst v63  }
0x6f: {  	_ =	swait.ge [sflag:s22], $0x3E80  }
0x70: {  	[sflag:s22] =	ssyncset.done $0x0  }
0x71: {  	[sflag:s22] =	ssyncadd.s32 $0xFFFFC180  }
0x72: {  	_ =	swait.ge [sflag:s23], $0x80  }
0x73: {  	[sflag:s23] =	ssyncset.done $0x0  }
0x74: {  	[sflag:s23] =	ssyncadd.s32 $0xFFFFFF80  }
0x75: {  	[spmem:s2] =	stream.indirect.scatter.add.f32 [tilespmem:s18], [sflag:$0x3], $0x80, s16, s17, $0xb8;
	[tilespmem:$0x1E180] =	vst v63  }
0x76: {  	_ =	swait.ge [sflag:s30], $0x3E80  }
0x77: {  	[sflag:s30] =	ssyncset.done $0x0  }
0x78: {  	[sflag:s30] =	ssyncadd.s32 $0xFFFFC180  }
0x79: {  	[tilespmem:s19], [sflag:$0x6] =	stream.linear.gather [hbm4b:s12+s3], $0x80, $0x38;
	[tilespmem:$0x1E180] =	vst v63  }
0x7a: {  	s31 =	simm.s32 $0x2780  }
0x7b: {  	[tilespmem:s25], [sflag:$0x2] =	stream.indirect.gather [hbm4b:s5+s17], $0x80, s31, s17, $0xb8;
	[tilespmem:$0x1E180] =	vst v63  }
0x7c: {  	_ =	swait.ge [sflag:s26], $0x3E80  }
0x7d: {  	[sflag:s26] =	ssyncset.done $0x0  }
0x7e: {  	[sflag:s26] =	ssyncadd.s32 $0xFFFFC180  }
0x7f: {  	_ =	swait.ge [sflag:s28], $0x80  }
0x80: {  	[sflag:s28] =	ssyncset.done $0x0  }
0x81: {  	[sflag:s28] =	ssyncadd.s32 $0xFFFFFF80  }
0x82: {  	[spmem:s2] =	stream.indirect.scatter.add.f32 [tilespmem:s25], [sflag:$0x4], $0x80, s19, s17, $0xb8;
	[tilespmem:$0x1E180] =	vst v63  }
0x83: {  	_ =	swait.ge [sflag:s29], $0x3E80  }
0x84: {  	[sflag:s29] =	ssyncset.done $0x0  }
0x85: {  	[sflag:s29] =	ssyncadd.s32 $0xFFFFC180  }
0x86: {  	_ =	swait.ge [sflag:s30], $0x3E80  }
0x87: {  	s0 =	sadd.s32 $0x1, s0;
	[sflag:s30] =	ssyncset.done $0x0  }
0x88: {  	p0 =	sne.s32 s0, s14;
	[sflag:s30] =	ssyncadd.s32 $0xFFFFC180  }
.Ltmp1:
0x89: {  	[bflag:$0x0] =	sbarrier.arrive $0xFFFF;
	(pc) =	sbr.rel @p0 .LBB2_1-.Ltmp1, $4  }
0x8a: {  	[hbm:s13], [sflag:s20] =	dma.local [spmem:s21], $0x2710  }
0x8b: {  	_ =	swait.ge [sflag:s15], $0x2710  }
0x8c: {  	[sflag:s15] =	ssyncset.done $0x0  }
0x8d: {  	[sflag:s15] =	ssyncadd.s32 $0xFFFFD8F0  }
0x8e: {  	_ =	sfence.sel $0x180000  }
0x8f: {  	[bflag:$0x0] =	sbarrier.arrive $0xFFFF  }
0x90: {  	_ =	strace $0x9000004D  }
0x91: {  	s0 =	stileid.u32;
	[bflag:$0x2] =	sbarrier.arrive $0xFFFF  }
0x92: {  	p0 =	sne.s32 s0, $0x0;
	s0 =	rddreg [dreg:$0x2]  }
0x93: {  	s0 =	sadd.s32 @!p0 $0x100000, s0  }
0x94: {  	[sflag:s0] =	ssyncadd.tile.s32 @!p0 $0x1;
	_ =	shalt  }
.Lfunc_end2:
_tile_overlayer_lowered:
.L_overlay_start_2:
0x95: {  	(tag) =	ssettag $0x2  }
0x96: {  	s0 =	rddreg [dreg:$0x0];
	s2 =	stileid.u32  }
0x97: {  	s1 =	rddreg [dreg:$0x1];
	p0 =	sne.s32 s2, $0x0  }
0x98: {  	s3 =	rddreg [dreg:$0x2];
	[bflag:$0x3] =	sbarrier.arrive $0xFFFF;
	s2 =	simm.s32 @!p0 $0x1C07  }
0x99: {  	[timem:s3], [sflag:s2] =	dma.local @!p0 [hbm:s0], s1  }
0x9a: {  	s0 =	simm.s32 @!p0 $0x7  }
0x9b: {  	_ =	swait.ge @!p0 [sflag:s0], s1  }
0x9c: {  	s1 =	ssub.s32 @!p0 $0x0, s1;
	[sflag:s0] =	ssyncset.done @!p0 $0x0  }
0x9d: {  	[sflag:s0] =	ssyncadd.s32 @!p0 s1  }
0x9e: {  	[bflag:$0x3] =	sbarrier.arrive $0xFFFF  }
0x9f: {  	_ =	shalt  }

// kernel: kernel.19.cloned.1.call-start
scs
__scs_entry_jumppad:
0x0: {  	(pc) =	sbr.rel $0x88, $3  }
0x1: {  	(tag) =	ssettag $0x0;
	lr =	simm.s32 $0x1  }
0x2: {  	[smem:$0x3F99] =	sst lr;
	_ =	strace $0xD0000000  }
0x3: {  	_ = 	snop  }
0x4: {  	_ = 	snop  }
0x5: {  	_ = 	snop  }
0x6: {  	_ = 	snop  }
0x7: {  	_ = 	snop  }
__scs_overlays_trampoline_lowered:
0x8: {  	[smem:$0x3FA8] =	sst s0  }
0x9: {  	[smem:$0x3FA9] =	sst s1  }
0xa: {  	[smem:$0x3FAA] =	sst s2  }
0xb: {  	[smem:$0x3FAB] =	sst s3  }
0xc: {  	[smem:$0x3FAC] =	sst s4  }
0xd: {  	[smem:$0x3FAD] =	sst s5  }
0xe: {  	[smem:$0x3FAE] =	sst s6  }
0xf: {  	[smem:$0x3FAF] =	sst s7  }
0x10: {  	[smem:$0x3FB0] =	sst s8  }
0x11: {  	[smem:$0x3FB1] =	sst s9;
	s0 =	simm.s32 @!p0 $0x0  }
0x12: {  	s1 =	sld [smem:$0x3F97];
	s0 =	simm.s32 @p0 $0x1  }
0x13: {  	[smem:$0x3FB2] =	sst s0;
	s0 =	simm.s32 @!p1 $0x0  }
0x14: {  	s2 =	sld [smem:$0x3F96];
	s0 =	simm.s32 @p1 $0x1  }
0x15: {  	[smem:$0x3FB3] =	sst s0;
	s0 =	simm.s32 @!p2 $0x0  }
0x16: {  	s3 =	sld [smem:$0x3FDB];
	s0 =	simm.s32 @p2 $0x1  }
0x17: {  	s4 =	simm.s32 $0x1BF5;
	[smem:$0x3FB5] =	sst s0  }
0x18: {  	s0 =	sld [smem:$0x3F98];
	_ =	swait.ge [sflag:s4], $0x0  }
0x19: {  	s7 =	sld [smem:$0x3F99]  }
0x1a: {  	s8 =	sadd.s32 $0xFFFFE003, lr  }
0x1b: {  	s9 =	sadd.s32 $0xFFFFFEF7, lr;
	s5 =	simm.s32 $0xFFFFFFFF;
	p2 =	slt.u32 s8, $0xFFFFF086  }
0x1c: {  	p1 =	slt.u32 s9, $0xF7A;
	s5 =	simm.s32 @!p2 $0x0  }
0x1d: {  	s5 =	simm.s32 @p1 $0x1;
	p0 =	seq.s32 s7, s2  }
0x1e: {  	s7 =	smul.u32 @!p0 $0xF7A, s2;
	p2 =	seq.s32 @!p0 s5, $0x0  }
0x1f: {  	s9 =	smul.u32 $0xF7A, s1;
	s8 =	simm.s32 @!p0 $0x1BF5;
	p2 =	por !p2, p0  }
0x20: {  	[sflag:s8] =	ssyncset.s32 @!p0 $0xFFFFF086;
	s6 =	sadd.s32 @!p0 s3, s7;
	s7 =	simm.s32 @!p0 $0x108  }
0x21: {  	s3 =	sadd.s32 s3, s9;
	s6 =	sadd.s32 @!p0 $0x88, s6;
	s7 =	simm.s32 @p2 $0x1082  }
0x22: {  	[simem:s7], [sflag:s8] =	dma.local @!p0 [hbm:s6], $0xF7A  }
0x23: {  	s9 =	sor.u32 $0xD0000000, s2;
	s6 =	simm.s32 $0x108;
	_ =	swait.ge @!p0 [sflag:s8], $0x0  }
0x24: {  	s3 =	sadd.s32 $0x88, s3;
	s6 =	simm.s32 @!p1 $0x1082;
	[sflag:s4] =	ssyncset.s32 $0xFFFFF086  }
0x25: {  	[simem:s6], [sflag:s4] =	dma.local [hbm:s3], $0xF7A  }
0x26: {  	[smem:$0x3F99] =	sst s1;
	(tag) =	ssettag s2;
	_ =	strace s9  }
0x27: {  	s1 =	sld [smem:$0x3FA9]  }
0x28: {  	s2 =	sld [smem:$0x3FAA]  }
0x29: {  	s4 =	sld [smem:$0x3FAC]  }
0x2a: {  	p0 =	seq.s32 s5, $0x0;
	s5 =	sld [smem:$0x3FAD]  }
0x2b: {  	s6 =	sld [smem:$0x3FAE]  }
0x2c: {  	s7 =	sld [smem:$0x3FAF]  }
0x2d: {  	s3 =	simm.s32 $0x108;
	s8 =	sld [smem:$0x3FB0]  }
0x2e: {  	s3 =	simm.s32 @!p0 $0x1082;
	s9 =	sld [smem:$0x3FB1]  }
0x2f: {  	lr =	sadd.s32 s0, s3;
	s0 =	sld [smem:$0x3FA8]  }
0x30: {  	s3 =	sld [smem:$0x3FAB]  }
0x31: {  	[smem:$0x3FB4] =	sst s10  }
0x32: {  	s10 =	sld [smem:$0x3FB2];
	_ =	sdelay $0x3  }
0x33: {  	p0 =	seq.s32 s10, $0x1;
	s10 =	sld [smem:$0x3FB4];
	_ =	sdelay $0x3  }
0x34: {  	[smem:$0x3FB4] =	sst s10  }
0x35: {  	s10 =	sld [smem:$0x3FB3];
	_ =	sdelay $0x3  }
0x36: {  	p1 =	seq.s32 s10, $0x1;
	s10 =	sld [smem:$0x3FB4];
	_ =	sdelay $0x3  }
0x37: {  	[smem:$0x3FB4] =	sst s10  }
0x38: {  	s10 =	sld [smem:$0x3FB5]  }
0x39: {  	_ = 	snop;
	(pc) =	sbr.ind lr, $3  }
0x3a: {  	_ = 	snop  }
0x3b: {  	_ = 	snop  }
0x3c: {  	p2 =	seq.s32 s10, $0x1;
	s10 =	sld [smem:$0x3FB4]  }
0x3d: {  	_ =	shalt  }
0x3e: {  	_ =	shalt  }
0x3f: {  	_ =	shalt  }
0x40: {  	_ =	shalt  }
0x41: {  	_ =	shalt  }
0x42: {  	_ =	shalt  }
0x43: {  	_ =	shalt  }
0x44: {  	_ =	shalt  }
0x45: {  	_ =	shalt  }
0x46: {  	_ =	shalt  }
0x47: {  	_ =	shalt  }
0x48: {  	_ =	shalt  }
0x49: {  	_ =	shalt  }
0x4a: {  	_ =	shalt  }
0x4b: {  	_ =	shalt  }
0x4c: {  	_ =	shalt  }
0x4d: {  	_ =	shalt  }
0x4e: {  	_ =	shalt  }
0x4f: {  	_ =	shalt  }
0x50: {  	_ =	shalt  }
0x51: {  	_ =	shalt  }
0x52: {  	_ =	shalt  }
0x53: {  	_ =	shalt  }
0x54: {  	_ =	shalt  }
0x55: {  	_ =	shalt  }
0x56: {  	_ =	shalt  }
0x57: {  	_ =	shalt  }
0x58: {  	_ =	shalt  }
0x59: {  	_ =	shalt  }
0x5a: {  	_ =	shalt  }
0x5b: {  	_ =	shalt  }
0x5c: {  	_ =	shalt  }
0x5d: {  	_ =	shalt  }
0x5e: {  	_ =	shalt  }
0x5f: {  	_ =	shalt  }
0x60: {  	_ =	shalt  }
0x61: {  	_ =	shalt  }
0x62: {  	_ =	shalt  }
0x63: {  	_ =	shalt  }
0x64: {  	_ =	shalt  }
0x65: {  	_ =	shalt  }
0x66: {  	_ =	shalt  }
0x67: {  	_ =	shalt  }
0x68: {  	_ =	shalt  }
0x69: {  	_ =	shalt  }
0x6a: {  	_ =	shalt  }
0x6b: {  	_ =	shalt  }
0x6c: {  	_ =	shalt  }
0x6d: {  	_ =	shalt  }
0x6e: {  	_ =	shalt  }
0x6f: {  	_ =	shalt  }
0x70: {  	_ =	shalt  }
0x71: {  	_ =	shalt  }
0x72: {  	_ =	shalt  }
0x73: {  	_ =	shalt  }
0x74: {  	_ =	shalt  }
0x75: {  	_ =	shalt  }
0x76: {  	_ =	shalt  }
0x77: {  	_ =	shalt  }
0x78: {  	_ =	shalt  }
0x79: {  	_ =	shalt  }
0x7a: {  	_ =	shalt  }
0x7b: {  	_ =	shalt  }
0x7c: {  	_ =	shalt  }
0x7d: {  	_ =	shalt  }
0x7e: {  	_ =	shalt  }
0x7f: {  	_ =	shalt  }
0x80: {  	_ =	shalt  }
0x81: {  	_ =	shalt  }
0x82: {  	_ =	shalt  }
0x83: {  	_ =	shalt  }
0x84: {  	_ =	shalt  }
0x85: {  	_ =	shalt  }
0x86: {  	_ =	shalt  }
0x87: {  	_ =	shalt  }
.Lfunc_end0:
.L_simem_size_0:
called_computation.3_lowered:
.L_overlay_start_0:
0x88: {  	s2 =	sld [smem:$0x3FD9]  }
0x89: {  	s3 =	sld [smem:$0x3FFE];
	_ =	sdelay $0x1  }
0x8a: {  	s1 =	srdreg.scid  }
0x8b: {  	s0 =	sand.u32 $0x1, s1  }
0x8c: {  	s16 =	sshll.u32 s0, $0xA;
	s2 =	sadd.s32 s3, s2  }
0x8d: {  	s2 =	sadd.s32 s2, s16  }
0x8e: {  	[smem:$0x3FC0] =	sst s2  }
0x8f: {  	_ = 	snop  }
0x90: {  	(tm) =	ssettm $0x1  }
0x91: {  	s17 =	sld [smem:$0x3FFB];
	_ =	sdelay $0x3  }
0x92: {  	_ =	strace s17  }
0x93: {  	s2 =	sld [smem:$0x3FFC];
	_ =	sdelay $0x3  }
0x94: {  	_ =	strace s2  }
0x95: {  	s2 =	sld [smem:$0x3FFD];
	_ =	sdelay $0x3  }
0x96: {  	_ =	strace s2  }
0x97: {  	_ =	strace $0x8FFFFFFF  }
0x98: {  	s18 =	sld [smem:$0x3FDB];
	_ =	sdelay $0x1  }
0x99: {  	s19 =	simm.s32 $_scs_section_size  }
0x9a: {  	s4 =	simm.s32 $_size__tile_overlayer_lowered;
	s5 =	simm.s32 $_tile_overlayer_lowered  }
0x9b: {  	s22 =	simm.s32 $0x1BFF;
	s21 =	sshll.u32 s5, $0x1;
	s2 =	sadd.s32 s19, s18  }
0x9c: {  	s6 =	simm.s32 $0x0;
	s20 =	sshll.u32 s4, $0x1;
	s4 =	sadd.s32 s21, s2  }
0x9d: {  	[timem:s6], [sflag:s22] =	dma.local [hbm:s4], s20  }
0x9e: {  	_ =	swait.ge [sflag:s22], s20  }
0x9f: {  	s3 =	ssub.s32 $0x0, s20;
	[sflag:s22] =	ssyncset.done $0x0  }
0xa0: {  	[sflag:s22] =	ssyncadd.s32 s3;
	_ =	sdelay $0x1  }
0xa1: {  	s23 =	simm.s32 $0x1B8B  }
0xa2: {  	_ =	swait.ge [sflag:s23], $0x1  }
0xa3: {  	[sflag:s23] =	ssyncset.done $0x0  }
0xa4: {  	s25 =	simm.s32 $0x1B8E;
	s24 =	sld [smem:$0x3FFE];
	[sflag:s23] =	ssyncadd.s32 $0xFFFFFFFF  }
0xa5: {  	s26 =	simm.s32 $execute0_lowered;
	[smem:$0x3FD2] =	sst s25  }
0xa6: {  	s4 =	sshll.u32 s26, $0x1;
	_ =	strace $0x8000004F;
	[dreg:$0x1] =	wrdreg $0xFFFFFFFF  }
0xa7: {  	s28 =	simm.s32 $_size_execute0_lowered;
	s2 =	sadd.s32 s2, s4;
	[dreg:$0x0] =	wrdreg $0x0  }
0xa8: {  	s4 =	sshll.u32 s28, $0x1;
	[dreg:$0x2] =	wrdreg s2  }
0xa9: {  	[dreg:$0x3] =	wrdreg s4  }
0xaa: {  	[dreg:$0x4] =	wrdreg $0xC0  }
0xab: {  	_ =	task [dreg:s6], $0x5FFFF  }
0xac: {  	[dreg:$0x1] =	wrdreg $0xFFFFFFFF  }
0xad: {  	[dreg:$0x0] =	wrdreg $0x60  }
0xae: {  	[dreg:$0x2] =	wrdreg s24  }
0xaf: {  	[dreg:$0x3] =	wrdreg $0xA9000  }
0xb0: {  	[dreg:$0x4] =	wrdreg $0x9  }
0xb1: {  	_ =	task.clear_ibuf [dreg:s6], $0x5FFFF;
	_ =	strace $0x9000004F  }
0xb2: {  	s29 =	simm.s32 $0x9;
	_ =	strace $0x80000051  }
0xb3: {  	_ =	swait.ge [sflag:s29], $0x1  }
0xb4: {  	[sflag:s29] =	ssyncadd.s32 $0xFFFFFFFF  }
0xb5: {  	_ =	strace $0x90000051  }
0xb6: {  	_ =	sfence  }
0xb7: {  	s30 =	sld [smem:$0x0];
	_ =	sdelay $0x2  }
0xb8: {  	s31 =	sshll.u32 s1, $0xD;
	s1 =	sshrl.u32 s1, $0x2  }
0xb9: {  	s3 =	sand.u32 $0x4000, s31;
	s1 =	sadd.s32 s1, s30  }
0xba: {  	s0 =	sor.u32 s3, s0;
	s1 =	sshll.u32 s1, $0x11  }
0xbb: {  	s0 =	sor.u32 s1, s0  }
0xbc: {  	s0 =	sadd.s32 $0x8F2B, s0  }
0xbd: {  	[sflag:s0] =	ssyncadd.remote.s32 $0x1  }
0xbe: {  	_ =	sfence.sel $0xFFFF  }
0xbf: {  	[dreg:$0x0] =	wrdreg $0xFFFFFFFF;
	(pc) =	sbr.abs _section_cstart, $3  }
0xc0: {  	[dreg:$0x1] =	wrdreg $0xFFFFFFFF  }
0xc1: {  	_ =	task.clear_ibuf [dreg:s6], $0x2FFFF;
	_ =	strace $0x9FFFFFFF  }
0xc2: {  	(tm) =	ssettm $0x7FFFFFFF  }
0xc3: {  	_ =	shalt  }
tec
execute0_lowered:
.L_overlay_start_1:
0x0: {  	(tag) =	ssettag $0x1  }
0x1: {  	s0 =	srdreg.scid;
	s1 =	rddreg [dreg:$0x0]  }
0x2: {  	s7 =	stileid.u32;
	s2 =	rddreg [dreg:$0x1];
	s15 =	simm.s32 $0x7  }
0x3: {  	s16 =	simm.s32 $0x2800;
	s17 =	simm.s32 $0x7D;
	s18 =	simm.s32 $0x2900  }
0x4: {  	s19 =	simm.s32 $0x2880;
	s28 =	simm.s32 $0x6;
	s29 =	simm.s32 $0x3  }
0x5: {  	s30 =	simm.s32 $0x4;
	s0 =	sand.u32 $0x1, s0;
	s10 =	smul.u32 $0x13C00, s7  }
0x6: {  	s5 =	sadd.s32 $0x16400, s1;
	s6 =	sadd.s32 $0x2400, s1;
	s12 =	sadd.s32 $0x3D600, s1  }
0x7: {  	s23 =	smul.u32 $0x4E200, s7;
	s31 =	sshll.u32 s7, $0x6;
	s3 =	sshll.u32 s0, $0x4  }
0x8: {  	s8 =	smul.u32 $0x13C000, s0;
	s0 =	ssub.s32 $0x2, s0;
	s20 =	sor.u32 $0x1C07, s31  }
0x9: {  	s4 =	sor.u32 s7, s3;
	s3 =	simm.s32 $0x0;
	s22 =	sshrl.u32 s0, $0x1  }
0xa: {  	s26 =	sshrl.u32 s23, $0x2;
	s23 =	simm.s32 $0x5;
	s4 =	smul.u32 $0x2800, s4  }
0xb: {  	[smem:$0x7FF] =	sst s3;
	s8 =	sadd.s32 s10, s8;
	s0 =	ssub.s32 s0, s22  }
0xc: {  	s21 =	sadd.s32 s26, s2;
	s22 =	simm.s32 $0x1;
	s26 =	simm.s32 $0x2  }
0xd: {  	_ =	strace $0x80000050;
	[dreg:$0x3] =	wrdreg s12;
	s8 =	sshrl.u32 s8, $0x3  }
0xe: {  	s14 =	smax.u32 s0, $0x1;
	s21 =	sshrl.u32 s21, $0x3;
	s9 =	sshrl.u32 s4, $0x3  }
0xf: {  	s11 =	sadd.s32 s9, s1;
	s1 =	sadd.s32 s8, s1;
	s8 =	sadd.s32 s6, s9  }
0x10: {  	s0 =	simm.s32 $0x0;
	s24 =	sadd.s32 $0xC400, s11;
	s25 =	sadd.s32 $0x10, s8  }
0x11: {  	s11 =	sadd.s32 $0x4E0, s8;
	s12 =	sadd.s32 $0x4F0, s8;
	[dreg:$0x4] =	wrdreg s24  }
0x12: {  	s13 =	sadd.s32 $0x3FE00, s1;
	[dreg:$0x5] =	wrdreg s25;
	s25 =	simm.s32 $0x6900  }
.LBB2_1:
0x13: {  	s1 =	rddreg [dreg:$0x4]  }
0x14: {  	[tilespmem:s3], [sflag:$0x7] =	stream.linear.gather [hbm4b:s1+s3], $0x2800, $0x38;
	[tilespmem:$0x1E180] =	vst v63  }
0x15: {  	_ =	swait.ge [sflag:s15], $0x2800  }
0x16: {  	[sflag:s15] =	ssyncset.done $0x0  }
0x17: {  	[sflag:s15] =	ssyncadd.s32 $0xFFFFD800  }
0x18: {  	[tilespmem:s16], [sflag:$0x5] =	stream.linear.gather [hbm4b:s8+s3], $0x80, $0x38;
	[tilespmem:$0x1E180] =	vst v63  }
0x19: {  	s24 =	rddreg [dreg:$0x5]  }
0x1a: {  	[tilespmem:s18], [sflag:$0x1] =	stream.indirect.gather [hbm4b:s5+s17], $0x80, s3, s17, $0xb8;
	[tilespmem:$0x1E180] =	vst v63  }
0x1b: {  	s7 =	rddreg [dreg:$0x3]  }
0x1c: {  	[tilespmem:s19], [sflag:$0x6] =	stream.linear.gather [hbm4b:s24+s3], $0x80, $0x38;
	[tilespmem:$0x1E180] =	vst v63  }
0x1d: {  	[spmem:s21], [sflag:s20] =	dma.local [hbm:s7], $0x2710  }
0x1e: {  	_ =	swait.ge [sflag:s15], $0x2710  }
0x1f: {  	[sflag:s15] =	ssyncset.done $0x0  }
0x20: {  	[sflag:s15] =	ssyncadd.s32 $0xFFFFD8F0  }
0x21: {  	[bflag:$0x0] =	sbarrier.arrive $0xFFFF  }
0x22: {  	_ =	swait.ge [sflag:s22], $0x3E80  }
0x23: {  	[sflag:s22] =	ssyncset.done $0x0  }
0x24: {  	[sflag:s22] =	ssyncadd.s32 $0xFFFFC180  }
0x25: {  	_ =	swait.ge [sflag:s23], $0x80  }
0x26: {  	[sflag:s23] =	ssyncset.done $0x0  }
0x27: {  	[sflag:s23] =	ssyncadd.s32 $0xFFFFFF80  }
0x28: {  	[spmem:s2] =	stream.indirect.scatter.add.f32 [tilespmem:s18], [sflag:$0x3], $0x80, s16, s17, $0xb8;
	[tilespmem:$0x1E180] =	vst v63  }
0x29: {  	s9 =	simm.s32 $0x80  }
0x2a: {  	[tilespmem:s25], [sflag:$0x2] =	stream.indirect.gather [hbm4b:s5+s17], $0x80, s9, s17, $0xb8;
	[tilespmem:$0x1E180] =	vst v63  }
0x2b: {  	_ =	swait.ge [sflag:s26], $0x3E80  }
0x2c: {  	[sflag:s26] =	ssyncset.done $0x0  }
0x2d: {  	[sflag:s26] =	ssyncadd.s32 $0xFFFFC180  }
0x2e: {  	s10 =	simm.s32 $0x100;
	_ =	swait.ge [sflag:s28], $0x80  }
0x2f: {  	s24 =	sand.u32 $0x7C00, s10;
	[sflag:s28] =	ssyncset.done $0x0  }
0x30: {  	s1 =	sand.u32 $0x300, s10;
	s24 =	sadd.s32 s4, s24;
	[sflag:s28] =	ssyncadd.s32 $0xFFFFFF80  }
0x31: {  	[spmem:s2] =	stream.indirect.scatter.add.f32 [tilespmem:s25], [sflag:$0x4], $0x80, s19, s17, $0xb8;
	[tilespmem:$0x1E180] =	vst v63  }
0x32: {  	s1 =	sor.u32 s1, s24;
	_ =	swait.ge [sflag:s29], $0x3E80  }
0x33: {  	s1 =	sshrl.u32 s1, $0x3;
	[sflag:s29] =	ssyncset.done $0x0  }
0x34: {  	s1 =	sadd.s32 s6, s1;
	[sflag:s29] =	ssyncadd.s32 $0xFFFFC180  }
0x35: {  	[tilespmem:s16], [sflag:$0x5] =	stream.linear.gather [hbm4b:s1+s3], $0x80, $0x38;
	[tilespmem:$0x1E180] =	vst v63  }
0x36: {  	s7 =	simm.s32 $0x100  }
0x37: {  	[tilespmem:s18], [sflag:$0x1] =	stream.indirect.gather [hbm4b:s5+s17], $0x80, s7, s17, $0xb8;
	[tilespmem:$0x1E180] =	vst v63  }
0x38: {  	_ =	swait.ge [sflag:s22], $0x3E80  }
0x39: {  	[sflag:s22] =	ssyncset.done $0x0  }
0x3a: {  	[sflag:s22] =	ssyncadd.s32 $0xFFFFC180  }
0x3b: {  	s9 =	simm.s32 $0x180;
	_ =	swait.ge [sflag:s23], $0x80  }
0x3c: {  	s10 =	sand.u32 $0x7C00, s9;
	[sflag:s23] =	ssyncset.done $0x0  }
0x3d: {  	s24 =	sadd.s32 s4, s10;
	s1 =	sand.u32 $0x380, s9;
	[sflag:s23] =	ssyncadd.s32 $0xFFFFFF80  }
0x3e: {  	[spmem:s2] =	stream.indirect.scatter.add.f32 [tilespmem:s18], [sflag:$0x3], $0x80, s16, s17, $0xb8;
	[tilespmem:$0x1E180] =	vst v63  }
0x3f: {  	s1 =	sor.u32 s1, s24;
	_ =	swait.ge [sflag:s30], $0x3E80  }
0x40: {  	s1 =	sshrl.u32 s1, $0x3;
	[sflag:s30] =	ssyncset.done $0x0  }
0x41: {  	s1 =	sadd.s32 s6, s1;
	[sflag:s30] =	ssyncadd.s32 $0xFFFFC180  }
0x42: {  	[tilespmem:s19], [sflag:$0x6] =	stream.linear.gather [hbm4b:s1+s3], $0x80, $0x38;
	[tilespmem:$0x1E180] =	vst v63  }
0x43: {  	s31 =	simm.s32 $0x180;
	s24 =	simm.s32 $0x280;
	s1 =	simm.s32 $0x200  }
.LBB2_2:
0x44: {  	s7 =	sadd.s32 $0x80, s1  }
0x45: {  	p0 =	sne.s32 s24, $0x2680;
	s9 =	smov.u32 s24;
	s24 =	sadd.s32 $0x100, s24  }
0x46: {  	[tilespmem:s25], [sflag:$0x2] =	stream.indirect.gather [hbm4b:s5+s17], $0x80, s31, s17, $0xb8;
	[tilespmem:$0x1E180] =	vst v63  }
0x47: {  	s31 =	smov.u32 s7;
	_ =	swait.ge [sflag:s26], $0x3E80  }
0x48: {  	[sflag:s26] =	ssyncset.done $0x0  }
0x49: {  	[sflag:s26] =	ssyncadd.s32 $0xFFFFC180  }
0x4a: {  	_ =	swait.ge [sflag:s28], $0x80  }
0x4b: {  	s7 =	sadd.s32 $0xFFFFFF80, s9;
	[sflag:s28] =	ssyncset.done $0x0  }
0x4c: {  	s10 =	sand.u32 $0x7C00, s7;
	s7 =	sand.u32 $0x300, s7;
	[sflag:s28] =	ssyncadd.s32 $0xFFFFFF80  }
0x4d: {  	[spmem:s2] =	stream.indirect.scatter.add.f32 [tilespmem:s25], [sflag:$0x4], $0x80, s19, s17, $0xb8;
	[tilespmem:$0x1E180] =	vst v63  }
0x4e: {  	s10 =	sadd.s32 s4, s10;
	_ =	swait.ge [sflag:s29], $0x3E80  }
0x4f: {  	s7 =	sor.u32 s7, s10;
	[sflag:s29] =	ssyncset.done $0x0  }
0x50: {  	s7 =	sshrl.u32 s7, $0x3;
	[sflag:s29] =	ssyncadd.s32 $0xFFFFC180  }
0x51: {  	s7 =	sadd.s32 s6, s7  }
0x52: {  	[tilespmem:s16], [sflag:$0x5] =	stream.linear.gather [hbm4b:s7+s3], $0x80, $0x38;
	[tilespmem:$0x1E180] =	vst v63  }
0x53: {  	_ = 	snop  }
0x54: {  	[tilespmem:s18], [sflag:$0x1] =	stream.indirect.gather [hbm4b:s5+s17], $0x80, s1, s17, $0xb8;
	[tilespmem:$0x1E180] =	vst v63  }
0x55: {  	_ =	swait.ge [sflag:s22], $0x3E80  }
0x56: {  	[sflag:s22] =	ssyncset.done $0x0  }
0x57: {  	[sflag:s22] =	ssyncadd.s32 $0xFFFFC180  }
0x58: {  	_ =	swait.ge [sflag:s23], $0x80  }
0x59: {  	s7 =	sand.u32 $0x7C00, s9;
	[sflag:s23] =	ssyncset.done $0x0  }
0x5a: {  	s9 =	sand.u32 $0x380, s9;
	s7 =	sadd.s32 s4, s7;
	[sflag:s23] =	ssyncadd.s32 $0xFFFFFF80  }
0x5b: {  	[spmem:s2] =	stream.indirect.scatter.add.f32 [tilespmem:s18], [sflag:$0x3], $0x80, s16, s17, $0xb8;
	[tilespmem:$0x1E180] =	vst v63  }
.Ltmp0:
0x5c: {  	_ = 	snop;
	(pc) =	sbr.rel @p0 .LBB2_2-.Ltmp0, $4  }
0x5d: {  	s7 =	sor.u32 s9, s7;
	_ =	swait.ge [sflag:s30], $0x3E80  }
0x5e: {  	s7 =	sshrl.u32 s7, $0x3;
	[sflag:s30] =	ssyncset.done $0x0  }
0x5f: {  	s1 =	sadd.s32 $0x100, s1;
	s7 =	sadd.s32 s6, s7;
	[sflag:s30] =	ssyncadd.s32 $0xFFFFC180  }
0x60: {  	[tilespmem:s19], [sflag:$0x6] =	stream.linear.gather [hbm4b:s7+s3], $0x80, $0x38;
	[tilespmem:$0x1E180] =	vst v63  }
0x61: {  	[tilespmem:s25], [sflag:$0x2] =	stream.indirect.gather [hbm4b:s5+s17], $0x80, s31, s17, $0xb8;
	[tilespmem:$0x1E180] =	vst v63  }
0x62: {  	_ =	swait.ge [sflag:s26], $0x3E80  }
0x63: {  	[sflag:s26] =	ssyncset.done $0x0  }
0x64: {  	[sflag:s26] =	ssyncadd.s32 $0xFFFFC180  }
0x65: {  	_ =	swait.ge [sflag:s28], $0x80  }
0x66: {  	[sflag:s28] =	ssyncset.done $0x0  }
0x67: {  	[sflag:s28] =	ssyncadd.s32 $0xFFFFFF80  }
0x68: {  	[spmem:s2] =	stream.indirect.scatter.add.f32 [tilespmem:s25], [sflag:$0x4], $0x80, s19, s17, $0xb8;
	[tilespmem:$0x1E180] =	vst v63  }
0x69: {  	_ =	swait.ge [sflag:s29], $0x3E80  }
0x6a: {  	[sflag:s29] =	ssyncset.done $0x0  }
0x6b: {  	[sflag:s29] =	ssyncadd.s32 $0xFFFFC180  }
0x6c: {  	[tilespmem:s16], [sflag:$0x5] =	stream.linear.gather [hbm4b:s11+s3], $0x80, $0x38;
	[tilespmem:$0x1E180] =	vst v63  }
0x6d: {  	s1 =	simm.s32 $0x2700  }
0x6e: {  	[tilespmem:s18], [sflag:$0x1] =	stream.indirect.gather [hbm4b:s5+s17], $0x80, s1, s17, $0xb8;
	[tilespmem:$0x1E180] =	vst v63  }
0x6f: {  	_ =	swait.ge [sflag:s22], $0x3E80  }
0x70: {  	[sflag:s22] =	ssyncset.done $0x0  }
0x71: {  	[sflag:s22] =	ssyncadd.s32 $0xFFFFC180  }
0x72: {  	_ =	swait.ge [sflag:s23], $0x80  }
0x73: {  	[sflag:s23] =	ssyncset.done $0x0  }
0x74: {  	[sflag:s23] =	ssyncadd.s32 $0xFFFFFF80  }
0x75: {  	[spmem:s2] =	stream.indirect.scatter.add.f32 [tilespmem:s18], [sflag:$0x3], $0x80, s16, s17, $0xb8;
	[tilespmem:$0x1E180] =	vst v63  }
0x76: {  	_ =	swait.ge [sflag:s30], $0x3E80  }
0x77: {  	[sflag:s30] =	ssyncset.done $0x0  }
0x78: {  	[sflag:s30] =	ssyncadd.s32 $0xFFFFC180  }
0x79: {  	[tilespmem:s19], [sflag:$0x6] =	stream.linear.gather [hbm4b:s12+s3], $0x80, $0x38;
	[tilespmem:$0x1E180] =	vst v63  }
0x7a: {  	s31 =	simm.s32 $0x2780  }
0x7b: {  	[tilespmem:s25], [sflag:$0x2] =	stream.indirect.gather [hbm4b:s5+s17], $0x80, s31, s17, $0xb8;
	[tilespmem:$0x1E180] =	vst v63  }
0x7c: {  	_ =	swait.ge [sflag:s26], $0x3E80  }
0x7d: {  	[sflag:s26] =	ssyncset.done $0x0  }
0x7e: {  	[sflag:s26] =	ssyncadd.s32 $0xFFFFC180  }
0x7f: {  	_ =	swait.ge [sflag:s28], $0x80  }
0x80: {  	[sflag:s28] =	ssyncset.done $0x0  }
0x81: {  	[sflag:s28] =	ssyncadd.s32 $0xFFFFFF80  }
0x82: {  	[spmem:s2] =	stream.indirect.scatter.add.f32 [tilespmem:s25], [sflag:$0x4], $0x80, s19, s17, $0xb8;
	[tilespmem:$0x1E180] =	vst v63  }
0x83: {  	_ =	swait.ge [sflag:s29], $0x3E80  }
0x84: {  	[sflag:s29] =	ssyncset.done $0x0  }
0x85: {  	[sflag:s29] =	ssyncadd.s32 $0xFFFFC180  }
0x86: {  	_ =	swait.ge [sflag:s30], $0x3E80  }
0x87: {  	s0 =	sadd.s32 $0x1, s0;
	[sflag:s30] =	ssyncset.done $0x0  }
0x88: {  	p0 =	sne.s32 s0, s14;
	[sflag:s30] =	ssyncadd.s32 $0xFFFFC180  }
.Ltmp1:
0x89: {  	[bflag:$0x0] =	sbarrier.arrive $0xFFFF;
	(pc) =	sbr.rel @p0 .LBB2_1-.Ltmp1, $4  }
0x8a: {  	[hbm:s13], [sflag:s20] =	dma.local [spmem:s21], $0x2710  }
0x8b: {  	_ =	swait.ge [sflag:s15], $0x2710  }
0x8c: {  	[sflag:s15] =	ssyncset.done $0x0  }
0x8d: {  	[sflag:s15] =	ssyncadd.s32 $0xFFFFD8F0  }
0x8e: {  	_ =	sfence.sel $0x180000  }
0x8f: {  	[bflag:$0x0] =	sbarrier.arrive $0xFFFF  }
0x90: {  	_ =	strace $0x90000050  }
0x91: {  	s0 =	stileid.u32;
	[bflag:$0x2] =	sbarrier.arrive $0xFFFF  }
0x92: {  	p0 =	sne.s32 s0, $0x0;
	s0 =	rddreg [dreg:$0x2]  }
0x93: {  	s0 =	sadd.s32 @!p0 $0x100000, s0  }
0x94: {  	[sflag:s0] =	ssyncadd.tile.s32 @!p0 $0x1;
	_ =	shalt  }
.Lfunc_end2:
_tile_overlayer_lowered:
.L_overlay_start_2:
0x95: {  	(tag) =	ssettag $0x2  }
0x96: {  	s0 =	rddreg [dreg:$0x0];
	s2 =	stileid.u32  }
0x97: {  	s1 =	rddreg [dreg:$0x1];
	p0 =	sne.s32 s2, $0x0  }
0x98: {  	s3 =	rddreg [dreg:$0x2];
	[bflag:$0x3] =	sbarrier.arrive $0xFFFF;
	s2 =	simm.s32 @!p0 $0x1C07  }
0x99: {  	[timem:s3], [sflag:s2] =	dma.local @!p0 [hbm:s0], s1  }
0x9a: {  	s0 =	simm.s32 @!p0 $0x7  }
0x9b: {  	_ =	swait.ge @!p0 [sflag:s0], s1  }
0x9c: {  	s1 =	ssub.s32 @!p0 $0x0, s1;
	[sflag:s0] =	ssyncset.done @!p0 $0x0  }
0x9d: {  	[sflag:s0] =	ssyncadd.s32 @!p0 s1  }
0x9e: {  	[bflag:$0x3] =	sbarrier.arrive $0xFFFF  }
0x9f: {  	_ =	shalt  }

</sc_bundles>
